<compile_context>
chip_gen: v7x
topology: tpu7x:2x2x1
jax: 0.10.2.dev20260603
libtpu: 0.0.44.dev20260713+nightly
codegen_flags: <defaults>
</compile_context>

<pallas_src>
import functools

import jax
import jax.numpy as jnp
from jax import lax
from jax.experimental import pallas as pl
from jax.experimental.pallas import tpu as pltpu
from jax.experimental.pallas import tpu_sc as plsc

LANES = 16
NSUB = 16
NCORES = 2
CHUNK = 80


@functools.lru_cache(maxsize=None)
def _make_agg(N, E, DH):
    assert N % 8 == 0 and DH % LANES == 0 and CHUNK % LANES == 0
    edges_per_sub = E // NSUB
    assert E % NSUB == 0 and edges_per_sub % CHUNK == 0
    n_chunks = edges_per_sub // CHUNK
    rows_a = (N // NSUB) // 8 * 8
    rows_last = N - (NSUB - 1) * rows_a
    mesh = plsc.VectorSubcoreMesh(core_axis_name="c", subcore_axis_name="s")

    @functools.partial(
        pl.kernel,
        out_type=jax.ShapeDtypeStruct((NCORES * N, DH), jnp.float32),
        mesh=mesh,
        scratch_types=[
            pltpu.VMEM((2, CHUNK), jnp.int32),
            pltpu.VMEM((4, CHUNK), jnp.int32),
            pltpu.VMEM((2, CHUNK), jnp.int32),
            pltpu.VMEM((2, CHUNK, DH), jnp.float32),
            pltpu.VMEM((2, CHUNK, DH), jnp.float32),
            pltpu.VMEM_SHARED((N, DH), jnp.float32),
            [pltpu.SemaphoreType.DMA] * 2,
            [pltpu.SemaphoreType.DMA] * 2,
            [pltpu.SemaphoreType.DMA] * 2,
            [pltpu.SemaphoreType.DMA] * 2,
            [pltpu.SemaphoreType.DMA] * 2,
        ],
    )
    def agg_kernel(xh, src_h, dst_h, ea_h, zeros_h, out_h,
                   srcr, dstr, xidx, xbuf, eabuf, aggs,
                   semsrc, semdst, semx, seme, sems):
        c = lax.axis_index("c")
        s = lax.axis_index("s")
        r0 = pl.multiple_of(s * rows_a, 8)
        o0 = pl.multiple_of(c * N + s * rows_a, 8)
        e_base = pl.multiple_of(s * edges_per_sub, 8)

        @pl.when(s < NSUB - 1)
        def _():
            pltpu.sync_copy(zeros_h.at[pl.ds(0, rows_a)],
                            aggs.at[pl.ds(r0, rows_a)])

        @pl.when(s == NSUB - 1)
        def _():
            pltpu.sync_copy(zeros_h, aggs.at[pl.ds((NSUB - 1) * rows_a, rows_last)])

        plsc.subcore_barrier()

        def fire_idx_loads(t, s2, d4):
            pltpu.async_copy(src_h.at[pl.ds(e_base + t * CHUNK, CHUNK)],
                             srcr.at[s2], semsrc[s2])
            pltpu.async_copy(dst_h.at[pl.ds(e_base + t * CHUNK, CHUNK)],
                             dstr.at[d4], semdst[s2])

        def wait_idx_loads(t, s2, d4):
            pltpu.make_async_copy(src_h.at[pl.ds(e_base + t * CHUNK, CHUNK)],
                                  srcr.at[s2], semsrc[s2]).wait()
            pltpu.make_async_copy(dst_h.at[pl.ds(e_base + t * CHUNK, CHUNK)],
                                  dstr.at[d4], semdst[s2]).wait()

        col0 = pl.multiple_of(c * DH, DH)

        def build_and_fire(t, b2):
            for j in range(CHUNK // LANES):
                sl = pl.ds(j * LANES, LANES)
                xidx[b2, sl] = srcr[b2, sl] * 2 + c
            pltpu.async_copy(xh.at[xidx.at[b2]], xbuf.at[b2], semx[b2])
            pltpu.async_copy(
                ea_h.at[pl.ds(e_base + t * CHUNK, CHUNK), pl.ds(col0, DH)],
                eabuf.at[b2], seme[b2])

        def wait_gathers(t, b2):
            pltpu.make_async_copy(xh.at[xidx.at[b2]], xbuf.at[b2], semx[b2]).wait()
            pltpu.make_async_copy(
                ea_h.at[pl.ds(e_base + t * CHUNK, CHUNK), pl.ds(col0, DH)],
                eabuf.at[b2], seme[b2]).wait()

        def wait_scatter(b2, d4):
            pltpu.make_async_copy(eabuf.at[b2], aggs.at[dstr.at[d4]],
                                  sems[b2]).wait()

        fire_idx_loads(0, 0, 0)
        fire_idx_loads(1, 1, 1)
        wait_idx_loads(0, 0, 0)
        build_and_fire(0, 0)

        @pl.loop(0, n_chunks + 3, step=4)
        def _quad(t0):
            for qq in range(4):
                t = t0 + qq
                b2 = qq % 2
                d4 = qq

                @pl.when(t + 2 < n_chunks)
                def _():
                    fire_idx_loads(t + 2, b2, (d4 + 2) % 4)

                @pl.when((t >= 1) & (t < n_chunks))
                def _():
                    wait_scatter(1 - b2, (d4 + 3) % 4)

                @pl.when(t + 1 < n_chunks)
                def _():
                    wait_idx_loads(t + 1, 1 - b2, (d4 + 1) % 4)
                    build_and_fire(t + 1, 1 - b2)

                @pl.when(t < n_chunks)
                def _():
                    wait_gathers(t, b2)

                    @pl.loop(0, CHUNK)
                    def _rows(r):
                        for j in range(DH // LANES):
                            sl = pl.ds(j * LANES, LANES)
                            eabuf[b2, r, sl] = jnp.maximum(
                                xbuf[b2, r, sl] + eabuf[b2, r, sl], 0.0)

                    pltpu.async_copy(eabuf.at[b2], aggs.at[dstr.at[d4]],
                                     sems[b2], add=True)

        wait_scatter((n_chunks - 1) % 2, (n_chunks - 1) % 4)
        plsc.subcore_barrier()

        @pl.when(s < NSUB - 1)
        def _():
            pltpu.sync_copy(aggs.at[pl.ds(r0, rows_a)],
                            out_h.at[pl.ds(o0, rows_a)])

        @pl.when(s == NSUB - 1)
        def _():
            pltpu.sync_copy(
                aggs.at[pl.ds((NSUB - 1) * rows_a, rows_last)],
                out_h.at[pl.ds(pl.multiple_of(c * N, 8) + (NSUB - 1) * rows_a,
                               rows_last)])

    return agg_kernel


def _mlp_body(eps_ref, x_ref, a0_ref, a1_ref, w1_ref, b1_ref, w2_ref, b2_ref, o_ref):
    agg = jnp.concatenate([a0_ref[...], a1_ref[...]], axis=1)
    h = x_ref[...] * (1.0 + eps_ref[0, 0]) + agg
    h = jnp.maximum(jnp.dot(h, w1_ref[...], preferred_element_type=jnp.float32)
                    + b1_ref[...], 0.0)
    h = jnp.dot(h, w2_ref[...], preferred_element_type=jnp.float32) + b2_ref[...]
    o_ref[...] = jnp.maximum(h, 0.0)


@functools.lru_cache(maxsize=None)
def _make_mlp(N, D, BN):
    DH = D // 2
    nb = N // BN
    assert N % BN == 0
    return pl.pallas_call(
        _mlp_body,
        grid=(nb,),
        in_specs=[
            pl.BlockSpec(memory_space=pltpu.SMEM),
            pl.BlockSpec((BN, D), lambda i: (i, 0)),
            pl.BlockSpec((BN, DH), lambda i: (i, 0)),
            pl.BlockSpec((BN, DH), lambda i: (i + nb, 0)),
            pl.BlockSpec((D, D), lambda i: (0, 0)),
            pl.BlockSpec((1, D), lambda i: (0, 0)),
            pl.BlockSpec((D, D), lambda i: (0, 0)),
            pl.BlockSpec((1, D), lambda i: (0, 0)),
        ],
        out_specs=pl.BlockSpec((BN, D), lambda i: (i, 0)),
        out_shape=jax.ShapeDtypeStruct((N, D), jnp.float32),
    )


def kernel(x, edge_index, edge_attr, W1, b1, W2, b2, eps):
    N, D = x.shape
    E = edge_index.shape[1]
    DH = D // 2
    xh = x.reshape(N * 2, DH)
    src = edge_index[0]
    dst = edge_index[1]
    rows_last = N - (NSUB - 1) * ((N // NSUB) // 8 * 8)
    zeros = jnp.zeros((rows_last, DH), jnp.float32)
    aggflat = _make_agg(N, E, DH)(xh, src, dst, edge_attr, zeros)

    li = W1.shape[0] - 1
    out = _make_mlp(N, D, 1000)(
        eps[li].reshape(1, 1), x, aggflat, aggflat,
        W1[li], b1[li].reshape(1, D), W2[li], b2[li].reshape(1, D))
    return out

# --- scband reference (transcript-rebuilt; emitter-appended) ---
"""Pipeline reference for scband-gnnmodule-51376398795216 (READ-ONLY COPY).

The authoritative reference and input builder live on the scoring server;
editing this copy changes nothing except your own understanding.
"""

import jax, jax.numpy as jnp
import numpy as np

N = 10000
E = 160000
D = 256
L = 5

def setup_inputs(seed: int = 0) -> dict:
    key = jax.random.key(seed)
    ks = jax.random.split(key, 8)
    x = jax.random.normal(ks[0], (N, D), dtype=jnp.float32)
    edge_index = jax.random.randint(ks[1], (2, E), 0, N, dtype=jnp.int32)
    edge_attr = jax.random.normal(ks[2], (E, D), dtype=jnp.float32)
    # GINEConv MLP params per layer: Linear(D,D) -> ReLU -> Linear(D,D), plus learnable eps
    W1 = jax.random.normal(ks[3], (L, D, D), dtype=jnp.float32) * 0.05
    b1 = jnp.zeros((L, D), dtype=jnp.float32)
    W2 = jax.random.normal(ks[4], (L, D, D), dtype=jnp.float32) * 0.05
    b2 = jnp.zeros((L, D), dtype=jnp.float32)
    eps = jnp.zeros((L,), dtype=jnp.float32)  # train_eps=True, init 0
    return {"x": x, "edge_index": edge_index, "edge_attr": edge_attr,
            "W1": W1, "b1": b1, "W2": W2, "b2": b2, "eps": eps}

def reference(x, edge_index, edge_attr, W1, b1, W2, b2, eps):
    # Faithful to the original forward: x is RE-READ from the graph at every
    # layer iteration, so each GINEConv layer operates on the ORIGINAL x and
    # only the final layer's output is returned. Dropout omitted (eval mode)
    # for determinism.
    n = x.shape[0]
    src = edge_index[0]
    dst = edge_index[1]
    out = x
    for i in range(L):
        # GINEConv message: relu(x_j + edge_attr), aggregated by sum at dst
        msg = jax.nn.relu(x[src] + edge_attr)
        agg = jnp.zeros((n, x.shape[1]), dtype=x.dtype).at[dst].add(msg)
        h = (1.0 + eps[i]) * x + agg
        # MLP: Linear -> ReLU -> Linear
        h = jax.nn.relu(h @ W1[i] + b1[i])
        h = h @ W2[i] + b2[i]
        # outer relu from the module's forward
        out = jax.nn.relu(h)
    return out

if __name__ == "__main__":
    import jax
    _d = setup_inputs()
    print(jax.jit(kernel)(*tuple(_d.values())))

</pallas_src>

<mosaic_0001>
#map = affine_map<(d0, d1) -> (0, 0)>
#map1 = affine_map<(d0, d1) -> (0)>
module attributes {stable_mosaic.version = 14 : i64} {
  func.func @agg_kernel(%arg0: i32, %arg1: i32, %arg2: memref<20000x128xf32, #tpu.memory_space<hbm>>, %arg3: memref<160000xi32, #tpu.memory_space<hbm>>, %arg4: memref<160000xi32, #tpu.memory_space<hbm>>, %arg5: memref<160000x256xf32, #tpu.memory_space<hbm>>, %arg6: memref<640x128xf32, #tpu.memory_space<hbm>>, %arg7: memref<20000x128xf32, #tpu.memory_space<hbm>>, %arg8: memref<2x80xi32, #tpu.memory_space<vmem>>, %arg9: memref<4x80xi32, #tpu.memory_space<vmem>>, %arg10: memref<2x80xi32, #tpu.memory_space<vmem>>, %arg11: memref<2x80x128xf32, #tpu.memory_space<vmem>>, %arg12: memref<2x80x128xf32, #tpu.memory_space<vmem>>, %arg13: memref<10000x128xf32, #tpu.memory_space<vmem_shared>>, %arg14: memref<!tpu.dma_semaphore, #tpu.memory_space<semaphore_mem>>, %arg15: memref<!tpu.dma_semaphore, #tpu.memory_space<semaphore_mem>>, %arg16: memref<!tpu.dma_semaphore, #tpu.memory_space<semaphore_mem>>, %arg17: memref<!tpu.dma_semaphore, #tpu.memory_space<semaphore_mem>>, %arg18: memref<!tpu.dma_semaphore, #tpu.memory_space<semaphore_mem>>, %arg19: memref<!tpu.dma_semaphore, #tpu.memory_space<semaphore_mem>>, %arg20: memref<!tpu.dma_semaphore, #tpu.memory_space<semaphore_mem>>, %arg21: memref<!tpu.dma_semaphore, #tpu.memory_space<semaphore_mem>>, %arg22: memref<!tpu.dma_semaphore, #tpu.memory_space<semaphore_mem>>, %arg23: memref<!tpu.dma_semaphore, #tpu.memory_space<semaphore_mem>>) attributes {dimension_semantics = [#tpu.dimension_semantics<core_parallel>, #tpu.dimension_semantics<subcore_parallel>], iteration_bounds = array<i64: 2, 16>, scalar_prefetch = 0 : i64, scratch_operands = 16 : i64, tpu.core_type = #tpu.core_type<sc_vector_subcore>, window_params = [{transform_indices = #map}, {transform_indices = #map1}, {transform_indices = #map1}, {transform_indices = #map}, {transform_indices = #map}, {transform_indices = #map}]} {
    %mul3A = arith.constant 624 : i32
    %mul3A_0 = arith.muli %arg1, %mul3A : i32
    %multiple_of3A = tpu.assume_multiple %mul3A_0, 8 : i32
    %mul3A_1 = arith.constant 10000 : i32
    %mul3A_2 = arith.muli %arg0, %mul3A_1 : i32
    %mul3A_3 = arith.constant 624 : i32
    %mul3A_4 = arith.muli %arg1, %mul3A_3 : i32
    %add3A = arith.addi %mul3A_2, %mul3A_4 : i32
    %multiple_of3A_5 = tpu.assume_multiple %add3A, 8 : i32
    %mul3A_6 = arith.constant 10000 : i32
    %mul3A_7 = arith.muli %arg1, %mul3A_6 : i32
    %multiple_of3A_8 = tpu.assume_multiple %mul3A_7, 8 : i32
    %lt3A = arith.constant 15 : i32
    %lt3A_9 = arith.cmpi slt, %arg1, %lt3A : i32
    %convert_element_type3A = arith.extui %lt3A_9 : i1 to i32
    %cond3A = arith.constant 0 : i32
    %cond3A_10 = arith.cmpi ne, %convert_element_type3A, %cond3A : i32
    scf.if %cond3A_10 {
      "tpu.region"() ({
        %run_scoped3A = tpu.sem_alloc : memref<!tpu.dma_semaphore, #tpu.memory_space<semaphore_mem>>
        %dma_start3A_212 = arith.constant 0 : i32
        %dma_start3A_213 = tpu.memref_slice %arg13[%multiple_of3A, %dma_start3A_212] : memref<10000x128xf32, #tpu.memory_space<vmem_shared>> -> memref<624x128xf32, #tpu.memory_space<vmem_shared>>
        %dma_start3A_214 = arith.constant 0 : i32
        %dma_start3A_215 = arith.constant 0 : i32
        %dma_start3A_216 = tpu.memref_slice %arg6[%dma_start3A_214, %dma_start3A_215] : memref<640x128xf32, #tpu.memory_space<hbm>> -> memref<624x128xf32, #tpu.memory_space<hbm>>
        tpu.enqueue_dma source(%dma_start3A_216 : memref<624x128xf32, #tpu.memory_space<hbm>>) target(%dma_start3A_213 : memref<624x128xf32, #tpu.memory_space<vmem_shared>>) target_semaphore(%run_scoped3A : memref<!tpu.dma_semaphore, #tpu.memory_space<semaphore_mem>>)
        %dma_wait3A_217 = arith.constant 0 : i32
        %dma_wait3A_218 = tpu.memref_slice %arg13[%multiple_of3A, %dma_wait3A_217] : memref<10000x128xf32, #tpu.memory_space<vmem_shared>> -> memref<624x128xf32, #tpu.memory_space<vmem_shared>>
        %dma_wait3A_219 = arith.constant 0 : i32
        %dma_wait3A_220 = arith.constant 0 : i32
        %dma_wait3A_221 = tpu.memref_slice %arg6[%dma_wait3A_219, %dma_wait3A_220] : memref<640x128xf32, #tpu.memory_space<hbm>> -> memref<624x128xf32, #tpu.memory_space<hbm>>
        tpu.wait_dma2 semaphore(%run_scoped3A : memref<!tpu.dma_semaphore, #tpu.memory_space<semaphore_mem>>) src(%dma_wait3A_221 : memref<624x128xf32, #tpu.memory_space<hbm>>) dst(%dma_wait3A_218 : memref<624x128xf32, #tpu.memory_space<vmem_shared>>)
        tpu.yield
      }) : () -> ()
    } else {
    }
    %eq3A = arith.constant 15 : i32
    %eq3A_11 = arith.cmpi eq, %arg1, %eq3A : i32
    %convert_element_type3A_12 = arith.extui %eq3A_11 : i1 to i32
    %cond3A_13 = arith.constant 0 : i32
    %cond3A_14 = arith.cmpi ne, %convert_element_type3A_12, %cond3A_13 : i32
    scf.if %cond3A_14 {
      "tpu.region"() ({
        %run_scoped3A = tpu.sem_alloc : memref<!tpu.dma_semaphore, #tpu.memory_space<semaphore_mem>>
        %dma_start3A_212 = arith.constant 9360 : i32
        %dma_start3A_213 = arith.constant 0 : i32
        %dma_start3A_214 = tpu.memref_slice %arg13[%dma_start3A_212, %dma_start3A_213] : memref<10000x128xf32, #tpu.memory_space<vmem_shared>> -> memref<640x128xf32, #tpu.memory_space<vmem_shared>>
        tpu.enqueue_dma source(%arg6 : memref<640x128xf32, #tpu.memory_space<hbm>>) target(%dma_start3A_214 : memref<640x128xf32, #tpu.memory_space<vmem_shared>>) target_semaphore(%run_scoped3A : memref<!tpu.dma_semaphore, #tpu.memory_space<semaphore_mem>>)
        %dma_wait3A_215 = arith.constant 9360 : i32
        %dma_wait3A_216 = arith.constant 0 : i32
        %dma_wait3A_217 = tpu.memref_slice %arg13[%dma_wait3A_215, %dma_wait3A_216] : memref<10000x128xf32, #tpu.memory_space<vmem_shared>> -> memref<640x128xf32, #tpu.memory_space<vmem_shared>>
        tpu.wait_dma2 semaphore(%run_scoped3A : memref<!tpu.dma_semaphore, #tpu.memory_space<semaphore_mem>>) src(%arg6 : memref<640x128xf32, #tpu.memory_space<hbm>>) dst(%dma_wait3A_217 : memref<640x128xf32, #tpu.memory_space<vmem_shared>>)
        tpu.yield
      }) : () -> ()
    } else {
    }
    %barrier3A = arith.constant 0 : index
    tpu.barrier barrier_id(%barrier3A)
    %mul3A_15 = arith.constant 128 : i32
    %mul3A_16 = arith.muli %arg0, %mul3A_15 : i32
    %multiple_of3A_17 = tpu.assume_multiple %mul3A_16, 128 : i32
    %add3A_18 = arith.constant 0 : i32
    %add3A_19 = arith.addi %multiple_of3A_8, %add3A_18 : i32
    %dma_start3A = arith.constant 0 : i32
    %dma_start3A_20 = arith.constant 0 : i32
    %dma_start3A_21 = tpu.memref_slice %arg8[%dma_start3A, %dma_start3A_20] : memref<2x80xi32, #tpu.memory_space<vmem>> -> memref<1x80xi32, #tpu.memory_space<vmem>>
    %dma_start3A_22 = tpu.memref_squeeze %dma_start3A_21 : memref<1x80xi32, #tpu.memory_space<vmem>> -> memref<80xi32, #tpu.memory_space<vmem>>
    %dma_start3A_23 = tpu.memref_slice %arg3[%add3A_19] : memref<160000xi32, #tpu.memory_space<hbm>> -> memref<80xi32, #tpu.memory_space<hbm>>
    %dma_start3A_24 = arith.constant 0 : i32
    %dma_start3A_25 = tpu.memref_slice %arg8[%dma_start3A, %dma_start3A_24] : memref<2x80xi32, #tpu.memory_space<vmem>> -> memref<1x80xi32, #tpu.memory_space<vmem>>
    %dma_start3A_26 = tpu.memref_squeeze %dma_start3A_25 : memref<1x80xi32, #tpu.memory_space<vmem>> -> memref<80xi32, #tpu.memory_space<vmem>>
    %dma_start3A_27 = tpu.memref_slice %arg3[%add3A_19] : memref<160000xi32, #tpu.memory_space<hbm>> -> memref<80xi32, #tpu.memory_space<hbm>>
    tpu.enqueue_dma source(%dma_start3A_27 : memref<80xi32, #tpu.memory_space<hbm>>) target(%dma_start3A_26 : memref<80xi32, #tpu.memory_space<vmem>>) target_semaphore(%arg14 : memref<!tpu.dma_semaphore, #tpu.memory_space<semaphore_mem>>)
    %add3A_28 = arith.constant 0 : i32
    %add3A_29 = arith.addi %multiple_of3A_8, %add3A_28 : i32
    %dma_start3A_30 = arith.constant 0 : i32
    %dma_start3A_31 = arith.constant 0 : i32
    %dma_start3A_32 = tpu.memref_slice %arg9[%dma_start3A_30, %dma_start3A_31] : memref<4x80xi32, #tpu.memory_space<vmem>> -> memref<1x80xi32, #tpu.memory_space<vmem>>
    %dma_start3A_33 = tpu.memref_squeeze %dma_start3A_32 : memref<1x80xi32, #tpu.memory_space<vmem>> -> memref<80xi32, #tpu.memory_space<vmem>>
    %dma_start3A_34 = tpu.memref_slice %arg4[%add3A_29] : memref<160000xi32, #tpu.memory_space<hbm>> -> memref<80xi32, #tpu.memory_space<hbm>>
    %dma_start3A_35 = arith.constant 0 : i32
    %dma_start3A_36 = tpu.memref_slice %arg9[%dma_start3A_30, %dma_start3A_35] : memref<4x80xi32, #tpu.memory_space<vmem>> -> memref<1x80xi32, #tpu.memory_space<vmem>>
    %dma_start3A_37 = tpu.memref_squeeze %dma_start3A_36 : memref<1x80xi32, #tpu.memory_space<vmem>> -> memref<80xi32, #tpu.memory_space<vmem>>
    %dma_start3A_38 = tpu.memref_slice %arg4[%add3A_29] : memref<160000xi32, #tpu.memory_space<hbm>> -> memref<80xi32, #tpu.memory_space<hbm>>
    tpu.enqueue_dma source(%dma_start3A_38 : memref<80xi32, #tpu.memory_space<hbm>>) target(%dma_start3A_37 : memref<80xi32, #tpu.memory_space<vmem>>) target_semaphore(%arg16 : memref<!tpu.dma_semaphore, #tpu.memory_space<semaphore_mem>>)
    %add3A_39 = arith.constant 80 : i32
    %add3A_40 = arith.addi %multiple_of3A_8, %add3A_39 : i32
    %dma_start3A_41 = arith.constant 1 : i32
    %dma_start3A_42 = arith.constant 0 : i32
    %dma_start3A_43 = tpu.memref_slice %arg8[%dma_start3A_41, %dma_start3A_42] : memref<2x80xi32, #tpu.memory_space<vmem>> -> memref<1x80xi32, #tpu.memory_space<vmem>>
    %dma_start3A_44 = tpu.memref_squeeze %dma_start3A_43 : memref<1x80xi32, #tpu.memory_space<vmem>> -> memref<80xi32, #tpu.memory_space<vmem>>
    %dma_start3A_45 = tpu.memref_slice %arg3[%add3A_40] : memref<160000xi32, #tpu.memory_space<hbm>> -> memref<80xi32, #tpu.memory_space<hbm>>
    %dma_start3A_46 = arith.constant 0 : i32
    %dma_start3A_47 = tpu.memref_slice %arg8[%dma_start3A_41, %dma_start3A_46] : memref<2x80xi32, #tpu.memory_space<vmem>> -> memref<1x80xi32, #tpu.memory_space<vmem>>
    %dma_start3A_48 = tpu.memref_squeeze %dma_start3A_47 : memref<1x80xi32, #tpu.memory_space<vmem>> -> memref<80xi32, #tpu.memory_space<vmem>>
    %dma_start3A_49 = tpu.memref_slice %arg3[%add3A_40] : memref<160000xi32, #tpu.memory_space<hbm>> -> memref<80xi32, #tpu.memory_space<hbm>>
    tpu.enqueue_dma source(%dma_start3A_49 : memref<80xi32, #tpu.memory_space<hbm>>) target(%dma_start3A_48 : memref<80xi32, #tpu.memory_space<vmem>>) target_semaphore(%arg15 : memref<!tpu.dma_semaphore, #tpu.memory_space<semaphore_mem>>)
    %add3A_50 = arith.constant 80 : i32
    %add3A_51 = arith.addi %multiple_of3A_8, %add3A_50 : i32
    %dma_start3A_52 = arith.constant 1 : i32
    %dma_start3A_53 = arith.constant 0 : i32
    %dma_start3A_54 = tpu.memref_slice %arg9[%dma_start3A_52, %dma_start3A_53] : memref<4x80xi32, #tpu.memory_space<vmem>> -> memref<1x80xi32, #tpu.memory_space<vmem>>
    %dma_start3A_55 = tpu.memref_squeeze %dma_start3A_54 : memref<1x80xi32, #tpu.memory_space<vmem>> -> memref<80xi32, #tpu.memory_space<vmem>>
    %dma_start3A_56 = tpu.memref_slice %arg4[%add3A_51] : memref<160000xi32, #tpu.memory_space<hbm>> -> memref<80xi32, #tpu.memory_space<hbm>>
    %dma_start3A_57 = arith.constant 0 : i32
    %dma_start3A_58 = tpu.memref_slice %arg9[%dma_start3A_52, %dma_start3A_57] : memref<4x80xi32, #tpu.memory_space<vmem>> -> memref<1x80xi32, #tpu.memory_space<vmem>>
    %dma_start3A_59 = tpu.memref_squeeze %dma_start3A_58 : memref<1x80xi32, #tpu.memory_space<vmem>> -> memref<80xi32, #tpu.memory_space<vmem>>
    %dma_start3A_60 = tpu.memref_slice %arg4[%add3A_51] : memref<160000xi32, #tpu.memory_space<hbm>> -> memref<80xi32, #tpu.memory_space<hbm>>
    tpu.enqueue_dma source(%dma_start3A_60 : memref<80xi32, #tpu.memory_space<hbm>>) target(%dma_start3A_59 : memref<80xi32, #tpu.memory_space<vmem>>) target_semaphore(%arg17 : memref<!tpu.dma_semaphore, #tpu.memory_space<semaphore_mem>>)
    %add3A_61 = arith.constant 0 : i32
    %add3A_62 = arith.addi %multiple_of3A_8, %add3A_61 : i32
    %dma_wait3A = arith.constant 0 : i32
    %dma_wait3A_63 = arith.constant 0 : i32
    %dma_wait3A_64 = tpu.memref_slice %arg8[%dma_wait3A, %dma_wait3A_63] : memref<2x80xi32, #tpu.memory_space<vmem>> -> memref<1x80xi32, #tpu.memory_space<vmem>>
    %dma_wait3A_65 = tpu.memref_squeeze %dma_wait3A_64 : memref<1x80xi32, #tpu.memory_space<vmem>> -> memref<80xi32, #tpu.memory_space<vmem>>
    %dma_wait3A_66 = tpu.memref_slice %arg3[%add3A_62] : memref<160000xi32, #tpu.memory_space<hbm>> -> memref<80xi32, #tpu.memory_space<hbm>>
    %dma_wait3A_67 = arith.constant 0 : i32
    %dma_wait3A_68 = tpu.memref_slice %arg8[%dma_wait3A, %dma_wait3A_67] : memref<2x80xi32, #tpu.memory_space<vmem>> -> memref<1x80xi32, #tpu.memory_space<vmem>>
    %dma_wait3A_69 = tpu.memref_squeeze %dma_wait3A_68 : memref<1x80xi32, #tpu.memory_space<vmem>> -> memref<80xi32, #tpu.memory_space<vmem>>
    %dma_wait3A_70 = tpu.memref_slice %arg3[%add3A_62] : memref<160000xi32, #tpu.memory_space<hbm>> -> memref<80xi32, #tpu.memory_space<hbm>>
    tpu.wait_dma2 semaphore(%arg14 : memref<!tpu.dma_semaphore, #tpu.memory_space<semaphore_mem>>) src(%dma_wait3A_70 : memref<80xi32, #tpu.memory_space<hbm>>) dst(%dma_wait3A_69 : memref<80xi32, #tpu.memory_space<vmem>>)
    %add3A_71 = arith.constant 0 : i32
    %add3A_72 = arith.addi %multiple_of3A_8, %add3A_71 : i32
    %dma_wait3A_73 = arith.constant 0 : i32
    %dma_wait3A_74 = arith.constant 0 : i32
    %dma_wait3A_75 = tpu.memref_slice %arg9[%dma_wait3A_73, %dma_wait3A_74] : memref<4x80xi32, #tpu.memory_space<vmem>> -> memref<1x80xi32, #tpu.memory_space<vmem>>
    %dma_wait3A_76 = tpu.memref_squeeze %dma_wait3A_75 : memref<1x80xi32, #tpu.memory_space<vmem>> -> memref<80xi32, #tpu.memory_space<vmem>>
    %dma_wait3A_77 = tpu.memref_slice %arg4[%add3A_72] : memref<160000xi32, #tpu.memory_space<hbm>> -> memref<80xi32, #tpu.memory_space<hbm>>
    %dma_wait3A_78 = arith.constant 0 : i32
    %dma_wait3A_79 = tpu.memref_slice %arg9[%dma_wait3A_73, %dma_wait3A_78] : memref<4x80xi32, #tpu.memory_space<vmem>> -> memref<1x80xi32, #tpu.memory_space<vmem>>
    %dma_wait3A_80 = tpu.memref_squeeze %dma_wait3A_79 : memref<1x80xi32, #tpu.memory_space<vmem>> -> memref<80xi32, #tpu.memory_space<vmem>>
    %dma_wait3A_81 = tpu.memref_slice %arg4[%add3A_72] : memref<160000xi32, #tpu.memory_space<hbm>> -> memref<80xi32, #tpu.memory_space<hbm>>
    tpu.wait_dma2 semaphore(%arg16 : memref<!tpu.dma_semaphore, #tpu.memory_space<semaphore_mem>>) src(%dma_wait3A_81 : memref<80xi32, #tpu.memory_space<hbm>>) dst(%dma_wait3A_80 : memref<80xi32, #tpu.memory_space<vmem>>)
    %get3A = arith.constant 0 : i32
    %get3A_82 = arith.index_cast %get3A : i32 to index
    %get3A_83 = arith.constant 0 : index
    %get3A_84 = tpu.vector_load %arg8[%get3A_82, %get3A_83] {strides = array<i32>} : memref<2x80xi32, #tpu.memory_space<vmem>>, vector<1x16xi32>,
    %get3A_85 = vector.shape_cast %get3A_84 : vector<1x16xi32> to vector<16xi32>
    %mul3A_86 = arith.constant 2 : i32
    %mul3A_87 = vector.broadcast %mul3A_86 : i32 to vector<16xi32>
    %mul3A_88 = arith.muli %get3A_85, %mul3A_87 : vector<16xi32>
    %add3A_89 = vector.broadcast %arg0 : i32 to vector<16xi32>
    %add3A_90 = arith.addi %mul3A_88, %add3A_89 : vector<16xi32>
    %swap3A = arith.constant 0 : i32
    %swap3A_91 = arith.index_cast %swap3A : i32 to index
    %swap3A_92 = arith.constant 0 : index
    %swap3A_93 = tpu.vector_load %arg10[%swap3A_91, %swap3A_92] {strides = array<i32>} : memref<2x80xi32, #tpu.memory_space<vmem>>, vector<1x16xi32>,
    %swap3A_94 = vector.shape_cast %swap3A_93 : vector<1x16xi32> to vector<16xi32>
    %swap3A_95 = vector.shape_cast %add3A_90 : vector<16xi32> to vector<1x16xi32>
    tpu.vector_store %arg10[%swap3A_91, %swap3A_92], %swap3A_95 {strides = array<i32>} : memref<2x80xi32, #tpu.memory_space<vmem>>, vector<1x16xi32>,
    %get3A_96 = arith.constant 0 : i32
    %get3A_97 = arith.index_cast %get3A_96 : i32 to index
    %get3A_98 = arith.constant 16 : index
    %get3A_99 = tpu.vector_load %arg8[%get3A_97, %get3A_98] {strides = array<i32>} : memref<2x80xi32, #tpu.memory_space<vmem>>, vector<1x16xi32>,
    %get3A_100 = vector.shape_cast %get3A_99 : vector<1x16xi32> to vector<16xi32>
    %mul3A_101 = arith.constant 2 : i32
    %mul3A_102 = vector.broadcast %mul3A_101 : i32 to vector<16xi32>
    %mul3A_103 = arith.muli %get3A_100, %mul3A_102 : vector<16xi32>
    %add3A_104 = vector.broadcast %arg0 : i32 to vector<16xi32>
    %add3A_105 = arith.addi %mul3A_103, %add3A_104 : vector<16xi32>
    %swap3A_106 = arith.constant 0 : i32
    %swap3A_107 = arith.index_cast %swap3A_106 : i32 to index
    %swap3A_108 = arith.constant 16 : index
    %swap3A_109 = tpu.vector_load %arg10[%swap3A_107, %swap3A_108] {strides = array<i32>} : memref<2x80xi32, #tpu.memory_space<vmem>>, vector<1x16xi32>,
    %swap3A_110 = vector.shape_cast %swap3A_109 : vector<1x16xi32> to vector<16xi32>
    %swap3A_111 = vector.shape_cast %add3A_105 : vector<16xi32> to vector<1x16xi32>
    tpu.vector_store %arg10[%swap3A_107, %swap3A_108], %swap3A_111 {strides = array<i32>} : memref<2x80xi32, #tpu.memory_space<vmem>>, vector<1x16xi32>,
    %get3A_112 = arith.constant 0 : i32
    %get3A_113 = arith.index_cast %get3A_112 : i32 to index
    %get3A_114 = arith.constant 32 : index
    %get3A_115 = tpu.vector_load %arg8[%get3A_113, %get3A_114] {strides = array<i32>} : memref<2x80xi32, #tpu.memory_space<vmem>>, vector<1x16xi32>,
    %get3A_116 = vector.shape_cast %get3A_115 : vector<1x16xi32> to vector<16xi32>
    %mul3A_117 = arith.constant 2 : i32
    %mul3A_118 = vector.broadcast %mul3A_117 : i32 to vector<16xi32>
    %mul3A_119 = arith.muli %get3A_116, %mul3A_118 : vector<16xi32>
    %add3A_120 = vector.broadcast %arg0 : i32 to vector<16xi32>
    %add3A_121 = arith.addi %mul3A_119, %add3A_120 : vector<16xi32>
    %swap3A_122 = arith.constant 0 : i32
    %swap3A_123 = arith.index_cast %swap3A_122 : i32 to index
    %swap3A_124 = arith.constant 32 : index
    %swap3A_125 = tpu.vector_load %arg10[%swap3A_123, %swap3A_124] {strides = array<i32>} : memref<2x80xi32, #tpu.memory_space<vmem>>, vector<1x16xi32>,
    %swap3A_126 = vector.shape_cast %swap3A_125 : vector<1x16xi32> to vector<16xi32>
    %swap3A_127 = vector.shape_cast %add3A_121 : vector<16xi32> to vector<1x16xi32>
    tpu.vector_store %arg10[%swap3A_123, %swap3A_124], %swap3A_127 {strides = array<i32>} : memref<2x80xi32, #tpu.memory_space<vmem>>, vector<1x16xi32>,
    %get3A_128 = arith.constant 0 : i32
    %get3A_129 = arith.index_cast %get3A_128 : i32 to index
    %get3A_130 = arith.constant 48 : index
    %get3A_131 = tpu.vector_load %arg8[%get3A_129, %get3A_130] {strides = array<i32>} : memref<2x80xi32, #tpu.memory_space<vmem>>, vector<1x16xi32>,
    %get3A_132 = vector.shape_cast %get3A_131 : vector<1x16xi32> to vector<16xi32>
    %mul3A_133 = arith.constant 2 : i32
    %mul3A_134 = vector.broadcast %mul3A_133 : i32 to vector<16xi32>
    %mul3A_135 = arith.muli %get3A_132, %mul3A_134 : vector<16xi32>
    %add3A_136 = vector.broadcast %arg0 : i32 to vector<16xi32>
    %add3A_137 = arith.addi %mul3A_135, %add3A_136 : vector<16xi32>
    %swap3A_138 = arith.constant 0 : i32
    %swap3A_139 = arith.index_cast %swap3A_138 : i32 to index
    %swap3A_140 = arith.constant 48 : index
    %swap3A_141 = tpu.vector_load %arg10[%swap3A_139, %swap3A_140] {strides = array<i32>} : memref<2x80xi32, #tpu.memory_space<vmem>>, vector<1x16xi32>,
    %swap3A_142 = vector.shape_cast %swap3A_141 : vector<1x16xi32> to vector<16xi32>
    %swap3A_143 = vector.shape_cast %add3A_137 : vector<16xi32> to vector<1x16xi32>
    tpu.vector_store %arg10[%swap3A_139, %swap3A_140], %swap3A_143 {strides = array<i32>} : memref<2x80xi32, #tpu.memory_space<vmem>>, vector<1x16xi32>,
    %get3A_144 = arith.constant 0 : i32
    %get3A_145 = arith.index_cast %get3A_144 : i32 to index
    %get3A_146 = arith.constant 64 : index
    %get3A_147 = tpu.vector_load %arg8[%get3A_145, %get3A_146] {strides = array<i32>} : memref<2x80xi32, #tpu.memory_space<vmem>>, vector<1x16xi32>,
    %get3A_148 = vector.shape_cast %get3A_147 : vector<1x16xi32> to vector<16xi32>
    %mul3A_149 = arith.constant 2 : i32
    %mul3A_150 = vector.broadcast %mul3A_149 : i32 to vector<16xi32>
    %mul3A_151 = arith.muli %get3A_148, %mul3A_150 : vector<16xi32>
    %add3A_152 = vector.broadcast %arg0 : i32 to vector<16xi32>
    %add3A_153 = arith.addi %mul3A_151, %add3A_152 : vector<16xi32>
    %swap3A_154 = arith.constant 0 : i32
    %swap3A_155 = arith.index_cast %swap3A_154 : i32 to index
    %swap3A_156 = arith.constant 64 : index
    %swap3A_157 = tpu.vector_load %arg10[%swap3A_155, %swap3A_156] {strides = array<i32>} : memref<2x80xi32, #tpu.memory_space<vmem>>, vector<1x16xi32>,
    %swap3A_158 = vector.shape_cast %swap3A_157 : vector<1x16xi32> to vector<16xi32>
    %swap3A_159 = vector.shape_cast %add3A_153 : vector<16xi32> to vector<1x16xi32>
    tpu.vector_store %arg10[%swap3A_155, %swap3A_156], %swap3A_159 {strides = array<i32>} : memref<2x80xi32, #tpu.memory_space<vmem>>, vector<1x16xi32>,
    %dma_start3A_160 = arith.constant 0 : i32
    %dma_start3A_161 = arith.constant 0 : i32
    %dma_start3A_162 = arith.constant 0 : i32
    %dma_start3A_163 = arith.constant 0 : i32
    %dma_start3A_164 = tpu.memref_slice %arg11[%dma_start3A_161, %dma_start3A_162, %dma_start3A_163] : memref<2x80x128xf32, #tpu.memory_space<vmem>> -> memref<1x80x128xf32, #tpu.memory_space<vmem>>
    %dma_start3A_165 = tpu.memref_squeeze %dma_start3A_164 : memref<1x80x128xf32, #tpu.memory_space<vmem>> -> memref<80x128xf32, #tpu.memory_space<vmem>>
    %dma_start3A_166 = arith.constant 0 : i32
    %dma_start3A_167 = tpu.memref_slice %arg10[%dma_start3A_160, %dma_start3A_166] : memref<2x80xi32, #tpu.memory_space<vmem>> -> memref<1x80xi32, #tpu.memory_space<vmem>>
    %dma_start3A_168 = tpu.memref_squeeze %dma_start3A_167 : memref<1x80xi32, #tpu.memory_space<vmem>> -> memref<80xi32, #tpu.memory_space<vmem>>
    %dma_start3A_169 = arith.constant 0 : i32
    %dma_start3A_170 = arith.constant 0 : i32
    %dma_start3A_171 = tpu.memref_slice %arg2[%dma_start3A_169, %dma_start3A_170] : memref<20000x128xf32, #tpu.memory_space<hbm>> -> memref<20000x128xf32, #tpu.memory_space<hbm>>
    tpu.enqueue_indirect_dma source(%dma_start3A_171 : memref<20000x128xf32, #tpu.memory_space<hbm>>) target(%dma_start3A_165 : memref<80x128xf32, #tpu.memory_space<vmem>>) offsets(%dma_start3A_168 : memref<80xi32, #tpu.memory_space<vmem>>) semaphore(%arg18 : memref<!tpu.dma_semaphore, #tpu.memory_space<semaphore_mem>>)
    %add3A_172 = arith.constant 0 : i32
    %add3A_173 = arith.addi %multiple_of3A_8, %add3A_172 : i32
    %dma_start3A_174 = arith.constant 0 : i32
    %dma_start3A_175 = arith.constant 0 : i32
    %dma_start3A_176 = arith.constant 0 : i32
    %dma_start3A_177 = tpu.memref_slice %arg12[%dma_start3A_174, %dma_start3A_175, %dma_start3A_176] : memref<2x80x128xf32, #tpu.memory_space<vmem>> -> memref<1x80x128xf32, #tpu.memory_space<vmem>>
    %dma_start3A_178 = tpu.memref_squeeze %dma_start3A_177 : memref<1x80x128xf32, #tpu.memory_space<vmem>> -> memref<80x128xf32, #tpu.memory_space<vmem>>
    %dma_start3A_179 = tpu.memref_slice %arg5[%add3A_173, %multiple_of3A_17] : memref<160000x256xf32, #tpu.memory_space<hbm>> -> memref<80x128xf32, #tpu.memory_space<hbm>>
    %dma_start3A_180 = arith.constant 0 : i32
    %dma_start3A_181 = arith.constant 0 : i32
    %dma_start3A_182 = tpu.memref_slice %arg12[%dma_start3A_174, %dma_start3A_180, %dma_start3A_181] : memref<2x80x128xf32, #tpu.memory_space<vmem>> -> memref<1x80x128xf32, #tpu.memory_space<vmem>>
    %dma_start3A_183 = tpu.memref_squeeze %dma_start3A_182 : memref<1x80x128xf32, #tpu.memory_space<vmem>> -> memref<80x128xf32, #tpu.memory_space<vmem>>
    %dma_start3A_184 = tpu.memref_slice %arg5[%add3A_173, %multiple_of3A_17] : memref<160000x256xf32, #tpu.memory_space<hbm>> -> memref<80x128xf32, #tpu.memory_space<hbm>>
    tpu.enqueue_dma source(%dma_start3A_184 : memref<80x128xf32, #tpu.memory_space<hbm>>) target(%dma_start3A_183 : memref<80x128xf32, #tpu.memory_space<vmem>>) target_semaphore(%arg20 : memref<!tpu.dma_semaphore, #tpu.memory_space<semaphore_mem>>)
    %scan3A = arith.constant 0 : i32
    %scan3A_185 = arith.constant 32 : i32
    %scan3A_186 = arith.addi %scan3A, %scan3A_185 : i32
    %scan3A_187 = arith.constant 1 : i32
    scf.for %scan3A_212 = %scan3A to %scan3A_186 step %scan3A_187  : i32 {
      %mul3A_213 = arith.constant 4 : i32
      %mul3A_214 = arith.muli %scan3A_212, %mul3A_213 : i32
      %add3A_215 = arith.constant 0 : i32
      %add3A_216 = arith.addi %add3A_215, %mul3A_214 : i32
      %add3A_217 = arith.constant 0 : i32
      %add3A_218 = arith.addi %add3A_216, %add3A_217 : i32
      %add3A_219 = arith.constant 2 : i32
      %add3A_220 = arith.addi %add3A_218, %add3A_219 : i32
      %lt3A_221 = arith.constant 125 : i32
      %lt3A_222 = arith.cmpi slt, %add3A_220, %lt3A_221 : i32
      %convert_element_type3A_223 = arith.extui %lt3A_222 : i1 to i32
      %cond3A_224 = arith.constant 0 : i32
      %cond3A_225 = arith.cmpi ne, %convert_element_type3A_223, %cond3A_224 : i32
      scf.if %cond3A_225 {
        %add3A_331 = arith.constant 2 : i32
        %add3A_332 = arith.addi %add3A_218, %add3A_331 : i32
        %mul3A_333 = arith.constant 80 : i32
        %mul3A_334 = arith.muli %add3A_332, %mul3A_333 : i32
        %add3A_335 = arith.addi %multiple_of3A_8, %mul3A_334 : i32
        %dma_start3A_336 = arith.constant 0 : i32
        %dma_start3A_337 = arith.constant 0 : i32
        %dma_start3A_338 = tpu.memref_slice %arg8[%dma_start3A_336, %dma_start3A_337] : memref<2x80xi32, #tpu.memory_space<vmem>> -> memref<1x80xi32, #tpu.memory_space<vmem>>
        %dma_start3A_339 = tpu.memref_squeeze %dma_start3A_338 : memref<1x80xi32, #tpu.memory_space<vmem>> -> memref<80xi32, #tpu.memory_space<vmem>>
        %dma_start3A_340 = tpu.memref_slice %arg3[%add3A_335] : memref<160000xi32, #tpu.memory_space<hbm>> -> memref<80xi32, #tpu.memory_space<hbm>>
        %dma_start3A_341 = arith.constant 0 : i32
        %dma_start3A_342 = tpu.memref_slice %arg8[%dma_start3A_336, %dma_start3A_341] : memref<2x80xi32, #tpu.memory_space<vmem>> -> memref<1x80xi32, #tpu.memory_space<vmem>>
        %dma_start3A_343 = tpu.memref_squeeze %dma_start3A_342 : memref<1x80xi32, #tpu.memory_space<vmem>> -> memref<80xi32, #tpu.memory_space<vmem>>
        %dma_start3A_344 = tpu.memref_slice %arg3[%add3A_335] : memref<160000xi32, #tpu.memory_space<hbm>> -> memref<80xi32, #tpu.memory_space<hbm>>
        tpu.enqueue_dma source(%dma_start3A_344 : memref<80xi32, #tpu.memory_space<hbm>>) target(%dma_start3A_343 : memref<80xi32, #tpu.memory_space<vmem>>) target_semaphore(%arg14 : memref<!tpu.dma_semaphore, #tpu.memory_space<semaphore_mem>>)
        %mul3A_345 = arith.constant 80 : i32
        %mul3A_346 = arith.muli %add3A_332, %mul3A_345 : i32
        %add3A_347 = arith.addi %multiple_of3A_8, %mul3A_346 : i32
        %dma_start3A_348 = arith.constant 2 : i32
        %dma_start3A_349 = arith.constant 0 : i32
        %dma_start3A_350 = tpu.memref_slice %arg9[%dma_start3A_348, %dma_start3A_349] : memref<4x80xi32, #tpu.memory_space<vmem>> -> memref<1x80xi32, #tpu.memory_space<vmem>>
        %dma_start3A_351 = tpu.memref_squeeze %dma_start3A_350 : memref<1x80xi32, #tpu.memory_space<vmem>> -> memref<80xi32, #tpu.memory_space<vmem>>
        %dma_start3A_352 = tpu.memref_slice %arg4[%add3A_347] : memref<160000xi32, #tpu.memory_space<hbm>> -> memref<80xi32, #tpu.memory_space<hbm>>
        %dma_start3A_353 = arith.constant 0 : i32
        %dma_start3A_354 = tpu.memref_slice %arg9[%dma_start3A_348, %dma_start3A_353] : memref<4x80xi32, #tpu.memory_space<vmem>> -> memref<1x80xi32, #tpu.memory_space<vmem>>
        %dma_start3A_355 = tpu.memref_squeeze %dma_start3A_354 : memref<1x80xi32, #tpu.memory_space<vmem>> -> memref<80xi32, #tpu.memory_space<vmem>>
        %dma_start3A_356 = tpu.memref_slice %arg4[%add3A_347] : memref<160000xi32, #tpu.memory_space<hbm>> -> memref<80xi32, #tpu.memory_space<hbm>>
        tpu.enqueue_dma source(%dma_start3A_356 : memref<80xi32, #tpu.memory_space<hbm>>) target(%dma_start3A_355 : memref<80xi32, #tpu.memory_space<vmem>>) target_semaphore(%arg16 : memref<!tpu.dma_semaphore, #tpu.memory_space<semaphore_mem>>)
      } else {
      }
      %ge3A = arith.constant 1 : i32
      %ge3A_226 = arith.cmpi sge, %add3A_218, %ge3A : i32
      %lt3A_227 = arith.constant 125 : i32
      %lt3A_228 = arith.cmpi slt, %add3A_218, %lt3A_227 : i32
      %and3A = arith.andi %ge3A_226, %lt3A_228 : i1
      %convert_element_type3A_229 = arith.extui %and3A : i1 to i32
      %cond3A_230 = arith.constant 0 : i32
      %cond3A_231 = arith.cmpi ne, %convert_element_type3A_229, %cond3A_230 : i32
      scf.if %cond3A_231 {
        %dma_wait3A_331 = arith.constant 1 : i32
        %dma_wait3A_332 = arith.constant 3 : i32
        %dma_wait3A_333 = arith.constant 0 : i32
        %dma_wait3A_334 = arith.constant 0 : i32
        %dma_wait3A_335 = tpu.memref_slice %arg12[%dma_wait3A_331, %dma_wait3A_333, %dma_wait3A_334] : memref<2x80x128xf32, #tpu.memory_space<vmem>> -> memref<1x80x128xf32, #tpu.memory_space<vmem>>
        %dma_wait3A_336 = tpu.memref_squeeze %dma_wait3A_335 : memref<1x80x128xf32, #tpu.memory_space<vmem>> -> memref<80x128xf32, #tpu.memory_space<vmem>>
        %dma_wait3A_337 = arith.constant 0 : i32
        %dma_wait3A_338 = tpu.memref_slice %arg9[%dma_wait3A_332, %dma_wait3A_337] : memref<4x80xi32, #tpu.memory_space<vmem>> -> memref<1x80xi32, #tpu.memory_space<vmem>>
        %dma_wait3A_339 = tpu.memref_squeeze %dma_wait3A_338 : memref<1x80xi32, #tpu.memory_space<vmem>> -> memref<80xi32, #tpu.memory_space<vmem>>
        %dma_wait3A_340 = arith.constant 0 : i32
        %dma_wait3A_341 = arith.constant 0 : i32
        %dma_wait3A_342 = tpu.memref_slice %arg13[%dma_wait3A_340, %dma_wait3A_341] : memref<10000x128xf32, #tpu.memory_space<vmem_shared>> -> memref<10000x128xf32, #tpu.memory_space<vmem_shared>>
        tpu.wait_indirect_dma semaphore(%arg23 : memref<!tpu.dma_semaphore, #tpu.memory_space<semaphore_mem>>) src(%dma_wait3A_336 : memref<80x128xf32, #tpu.memory_space<vmem>>) dst(%dma_wait3A_342 : memref<10000x128xf32, #tpu.memory_space<vmem_shared>>)
      } else {
      }
      %add3A_232 = arith.constant 1 : i32
      %add3A_233 = arith.addi %add3A_218, %add3A_232 : i32
      %lt3A_234 = arith.constant 125 : i32
      %lt3A_235 = arith.cmpi slt, %add3A_233, %lt3A_234 : i32
      %convert_element_type3A_236 = arith.extui %lt3A_235 : i1 to i32
      %cond3A_237 = arith.constant 0 : i32
      %cond3A_238 = arith.cmpi ne, %convert_element_type3A_236, %cond3A_237 : i32
      scf.if %cond3A_238 {
        %add3A_331 = arith.constant 1 : i32
        %add3A_332 = arith.addi %add3A_218, %add3A_331 : i32
        %mul3A_333 = arith.constant 80 : i32
        %mul3A_334 = arith.muli %add3A_332, %mul3A_333 : i32
        %add3A_335 = arith.addi %multiple_of3A_8, %mul3A_334 : i32
        %dma_wait3A_336 = arith.constant 1 : i32
        %dma_wait3A_337 = arith.constant 0 : i32
        %dma_wait3A_338 = tpu.memref_slice %arg8[%dma_wait3A_336, %dma_wait3A_337] : memref<2x80xi32, #tpu.memory_space<vmem>> -> memref<1x80xi32, #tpu.memory_space<vmem>>
        %dma_wait3A_339 = tpu.memref_squeeze %dma_wait3A_338 : memref<1x80xi32, #tpu.memory_space<vmem>> -> memref<80xi32, #tpu.memory_space<vmem>>
        %dma_wait3A_340 = tpu.memref_slice %arg3[%add3A_335] : memref<160000xi32, #tpu.memory_space<hbm>> -> memref<80xi32, #tpu.memory_space<hbm>>
        %dma_wait3A_341 = arith.constant 0 : i32
        %dma_wait3A_342 = tpu.memref_slice %arg8[%dma_wait3A_336, %dma_wait3A_341] : memref<2x80xi32, #tpu.memory_space<vmem>> -> memref<1x80xi32, #tpu.memory_space<vmem>>
        %dma_wait3A_343 = tpu.memref_squeeze %dma_wait3A_342 : memref<1x80xi32, #tpu.memory_space<vmem>> -> memref<80xi32, #tpu.memory_space<vmem>>
        %dma_wait3A_344 = tpu.memref_slice %arg3[%add3A_335] : memref<160000xi32, #tpu.memory_space<hbm>> -> memref<80xi32, #tpu.memory_space<hbm>>
        tpu.wait_dma2 semaphore(%arg15 : memref<!tpu.dma_semaphore, #tpu.memory_space<semaphore_mem>>) src(%dma_wait3A_344 : memref<80xi32, #tpu.memory_space<hbm>>) dst(%dma_wait3A_343 : memref<80xi32, #tpu.memory_space<vmem>>)
        %mul3A_345 = arith.constant 80 : i32
        %mul3A_346 = arith.muli %add3A_332, %mul3A_345 : i32
        %add3A_347 = arith.addi %multiple_of3A_8, %mul3A_346 : i32
        %dma_wait3A_348 = arith.constant 1 : i32
        %dma_wait3A_349 = arith.constant 0 : i32
        %dma_wait3A_350 = tpu.memref_slice %arg9[%dma_wait3A_348, %dma_wait3A_349] : memref<4x80xi32, #tpu.memory_space<vmem>> -> memref<1x80xi32, #tpu.memory_space<vmem>>
        %dma_wait3A_351 = tpu.memref_squeeze %dma_wait3A_350 : memref<1x80xi32, #tpu.memory_space<vmem>> -> memref<80xi32, #tpu.memory_space<vmem>>
        %dma_wait3A_352 = tpu.memref_slice %arg4[%add3A_347] : memref<160000xi32, #tpu.memory_space<hbm>> -> memref<80xi32, #tpu.memory_space<hbm>>
        %dma_wait3A_353 = arith.constant 0 : i32
        %dma_wait3A_354 = tpu.memref_slice %arg9[%dma_wait3A_348, %dma_wait3A_353] : memref<4x80xi32, #tpu.memory_space<vmem>> -> memref<1x80xi32, #tpu.memory_space<vmem>>
        %dma_wait3A_355 = tpu.memref_squeeze %dma_wait3A_354 : memref<1x80xi32, #tpu.memory_space<vmem>> -> memref<80xi32, #tpu.memory_space<vmem>>
        %dma_wait3A_356 = tpu.memref_slice %arg4[%add3A_347] : memref<160000xi32, #tpu.memory_space<hbm>> -> memref<80xi32, #tpu.memory_space<hbm>>
        tpu.wait_dma2 semaphore(%arg17 : memref<!tpu.dma_semaphore, #tpu.memory_space<semaphore_mem>>) src(%dma_wait3A_356 : memref<80xi32, #tpu.memory_space<hbm>>) dst(%dma_wait3A_355 : memref<80xi32, #tpu.memory_space<vmem>>)
        %add3A_357 = arith.constant 1 : i32
        %add3A_358 = arith.addi %add3A_218, %add3A_357 : i32
        %get3A_359 = arith.constant 1 : i32
        %get3A_360 = arith.index_cast %get3A_359 : i32 to index
        %get3A_361 = arith.constant 0 : index
        %get3A_362 = tpu.vector_load %arg8[%get3A_360, %get3A_361] {strides = array<i32>} : memref<2x80xi32, #tpu.memory_space<vmem>>, vector<1x16xi32>,
        %get3A_363 = vector.shape_cast %get3A_362 : vector<1x16xi32> to vector<16xi32>
        %mul3A_364 = arith.constant 2 : i32
        %mul3A_365 = vector.broadcast %mul3A_364 : i32 to vector<16xi32>
        %mul3A_366 = arith.muli %get3A_363, %mul3A_365 : vector<16xi32>
        %add3A_367 = vector.broadcast %arg0 : i32 to vector<16xi32>
        %add3A_368 = arith.addi %mul3A_366, %add3A_367 : vector<16xi32>
        %swap3A_369 = arith.constant 1 : i32
        %swap3A_370 = arith.index_cast %swap3A_369 : i32 to index
        %swap3A_371 = arith.constant 0 : index
        %swap3A_372 = tpu.vector_load %arg10[%swap3A_370, %swap3A_371] {strides = array<i32>} : memref<2x80xi32, #tpu.memory_space<vmem>>, vector<1x16xi32>,
        %swap3A_373 = vector.shape_cast %swap3A_372 : vector<1x16xi32> to vector<16xi32>
        %swap3A_374 = vector.shape_cast %add3A_368 : vector<16xi32> to vector<1x16xi32>
        tpu.vector_store %arg10[%swap3A_370, %swap3A_371], %swap3A_374 {strides = array<i32>} : memref<2x80xi32, #tpu.memory_space<vmem>>, vector<1x16xi32>,
        %get3A_375 = arith.constant 1 : i32
        %get3A_376 = arith.index_cast %get3A_375 : i32 to index
        %get3A_377 = arith.constant 16 : index
        %get3A_378 = tpu.vector_load %arg8[%get3A_376, %get3A_377] {strides = array<i32>} : memref<2x80xi32, #tpu.memory_space<vmem>>, vector<1x16xi32>,
        %get3A_379 = vector.shape_cast %get3A_378 : vector<1x16xi32> to vector<16xi32>
        %mul3A_380 = arith.constant 2 : i32
        %mul3A_381 = vector.broadcast %mul3A_380 : i32 to vector<16xi32>
        %mul3A_382 = arith.muli %get3A_379, %mul3A_381 : vector<16xi32>
        %add3A_383 = vector.broadcast %arg0 : i32 to vector<16xi32>
        %add3A_384 = arith.addi %mul3A_382, %add3A_383 : vector<16xi32>
        %swap3A_385 = arith.constant 1 : i32
        %swap3A_386 = arith.index_cast %swap3A_385 : i32 to index
        %swap3A_387 = arith.constant 16 : index
        %swap3A_388 = tpu.vector_load %arg10[%swap3A_386, %swap3A_387] {strides = array<i32>} : memref<2x80xi32, #tpu.memory_space<vmem>>, vector<1x16xi32>,
        %swap3A_389 = vector.shape_cast %swap3A_388 : vector<1x16xi32> to vector<16xi32>
        %swap3A_390 = vector.shape_cast %add3A_384 : vector<16xi32> to vector<1x16xi32>
        tpu.vector_store %arg10[%swap3A_386, %swap3A_387], %swap3A_390 {strides = array<i32>} : memref<2x80xi32, #tpu.memory_space<vmem>>, vector<1x16xi32>,
        %get3A_391 = arith.constant 1 : i32
        %get3A_392 = arith.index_cast %get3A_391 : i32 to index
        %get3A_393 = arith.constant 32 : index
        %get3A_394 = tpu.vector_load %arg8[%get3A_392, %get3A_393] {strides = array<i32>} : memref<2x80xi32, #tpu.memory_space<vmem>>, vector<1x16xi32>,
        %get3A_395 = vector.shape_cast %get3A_394 : vector<1x16xi32> to vector<16xi32>
        %mul3A_396 = arith.constant 2 : i32
        %mul3A_397 = vector.broadcast %mul3A_396 : i32 to vector<16xi32>
        %mul3A_398 = arith.muli %get3A_395, %mul3A_397 : vector<16xi32>
        %add3A_399 = vector.broadcast %arg0 : i32 to vector<16xi32>
        %add3A_400 = arith.addi %mul3A_398, %add3A_399 : vector<16xi32>
        %swap3A_401 = arith.constant 1 : i32
        %swap3A_402 = arith.index_cast %swap3A_401 : i32 to index
        %swap3A_403 = arith.constant 32 : index
        %swap3A_404 = tpu.vector_load %arg10[%swap3A_402, %swap3A_403] {strides = array<i32>} : memref<2x80xi32, #tpu.memory_space<vmem>>, vector<1x16xi32>,
        %swap3A_405 = vector.shape_cast %swap3A_404 : vector<1x16xi32> to vector<16xi32>
        %swap3A_406 = vector.shape_cast %add3A_400 : vector<16xi32> to vector<1x16xi32>
        tpu.vector_store %arg10[%swap3A_402, %swap3A_403], %swap3A_406 {strides = array<i32>} : memref<2x80xi32, #tpu.memory_space<vmem>>, vector<1x16xi32>,
        %get3A_407 = arith.constant 1 : i32
        %get3A_408 = arith.index_cast %get3A_407 : i32 to index
        %get3A_409 = arith.constant 48 : index
        %get3A_410 = tpu.vector_load %arg8[%get3A_408, %get3A_409] {strides = array<i32>} : memref<2x80xi32, #tpu.memory_space<vmem>>, vector<1x16xi32>,
        %get3A_411 = vector.shape_cast %get3A_410 : vector<1x16xi32> to vector<16xi32>
        %mul3A_412 = arith.constant 2 : i32
        %mul3A_413 = vector.broadcast %mul3A_412 : i32 to vector<16xi32>
        %mul3A_414 = arith.muli %get3A_411, %mul3A_413 : vector<16xi32>
        %add3A_415 = vector.broadcast %arg0 : i32 to vector<16xi32>
        %add3A_416 = arith.addi %mul3A_414, %add3A_415 : vector<16xi32>
        %swap3A_417 = arith.constant 1 : i32
        %swap3A_418 = arith.index_cast %swap3A_417 : i32 to index
        %swap3A_419 = arith.constant 48 : index
        %swap3A_420 = tpu.vector_load %arg10[%swap3A_418, %swap3A_419] {strides = array<i32>} : memref<2x80xi32, #tpu.memory_space<vmem>>, vector<1x16xi32>,
        %swap3A_421 = vector.shape_cast %swap3A_420 : vector<1x16xi32> to vector<16xi32>
        %swap3A_422 = vector.shape_cast %add3A_416 : vector<16xi32> to vector<1x16xi32>
        tpu.vector_store %arg10[%swap3A_418, %swap3A_419], %swap3A_422 {strides = array<i32>} : memref<2x80xi32, #tpu.memory_space<vmem>>, vector<1x16xi32>,
        %get3A_423 = arith.constant 1 : i32
        %get3A_424 = arith.index_cast %get3A_423 : i32 to index
        %get3A_425 = arith.constant 64 : index
        %get3A_426 = tpu.vector_load %arg8[%get3A_424, %get3A_425] {strides = array<i32>} : memref<2x80xi32, #tpu.memory_space<vmem>>, vector<1x16xi32>,
        %get3A_427 = vector.shape_cast %get3A_426 : vector<1x16xi32> to vector<16xi32>
        %mul3A_428 = arith.constant 2 : i32
        %mul3A_429 = vector.broadcast %mul3A_428 : i32 to vector<16xi32>
        %mul3A_430 = arith.muli %get3A_427, %mul3A_429 : vector<16xi32>
        %add3A_431 = vector.broadcast %arg0 : i32 to vector<16xi32>
        %add3A_432 = arith.addi %mul3A_430, %add3A_431 : vector<16xi32>
        %swap3A_433 = arith.constant 1 : i32
        %swap3A_434 = arith.index_cast %swap3A_433 : i32 to index
        %swap3A_435 = arith.constant 64 : index
        %swap3A_436 = tpu.vector_load %arg10[%swap3A_434, %swap3A_435] {strides = array<i32>} : memref<2x80xi32, #tpu.memory_space<vmem>>, vector<1x16xi32>,
        %swap3A_437 = vector.shape_cast %swap3A_436 : vector<1x16xi32> to vector<16xi32>
        %swap3A_438 = vector.shape_cast %add3A_432 : vector<16xi32> to vector<1x16xi32>
        tpu.vector_store %arg10[%swap3A_434, %swap3A_435], %swap3A_438 {strides = array<i32>} : memref<2x80xi32, #tpu.memory_space<vmem>>, vector<1x16xi32>,
        %dma_start3A_439 = arith.constant 1 : i32
        %dma_start3A_440 = arith.constant 1 : i32
        %dma_start3A_441 = arith.constant 0 : i32
        %dma_start3A_442 = arith.constant 0 : i32
        %dma_start3A_443 = tpu.memref_slice %arg11[%dma_start3A_440, %dma_start3A_441, %dma_start3A_442] : memref<2x80x128xf32, #tpu.memory_space<vmem>> -> memref<1x80x128xf32, #tpu.memory_space<vmem>>
        %dma_start3A_444 = tpu.memref_squeeze %dma_start3A_443 : memref<1x80x128xf32, #tpu.memory_space<vmem>> -> memref<80x128xf32, #tpu.memory_space<vmem>>
        %dma_start3A_445 = arith.constant 0 : i32
        %dma_start3A_446 = tpu.memref_slice %arg10[%dma_start3A_439, %dma_start3A_445] : memref<2x80xi32, #tpu.memory_space<vmem>> -> memref<1x80xi32, #tpu.memory_space<vmem>>
        %dma_start3A_447 = tpu.memref_squeeze %dma_start3A_446 : memref<1x80xi32, #tpu.memory_space<vmem>> -> memref<80xi32, #tpu.memory_space<vmem>>
        %dma_start3A_448 = arith.constant 0 : i32
        %dma_start3A_449 = arith.constant 0 : i32
        %dma_start3A_450 = tpu.memref_slice %arg2[%dma_start3A_448, %dma_start3A_449] : memref<20000x128xf32, #tpu.memory_space<hbm>> -> memref<20000x128xf32, #tpu.memory_space<hbm>>
        tpu.enqueue_indirect_dma source(%dma_start3A_450 : memref<20000x128xf32, #tpu.memory_space<hbm>>) target(%dma_start3A_444 : memref<80x128xf32, #tpu.memory_space<vmem>>) offsets(%dma_start3A_447 : memref<80xi32, #tpu.memory_space<vmem>>) semaphore(%arg19 : memref<!tpu.dma_semaphore, #tpu.memory_space<semaphore_mem>>)
        %mul3A_451 = arith.constant 80 : i32
        %mul3A_452 = arith.muli %add3A_358, %mul3A_451 : i32
        %add3A_453 = arith.addi %multiple_of3A_8, %mul3A_452 : i32
        %dma_start3A_454 = arith.constant 1 : i32
        %dma_start3A_455 = arith.constant 0 : i32
        %dma_start3A_456 = arith.constant 0 : i32
        %dma_start3A_457 = tpu.memref_slice %arg12[%dma_start3A_454, %dma_start3A_455, %dma_start3A_456] : memref<2x80x128xf32, #tpu.memory_space<vmem>> -> memref<1x80x128xf32, #tpu.memory_space<vmem>>
        %dma_start3A_458 = tpu.memref_squeeze %dma_start3A_457 : memref<1x80x128xf32, #tpu.memory_space<vmem>> -> memref<80x128xf32, #tpu.memory_space<vmem>>
        %dma_start3A_459 = tpu.memref_slice %arg5[%add3A_453, %multiple_of3A_17] : memref<160000x256xf32, #tpu.memory_space<hbm>> -> memref<80x128xf32, #tpu.memory_space<hbm>>
        %dma_start3A_460 = arith.constant 0 : i32
        %dma_start3A_461 = arith.constant 0 : i32
        %dma_start3A_462 = tpu.memref_slice %arg12[%dma_start3A_454, %dma_start3A_460, %dma_start3A_461] : memref<2x80x128xf32, #tpu.memory_space<vmem>> -> memref<1x80x128xf32, #tpu.memory_space<vmem>>
        %dma_start3A_463 = tpu.memref_squeeze %dma_start3A_462 : memref<1x80x128xf32, #tpu.memory_space<vmem>> -> memref<80x128xf32, #tpu.memory_space<vmem>>
        %dma_start3A_464 = tpu.memref_slice %arg5[%add3A_453, %multiple_of3A_17] : memref<160000x256xf32, #tpu.memory_space<hbm>> -> memref<80x128xf32, #tpu.memory_space<hbm>>
        tpu.enqueue_dma source(%dma_start3A_464 : memref<80x128xf32, #tpu.memory_space<hbm>>) target(%dma_start3A_463 : memref<80x128xf32, #tpu.memory_space<vmem>>) target_semaphore(%arg21 : memref<!tpu.dma_semaphore, #tpu.memory_space<semaphore_mem>>)
      } else {
      }
      %lt3A_239 = arith.constant 125 : i32
      %lt3A_240 = arith.cmpi slt, %add3A_218, %lt3A_239 : i32
      %convert_element_type3A_241 = arith.extui %lt3A_240 : i1 to i32
      %cond3A_242 = arith.constant 0 : i32
      %cond3A_243 = arith.cmpi ne, %convert_element_type3A_241, %cond3A_242 : i32
      scf.if %cond3A_243 {
        %dma_wait3A_331 = arith.constant 0 : i32
        %dma_wait3A_332 = arith.constant 0 : i32
        %dma_wait3A_333 = arith.constant 0 : i32
        %dma_wait3A_334 = arith.constant 0 : i32
        %dma_wait3A_335 = tpu.memref_slice %arg11[%dma_wait3A_332, %dma_wait3A_333, %dma_wait3A_334] : memref<2x80x128xf32, #tpu.memory_space<vmem>> -> memref<1x80x128xf32, #tpu.memory_space<vmem>>
        %dma_wait3A_336 = tpu.memref_squeeze %dma_wait3A_335 : memref<1x80x128xf32, #tpu.memory_space<vmem>> -> memref<80x128xf32, #tpu.memory_space<vmem>>
        %dma_wait3A_337 = arith.constant 0 : i32
        %dma_wait3A_338 = tpu.memref_slice %arg10[%dma_wait3A_331, %dma_wait3A_337] : memref<2x80xi32, #tpu.memory_space<vmem>> -> memref<1x80xi32, #tpu.memory_space<vmem>>
        %dma_wait3A_339 = tpu.memref_squeeze %dma_wait3A_338 : memref<1x80xi32, #tpu.memory_space<vmem>> -> memref<80xi32, #tpu.memory_space<vmem>>
        %dma_wait3A_340 = arith.constant 0 : i32
        %dma_wait3A_341 = arith.constant 0 : i32
        %dma_wait3A_342 = tpu.memref_slice %arg2[%dma_wait3A_340, %dma_wait3A_341] : memref<20000x128xf32, #tpu.memory_space<hbm>> -> memref<20000x128xf32, #tpu.memory_space<hbm>>
        tpu.wait_indirect_dma semaphore(%arg18 : memref<!tpu.dma_semaphore, #tpu.memory_space<semaphore_mem>>) src(%dma_wait3A_342 : memref<20000x128xf32, #tpu.memory_space<hbm>>) dst(%dma_wait3A_336 : memref<80x128xf32, #tpu.memory_space<vmem>>)
        %mul3A_343 = arith.constant 80 : i32
        %mul3A_344 = arith.muli %add3A_218, %mul3A_343 : i32
        %add3A_345 = arith.addi %multiple_of3A_8, %mul3A_344 : i32
        %dma_wait3A_346 = arith.constant 0 : i32
        %dma_wait3A_347 = arith.constant 0 : i32
        %dma_wait3A_348 = arith.constant 0 : i32
        %dma_wait3A_349 = tpu.memref_slice %arg12[%dma_wait3A_346, %dma_wait3A_347, %dma_wait3A_348] : memref<2x80x128xf32, #tpu.memory_space<vmem>> -> memref<1x80x128xf32, #tpu.memory_space<vmem>>
        %dma_wait3A_350 = tpu.memref_squeeze %dma_wait3A_349 : memref<1x80x128xf32, #tpu.memory_space<vmem>> -> memref<80x128xf32, #tpu.memory_space<vmem>>
        %dma_wait3A_351 = tpu.memref_slice %arg5[%add3A_345, %multiple_of3A_17] : memref<160000x256xf32, #tpu.memory_space<hbm>> -> memref<80x128xf32, #tpu.memory_space<hbm>>
        %dma_wait3A_352 = arith.constant 0 : i32
        %dma_wait3A_353 = arith.constant 0 : i32
        %dma_wait3A_354 = tpu.memref_slice %arg12[%dma_wait3A_346, %dma_wait3A_352, %dma_wait3A_353] : memref<2x80x128xf32, #tpu.memory_space<vmem>> -> memref<1x80x128xf32, #tpu.memory_space<vmem>>
        %dma_wait3A_355 = tpu.memref_squeeze %dma_wait3A_354 : memref<1x80x128xf32, #tpu.memory_space<vmem>> -> memref<80x128xf32, #tpu.memory_space<vmem>>
        %dma_wait3A_356 = tpu.memref_slice %arg5[%add3A_345, %multiple_of3A_17] : memref<160000x256xf32, #tpu.memory_space<hbm>> -> memref<80x128xf32, #tpu.memory_space<hbm>>
        tpu.wait_dma2 semaphore(%arg20 : memref<!tpu.dma_semaphore, #tpu.memory_space<semaphore_mem>>) src(%dma_wait3A_356 : memref<80x128xf32, #tpu.memory_space<hbm>>) dst(%dma_wait3A_355 : memref<80x128xf32, #tpu.memory_space<vmem>>)
        %scan3A_357 = arith.constant 0 : i32
        %scan3A_358 = arith.constant 80 : i32
        %scan3A_359 = arith.addi %scan3A_357, %scan3A_358 : i32
        %scan3A_360 = arith.constant 1 : i32
        scf.for %scan3A_374 = %scan3A_357 to %scan3A_359 step %scan3A_360  : i32 {
          %mul3A_375 = arith.constant 1 : i32
          %mul3A_376 = arith.muli %scan3A_374, %mul3A_375 : i32
          %add3A_377 = arith.constant 0 : i32
          %add3A_378 = arith.addi %add3A_377, %mul3A_376 : i32
          %get3A_379 = arith.constant 0 : i32
          %get3A_380 = arith.index_cast %get3A_379 : i32 to index
          %get3A_381 = arith.index_cast %add3A_378 : i32 to index
          %get3A_382 = arith.constant 0 : index
          %get3A_383 = tpu.vector_load %arg11[%get3A_380, %get3A_381, %get3A_382] {strides = array<i32>} : memref<2x80x128xf32, #tpu.memory_space<vmem>>, vector<1x1x16xf32>,
          %get3A_384 = vector.shape_cast %get3A_383 : vector<1x1x16xf32> to vector<16xf32>
          %get3A_385 = arith.constant 0 : i32
          %get3A_386 = arith.index_cast %get3A_385 : i32 to index
          %get3A_387 = arith.index_cast %add3A_378 : i32 to index
          %get3A_388 = arith.constant 0 : index
          %get3A_389 = tpu.vector_load %arg12[%get3A_386, %get3A_387, %get3A_388] {strides = array<i32>} : memref<2x80x128xf32, #tpu.memory_space<vmem>>, vector<1x1x16xf32>,
          %get3A_390 = vector.shape_cast %get3A_389 : vector<1x1x16xf32> to vector<16xf32>
          %add3A_391 = arith.addf %get3A_384, %get3A_390 : vector<16xf32>
          %max3A = arith.constant 0.000000e+00 : f32
          %max3A_392 = vector.broadcast %max3A : f32 to vector<16xf32>
          %max3A_393 = arith.maximumf %add3A_391, %max3A_392 : vector<16xf32>
          %swap3A_394 = arith.constant 0 : i32
          %swap3A_395 = arith.index_cast %swap3A_394 : i32 to index
          %swap3A_396 = arith.index_cast %add3A_378 : i32 to index
          %swap3A_397 = arith.constant 0 : index
          %swap3A_398 = tpu.vector_load %arg12[%swap3A_395, %swap3A_396, %swap3A_397] {strides = array<i32>} : memref<2x80x128xf32, #tpu.memory_space<vmem>>, vector<1x1x16xf32>,
          %swap3A_399 = vector.shape_cast %swap3A_398 : vector<1x1x16xf32> to vector<16xf32>
          %swap3A_400 = vector.shape_cast %max3A_393 : vector<16xf32> to vector<1x1x16xf32>
          tpu.vector_store %arg12[%swap3A_395, %swap3A_396, %swap3A_397], %swap3A_400 {strides = array<i32>} : memref<2x80x128xf32, #tpu.memory_space<vmem>>, vector<1x1x16xf32>,
          %get3A_401 = arith.constant 0 : i32
          %get3A_402 = arith.index_cast %get3A_401 : i32 to index
          %get3A_403 = arith.index_cast %add3A_378 : i32 to index
          %get3A_404 = arith.constant 16 : index
          %get3A_405 = tpu.vector_load %arg11[%get3A_402, %get3A_403, %get3A_404] {strides = array<i32>} : memref<2x80x128xf32, #tpu.memory_space<vmem>>, vector<1x1x16xf32>,
          %get3A_406 = vector.shape_cast %get3A_405 : vector<1x1x16xf32> to vector<16xf32>
          %get3A_407 = arith.constant 0 : i32
          %get3A_408 = arith.index_cast %get3A_407 : i32 to index
          %get3A_409 = arith.index_cast %add3A_378 : i32 to index
          %get3A_410 = arith.constant 16 : index
          %get3A_411 = tpu.vector_load %arg12[%get3A_408, %get3A_409, %get3A_410] {strides = array<i32>} : memref<2x80x128xf32, #tpu.memory_space<vmem>>, vector<1x1x16xf32>,
          %get3A_412 = vector.shape_cast %get3A_411 : vector<1x1x16xf32> to vector<16xf32>
          %add3A_413 = arith.addf %get3A_406, %get3A_412 : vector<16xf32>
          %max3A_414 = arith.constant 0.000000e+00 : f32
          %max3A_415 = vector.broadcast %max3A_414 : f32 to vector<16xf32>
          %max3A_416 = arith.maximumf %add3A_413, %max3A_415 : vector<16xf32>
          %swap3A_417 = arith.constant 0 : i32
          %swap3A_418 = arith.index_cast %swap3A_417 : i32 to index
          %swap3A_419 = arith.index_cast %add3A_378 : i32 to index
          %swap3A_420 = arith.constant 16 : index
          %swap3A_421 = tpu.vector_load %arg12[%swap3A_418, %swap3A_419, %swap3A_420] {strides = array<i32>} : memref<2x80x128xf32, #tpu.memory_space<vmem>>, vector<1x1x16xf32>,
          %swap3A_422 = vector.shape_cast %swap3A_421 : vector<1x1x16xf32> to vector<16xf32>
          %swap3A_423 = vector.shape_cast %max3A_416 : vector<16xf32> to vector<1x1x16xf32>
          tpu.vector_store %arg12[%swap3A_418, %swap3A_419, %swap3A_420], %swap3A_423 {strides = array<i32>} : memref<2x80x128xf32, #tpu.memory_space<vmem>>, vector<1x1x16xf32>,
          %get3A_424 = arith.constant 0 : i32
          %get3A_425 = arith.index_cast %get3A_424 : i32 to index
          %get3A_426 = arith.index_cast %add3A_378 : i32 to index
          %get3A_427 = arith.constant 32 : index
          %get3A_428 = tpu.vector_load %arg11[%get3A_425, %get3A_426, %get3A_427] {strides = array<i32>} : memref<2x80x128xf32, #tpu.memory_space<vmem>>, vector<1x1x16xf32>,
          %get3A_429 = vector.shape_cast %get3A_428 : vector<1x1x16xf32> to vector<16xf32>
          %get3A_430 = arith.constant 0 : i32
          %get3A_431 = arith.index_cast %get3A_430 : i32 to index
          %get3A_432 = arith.index_cast %add3A_378 : i32 to index
          %get3A_433 = arith.constant 32 : index
          %get3A_434 = tpu.vector_load %arg12[%get3A_431, %get3A_432, %get3A_433] {strides = array<i32>} : memref<2x80x128xf32, #tpu.memory_space<vmem>>, vector<1x1x16xf32>,
          %get3A_435 = vector.shape_cast %get3A_434 : vector<1x1x16xf32> to vector<16xf32>
          %add3A_436 = arith.addf %get3A_429, %get3A_435 : vector<16xf32>
          %max3A_437 = arith.constant 0.000000e+00 : f32
          %max3A_438 = vector.broadcast %max3A_437 : f32 to vector<16xf32>
          %max3A_439 = arith.maximumf %add3A_436, %max3A_438 : vector<16xf32>
          %swap3A_440 = arith.constant 0 : i32
          %swap3A_441 = arith.index_cast %swap3A_440 : i32 to index
          %swap3A_442 = arith.index_cast %add3A_378 : i32 to index
          %swap3A_443 = arith.constant 32 : index
          %swap3A_444 = tpu.vector_load %arg12[%swap3A_441, %swap3A_442, %swap3A_443] {strides = array<i32>} : memref<2x80x128xf32, #tpu.memory_space<vmem>>, vector<1x1x16xf32>,
          %swap3A_445 = vector.shape_cast %swap3A_444 : vector<1x1x16xf32> to vector<16xf32>
          %swap3A_446 = vector.shape_cast %max3A_439 : vector<16xf32> to vector<1x1x16xf32>
          tpu.vector_store %arg12[%swap3A_441, %swap3A_442, %swap3A_443], %swap3A_446 {strides = array<i32>} : memref<2x80x128xf32, #tpu.memory_space<vmem>>, vector<1x1x16xf32>,
          %get3A_447 = arith.constant 0 : i32
          %get3A_448 = arith.index_cast %get3A_447 : i32 to index
          %get3A_449 = arith.index_cast %add3A_378 : i32 to index
          %get3A_450 = arith.constant 48 : index
          %get3A_451 = tpu.vector_load %arg11[%get3A_448, %get3A_449, %get3A_450] {strides = array<i32>} : memref<2x80x128xf32, #tpu.memory_space<vmem>>, vector<1x1x16xf32>,
          %get3A_452 = vector.shape_cast %get3A_451 : vector<1x1x16xf32> to vector<16xf32>
          %get3A_453 = arith.constant 0 : i32
          %get3A_454 = arith.index_cast %get3A_453 : i32 to index
          %get3A_455 = arith.index_cast %add3A_378 : i32 to index
          %get3A_456 = arith.constant 48 : index
          %get3A_457 = tpu.vector_load %arg12[%get3A_454, %get3A_455, %get3A_456] {strides = array<i32>} : memref<2x80x128xf32, #tpu.memory_space<vmem>>, vector<1x1x16xf32>,
          %get3A_458 = vector.shape_cast %get3A_457 : vector<1x1x16xf32> to vector<16xf32>
          %add3A_459 = arith.addf %get3A_452, %get3A_458 : vector<16xf32>
          %max3A_460 = arith.constant 0.000000e+00 : f32
          %max3A_461 = vector.broadcast %max3A_460 : f32 to vector<16xf32>
          %max3A_462 = arith.maximumf %add3A_459, %max3A_461 : vector<16xf32>
          %swap3A_463 = arith.constant 0 : i32
          %swap3A_464 = arith.index_cast %swap3A_463 : i32 to index
          %swap3A_465 = arith.index_cast %add3A_378 : i32 to index
          %swap3A_466 = arith.constant 48 : index
          %swap3A_467 = tpu.vector_load %arg12[%swap3A_464, %swap3A_465, %swap3A_466] {strides = array<i32>} : memref<2x80x128xf32, #tpu.memory_space<vmem>>, vector<1x1x16xf32>,
          %swap3A_468 = vector.shape_cast %swap3A_467 : vector<1x1x16xf32> to vector<16xf32>
          %swap3A_469 = vector.shape_cast %max3A_462 : vector<16xf32> to vector<1x1x16xf32>
          tpu.vector_store %arg12[%swap3A_464, %swap3A_465, %swap3A_466], %swap3A_469 {strides = array<i32>} : memref<2x80x128xf32, #tpu.memory_space<vmem>>, vector<1x1x16xf32>,
          %get3A_470 = arith.constant 0 : i32
          %get3A_471 = arith.index_cast %get3A_470 : i32 to index
          %get3A_472 = arith.index_cast %add3A_378 : i32 to index
          %get3A_473 = arith.constant 64 : index
          %get3A_474 = tpu.vector_load %arg11[%get3A_471, %get3A_472, %get3A_473] {strides = array<i32>} : memref<2x80x128xf32, #tpu.memory_space<vmem>>, vector<1x1x16xf32>,
          %get3A_475 = vector.shape_cast %get3A_474 : vector<1x1x16xf32> to vector<16xf32>
          %get3A_476 = arith.constant 0 : i32
          %get3A_477 = arith.index_cast %get3A_476 : i32 to index
          %get3A_478 = arith.index_cast %add3A_378 : i32 to index
          %get3A_479 = arith.constant 64 : index
          %get3A_480 = tpu.vector_load %arg12[%get3A_477, %get3A_478, %get3A_479] {strides = array<i32>} : memref<2x80x128xf32, #tpu.memory_space<vmem>>, vector<1x1x16xf32>,
          %get3A_481 = vector.shape_cast %get3A_480 : vector<1x1x16xf32> to vector<16xf32>
          %add3A_482 = arith.addf %get3A_475, %get3A_481 : vector<16xf32>
          %max3A_483 = arith.constant 0.000000e+00 : f32
          %max3A_484 = vector.broadcast %max3A_483 : f32 to vector<16xf32>
          %max3A_485 = arith.maximumf %add3A_482, %max3A_484 : vector<16xf32>
          %swap3A_486 = arith.constant 0 : i32
          %swap3A_487 = arith.index_cast %swap3A_486 : i32 to index
          %swap3A_488 = arith.index_cast %add3A_378 : i32 to index
          %swap3A_489 = arith.constant 64 : index
          %swap3A_490 = tpu.vector_load %arg12[%swap3A_487, %swap3A_488, %swap3A_489] {strides = array<i32>} : memref<2x80x128xf32, #tpu.memory_space<vmem>>, vector<1x1x16xf32>,
          %swap3A_491 = vector.shape_cast %swap3A_490 : vector<1x1x16xf32> to vector<16xf32>
          %swap3A_492 = vector.shape_cast %max3A_485 : vector<16xf32> to vector<1x1x16xf32>
          tpu.vector_store %arg12[%swap3A_487, %swap3A_488, %swap3A_489], %swap3A_492 {strides = array<i32>} : memref<2x80x128xf32, #tpu.memory_space<vmem>>, vector<1x1x16xf32>,
          %get3A_493 = arith.constant 0 : i32
          %get3A_494 = arith.index_cast %get3A_493 : i32 to index
          %get3A_495 = arith.index_cast %add3A_378 : i32 to index
          %get3A_496 = arith.constant 80 : index
          %get3A_497 = tpu.vector_load %arg11[%get3A_494, %get3A_495, %get3A_496] {strides = array<i32>} : memref<2x80x128xf32, #tpu.memory_space<vmem>>, vector<1x1x16xf32>,
          %get3A_498 = vector.shape_cast %get3A_497 : vector<1x1x16xf32> to vector<16xf32>
          %get3A_499 = arith.constant 0 : i32
          %get3A_500 = arith.index_cast %get3A_499 : i32 to index
          %get3A_501 = arith.index_cast %add3A_378 : i32 to index
          %get3A_502 = arith.constant 80 : index
          %get3A_503 = tpu.vector_load %arg12[%get3A_500, %get3A_501, %get3A_502] {strides = array<i32>} : memref<2x80x128xf32, #tpu.memory_space<vmem>>, vector<1x1x16xf32>,
          %get3A_504 = vector.shape_cast %get3A_503 : vector<1x1x16xf32> to vector<16xf32>
          %add3A_505 = arith.addf %get3A_498, %get3A_504 : vector<16xf32>
          %max3A_506 = arith.constant 0.000000e+00 : f32
          %max3A_507 = vector.broadcast %max3A_506 : f32 to vector<16xf32>
          %max3A_508 = arith.maximumf %add3A_505, %max3A_507 : vector<16xf32>
          %swap3A_509 = arith.constant 0 : i32
          %swap3A_510 = arith.index_cast %swap3A_509 : i32 to index
          %swap3A_511 = arith.index_cast %add3A_378 : i32 to index
          %swap3A_512 = arith.constant 80 : index
          %swap3A_513 = tpu.vector_load %arg12[%swap3A_510, %swap3A_511, %swap3A_512] {strides = array<i32>} : memref<2x80x128xf32, #tpu.memory_space<vmem>>, vector<1x1x16xf32>,
          %swap3A_514 = vector.shape_cast %swap3A_513 : vector<1x1x16xf32> to vector<16xf32>
          %swap3A_515 = vector.shape_cast %max3A_508 : vector<16xf32> to vector<1x1x16xf32>
          tpu.vector_store %arg12[%swap3A_510, %swap3A_511, %swap3A_512], %swap3A_515 {strides = array<i32>} : memref<2x80x128xf32, #tpu.memory_space<vmem>>, vector<1x1x16xf32>,
          %get3A_516 = arith.constant 0 : i32
          %get3A_517 = arith.index_cast %get3A_516 : i32 to index
          %get3A_518 = arith.index_cast %add3A_378 : i32 to index
          %get3A_519 = arith.constant 96 : index
          %get3A_520 = tpu.vector_load %arg11[%get3A_517, %get3A_518, %get3A_519] {strides = array<i32>} : memref<2x80x128xf32, #tpu.memory_space<vmem>>, vector<1x1x16xf32>,
          %get3A_521 = vector.shape_cast %get3A_520 : vector<1x1x16xf32> to vector<16xf32>
          %get3A_522 = arith.constant 0 : i32
          %get3A_523 = arith.index_cast %get3A_522 : i32 to index
          %get3A_524 = arith.index_cast %add3A_378 : i32 to index
          %get3A_525 = arith.constant 96 : index
          %get3A_526 = tpu.vector_load %arg12[%get3A_523, %get3A_524, %get3A_525] {strides = array<i32>} : memref<2x80x128xf32, #tpu.memory_space<vmem>>, vector<1x1x16xf32>,
          %get3A_527 = vector.shape_cast %get3A_526 : vector<1x1x16xf32> to vector<16xf32>
          %add3A_528 = arith.addf %get3A_521, %get3A_527 : vector<16xf32>
          %max3A_529 = arith.constant 0.000000e+00 : f32
          %max3A_530 = vector.broadcast %max3A_529 : f32 to vector<16xf32>
          %max3A_531 = arith.maximumf %add3A_528, %max3A_530 : vector<16xf32>
          %swap3A_532 = arith.constant 0 : i32
          %swap3A_533 = arith.index_cast %swap3A_532 : i32 to index
          %swap3A_534 = arith.index_cast %add3A_378 : i32 to index
          %swap3A_535 = arith.constant 96 : index
          %swap3A_536 = tpu.vector_load %arg12[%swap3A_533, %swap3A_534, %swap3A_535] {strides = array<i32>} : memref<2x80x128xf32, #tpu.memory_space<vmem>>, vector<1x1x16xf32>,
          %swap3A_537 = vector.shape_cast %swap3A_536 : vector<1x1x16xf32> to vector<16xf32>
          %swap3A_538 = vector.shape_cast %max3A_531 : vector<16xf32> to vector<1x1x16xf32>
          tpu.vector_store %arg12[%swap3A_533, %swap3A_534, %swap3A_535], %swap3A_538 {strides = array<i32>} : memref<2x80x128xf32, #tpu.memory_space<vmem>>, vector<1x1x16xf32>,
          %get3A_539 = arith.constant 0 : i32
          %get3A_540 = arith.index_cast %get3A_539 : i32 to index
          %get3A_541 = arith.index_cast %add3A_378 : i32 to index
          %get3A_542 = arith.constant 112 : index
          %get3A_543 = tpu.vector_load %arg11[%get3A_540, %get3A_541, %get3A_542] {strides = array<i32>} : memref<2x80x128xf32, #tpu.memory_space<vmem>>, vector<1x1x16xf32>,
          %get3A_544 = vector.shape_cast %get3A_543 : vector<1x1x16xf32> to vector<16xf32>
          %get3A_545 = arith.constant 0 : i32
          %get3A_546 = arith.index_cast %get3A_545 : i32 to index
          %get3A_547 = arith.index_cast %add3A_378 : i32 to index
          %get3A_548 = arith.constant 112 : index
          %get3A_549 = tpu.vector_load %arg12[%get3A_546, %get3A_547, %get3A_548] {strides = array<i32>} : memref<2x80x128xf32, #tpu.memory_space<vmem>>, vector<1x1x16xf32>,
          %get3A_550 = vector.shape_cast %get3A_549 : vector<1x1x16xf32> to vector<16xf32>
          %add3A_551 = arith.addf %get3A_544, %get3A_550 : vector<16xf32>
          %max3A_552 = arith.constant 0.000000e+00 : f32
          %max3A_553 = vector.broadcast %max3A_552 : f32 to vector<16xf32>
          %max3A_554 = arith.maximumf %add3A_551, %max3A_553 : vector<16xf32>
          %swap3A_555 = arith.constant 0 : i32
          %swap3A_556 = arith.index_cast %swap3A_555 : i32 to index
          %swap3A_557 = arith.index_cast %add3A_378 : i32 to index
          %swap3A_558 = arith.constant 112 : index
          %swap3A_559 = tpu.vector_load %arg12[%swap3A_556, %swap3A_557, %swap3A_558] {strides = array<i32>} : memref<2x80x128xf32, #tpu.memory_space<vmem>>, vector<1x1x16xf32>,
          %swap3A_560 = vector.shape_cast %swap3A_559 : vector<1x1x16xf32> to vector<16xf32>
          %swap3A_561 = vector.shape_cast %max3A_554 : vector<16xf32> to vector<1x1x16xf32>
          tpu.vector_store %arg12[%swap3A_556, %swap3A_557, %swap3A_558], %swap3A_561 {strides = array<i32>} : memref<2x80x128xf32, #tpu.memory_space<vmem>>, vector<1x1x16xf32>,
        }
        %scan3A_361 = arith.constant 80 : i32
        %dma_start3A_362 = arith.constant 0 : i32
        %dma_start3A_363 = arith.constant 0 : i32
        %dma_start3A_364 = arith.constant 0 : i32
        %dma_start3A_365 = arith.constant 0 : i32
        %dma_start3A_366 = tpu.memref_slice %arg12[%dma_start3A_362, %dma_start3A_364, %dma_start3A_365] : memref<2x80x128xf32, #tpu.memory_space<vmem>> -> memref<1x80x128xf32, #tpu.memory_space<vmem>>
        %dma_start3A_367 = tpu.memref_squeeze %dma_start3A_366 : memref<1x80x128xf32, #tpu.memory_space<vmem>> -> memref<80x128xf32, #tpu.memory_space<vmem>>
        %dma_start3A_368 = arith.constant 0 : i32
        %dma_start3A_369 = tpu.memref_slice %arg9[%dma_start3A_363, %dma_start3A_368] : memref<4x80xi32, #tpu.memory_space<vmem>> -> memref<1x80xi32, #tpu.memory_space<vmem>>
        %dma_start3A_370 = tpu.memref_squeeze %dma_start3A_369 : memref<1x80xi32, #tpu.memory_space<vmem>> -> memref<80xi32, #tpu.memory_space<vmem>>
        %dma_start3A_371 = arith.constant 0 : i32
        %dma_start3A_372 = arith.constant 0 : i32
        %dma_start3A_373 = tpu.memref_slice %arg13[%dma_start3A_371, %dma_start3A_372] : memref<10000x128xf32, #tpu.memory_space<vmem_shared>> -> memref<10000x128xf32, #tpu.memory_space<vmem_shared>>
        tpu.enqueue_indirect_dma source(%dma_start3A_367 : memref<80x128xf32, #tpu.memory_space<vmem>>) target(%dma_start3A_373 : memref<10000x128xf32, #tpu.memory_space<vmem_shared>>) offsets(%dma_start3A_370 : memref<80xi32, #tpu.memory_space<vmem>>) semaphore(%arg22 : memref<!tpu.dma_semaphore, #tpu.memory_space<semaphore_mem>>) {add = true}
      } else {
      }
      %add3A_244 = arith.constant 1 : i32
      %add3A_245 = arith.addi %add3A_216, %add3A_244 : i32
      %add3A_246 = arith.constant 2 : i32
      %add3A_247 = arith.addi %add3A_245, %add3A_246 : i32
      %lt3A_248 = arith.constant 125 : i32
      %lt3A_249 = arith.cmpi slt, %add3A_247, %lt3A_248 : i32
      %convert_element_type3A_250 = arith.extui %lt3A_249 : i1 to i32
      %cond3A_251 = arith.constant 0 : i32
      %cond3A_252 = arith.cmpi ne, %convert_element_type3A_250, %cond3A_251 : i32
      scf.if %cond3A_252 {
        %add3A_331 = arith.constant 2 : i32
        %add3A_332 = arith.addi %add3A_245, %add3A_331 : i32
        %mul3A_333 = arith.constant 80 : i32
        %mul3A_334 = arith.muli %add3A_332, %mul3A_333 : i32
        %add3A_335 = arith.addi %multiple_of3A_8, %mul3A_334 : i32
        %dma_start3A_336 = arith.constant 1 : i32
        %dma_start3A_337 = arith.constant 0 : i32
        %dma_start3A_338 = tpu.memref_slice %arg8[%dma_start3A_336, %dma_start3A_337] : memref<2x80xi32, #tpu.memory_space<vmem>> -> memref<1x80xi32, #tpu.memory_space<vmem>>
        %dma_start3A_339 = tpu.memref_squeeze %dma_start3A_338 : memref<1x80xi32, #tpu.memory_space<vmem>> -> memref<80xi32, #tpu.memory_space<vmem>>
        %dma_start3A_340 = tpu.memref_slice %arg3[%add3A_335] : memref<160000xi32, #tpu.memory_space<hbm>> -> memref<80xi32, #tpu.memory_space<hbm>>
        %dma_start3A_341 = arith.constant 0 : i32
        %dma_start3A_342 = tpu.memref_slice %arg8[%dma_start3A_336, %dma_start3A_341] : memref<2x80xi32, #tpu.memory_space<vmem>> -> memref<1x80xi32, #tpu.memory_space<vmem>>
        %dma_start3A_343 = tpu.memref_squeeze %dma_start3A_342 : memref<1x80xi32, #tpu.memory_space<vmem>> -> memref<80xi32, #tpu.memory_space<vmem>>
        %dma_start3A_344 = tpu.memref_slice %arg3[%add3A_335] : memref<160000xi32, #tpu.memory_space<hbm>> -> memref<80xi32, #tpu.memory_space<hbm>>
        tpu.enqueue_dma source(%dma_start3A_344 : memref<80xi32, #tpu.memory_space<hbm>>) target(%dma_start3A_343 : memref<80xi32, #tpu.memory_space<vmem>>) target_semaphore(%arg15 : memref<!tpu.dma_semaphore, #tpu.memory_space<semaphore_mem>>)
        %mul3A_345 = arith.constant 80 : i32
        %mul3A_346 = arith.muli %add3A_332, %mul3A_345 : i32
        %add3A_347 = arith.addi %multiple_of3A_8, %mul3A_346 : i32
        %dma_start3A_348 = arith.constant 3 : i32
        %dma_start3A_349 = arith.constant 0 : i32
        %dma_start3A_350 = tpu.memref_slice %arg9[%dma_start3A_348, %dma_start3A_349] : memref<4x80xi32, #tpu.memory_space<vmem>> -> memref<1x80xi32, #tpu.memory_space<vmem>>
        %dma_start3A_351 = tpu.memref_squeeze %dma_start3A_350 : memref<1x80xi32, #tpu.memory_space<vmem>> -> memref<80xi32, #tpu.memory_space<vmem>>
        %dma_start3A_352 = tpu.memref_slice %arg4[%add3A_347] : memref<160000xi32, #tpu.memory_space<hbm>> -> memref<80xi32, #tpu.memory_space<hbm>>
        %dma_start3A_353 = arith.constant 0 : i32
        %dma_start3A_354 = tpu.memref_slice %arg9[%dma_start3A_348, %dma_start3A_353] : memref<4x80xi32, #tpu.memory_space<vmem>> -> memref<1x80xi32, #tpu.memory_space<vmem>>
        %dma_start3A_355 = tpu.memref_squeeze %dma_start3A_354 : memref<1x80xi32, #tpu.memory_space<vmem>> -> memref<80xi32, #tpu.memory_space<vmem>>
        %dma_start3A_356 = tpu.memref_slice %arg4[%add3A_347] : memref<160000xi32, #tpu.memory_space<hbm>> -> memref<80xi32, #tpu.memory_space<hbm>>
        tpu.enqueue_dma source(%dma_start3A_356 : memref<80xi32, #tpu.memory_space<hbm>>) target(%dma_start3A_355 : memref<80xi32, #tpu.memory_space<vmem>>) target_semaphore(%arg17 : memref<!tpu.dma_semaphore, #tpu.memory_space<semaphore_mem>>)
      } else {
      }
      %ge3A_253 = arith.constant 1 : i32
      %ge3A_254 = arith.cmpi sge, %add3A_245, %ge3A_253 : i32
      %lt3A_255 = arith.constant 125 : i32
      %lt3A_256 = arith.cmpi slt, %add3A_245, %lt3A_255 : i32
      %and3A_257 = arith.andi %ge3A_254, %lt3A_256 : i1
      %convert_element_type3A_258 = arith.extui %and3A_257 : i1 to i32
      %cond3A_259 = arith.constant 0 : i32
      %cond3A_260 = arith.cmpi ne, %convert_element_type3A_258, %cond3A_259 : i32
      scf.if %cond3A_260 {
        %dma_wait3A_331 = arith.constant 0 : i32
        %dma_wait3A_332 = arith.constant 0 : i32
        %dma_wait3A_333 = arith.constant 0 : i32
        %dma_wait3A_334 = arith.constant 0 : i32
        %dma_wait3A_335 = tpu.memref_slice %arg12[%dma_wait3A_331, %dma_wait3A_333, %dma_wait3A_334] : memref<2x80x128xf32, #tpu.memory_space<vmem>> -> memref<1x80x128xf32, #tpu.memory_space<vmem>>
        %dma_wait3A_336 = tpu.memref_squeeze %dma_wait3A_335 : memref<1x80x128xf32, #tpu.memory_space<vmem>> -> memref<80x128xf32, #tpu.memory_space<vmem>>
        %dma_wait3A_337 = arith.constant 0 : i32
        %dma_wait3A_338 = tpu.memref_slice %arg9[%dma_wait3A_332, %dma_wait3A_337] : memref<4x80xi32, #tpu.memory_space<vmem>> -> memref<1x80xi32, #tpu.memory_space<vmem>>
        %dma_wait3A_339 = tpu.memref_squeeze %dma_wait3A_338 : memref<1x80xi32, #tpu.memory_space<vmem>> -> memref<80xi32, #tpu.memory_space<vmem>>
        %dma_wait3A_340 = arith.constant 0 : i32
        %dma_wait3A_341 = arith.constant 0 : i32
        %dma_wait3A_342 = tpu.memref_slice %arg13[%dma_wait3A_340, %dma_wait3A_341] : memref<10000x128xf32, #tpu.memory_space<vmem_shared>> -> memref<10000x128xf32, #tpu.memory_space<vmem_shared>>
        tpu.wait_indirect_dma semaphore(%arg22 : memref<!tpu.dma_semaphore, #tpu.memory_space<semaphore_mem>>) src(%dma_wait3A_336 : memref<80x128xf32, #tpu.memory_space<vmem>>) dst(%dma_wait3A_342 : memref<10000x128xf32, #tpu.memory_space<vmem_shared>>)
      } else {
      }
      %add3A_261 = arith.constant 1 : i32
      %add3A_262 = arith.addi %add3A_245, %add3A_261 : i32
      %lt3A_263 = arith.constant 125 : i32
      %lt3A_264 = arith.cmpi slt, %add3A_262, %lt3A_263 : i32
      %convert_element_type3A_265 = arith.extui %lt3A_264 : i1 to i32
      %cond3A_266 = arith.constant 0 : i32
      %cond3A_267 = arith.cmpi ne, %convert_element_type3A_265, %cond3A_266 : i32
      scf.if %cond3A_267 {
        %add3A_331 = arith.constant 1 : i32
        %add3A_332 = arith.addi %add3A_245, %add3A_331 : i32
        %mul3A_333 = arith.constant 80 : i32
        %mul3A_334 = arith.muli %add3A_332, %mul3A_333 : i32
        %add3A_335 = arith.addi %multiple_of3A_8, %mul3A_334 : i32
        %dma_wait3A_336 = arith.constant 0 : i32
        %dma_wait3A_337 = arith.constant 0 : i32
        %dma_wait3A_338 = tpu.memref_slice %arg8[%dma_wait3A_336, %dma_wait3A_337] : memref<2x80xi32, #tpu.memory_space<vmem>> -> memref<1x80xi32, #tpu.memory_space<vmem>>
        %dma_wait3A_339 = tpu.memref_squeeze %dma_wait3A_338 : memref<1x80xi32, #tpu.memory_space<vmem>> -> memref<80xi32, #tpu.memory_space<vmem>>
        %dma_wait3A_340 = tpu.memref_slice %arg3[%add3A_335] : memref<160000xi32, #tpu.memory_space<hbm>> -> memref<80xi32, #tpu.memory_space<hbm>>
        %dma_wait3A_341 = arith.constant 0 : i32
        %dma_wait3A_342 = tpu.memref_slice %arg8[%dma_wait3A_336, %dma_wait3A_341] : memref<2x80xi32, #tpu.memory_space<vmem>> -> memref<1x80xi32, #tpu.memory_space<vmem>>
        %dma_wait3A_343 = tpu.memref_squeeze %dma_wait3A_342 : memref<1x80xi32, #tpu.memory_space<vmem>> -> memref<80xi32, #tpu.memory_space<vmem>>
        %dma_wait3A_344 = tpu.memref_slice %arg3[%add3A_335] : memref<160000xi32, #tpu.memory_space<hbm>> -> memref<80xi32, #tpu.memory_space<hbm>>
        tpu.wait_dma2 semaphore(%arg14 : memref<!tpu.dma_semaphore, #tpu.memory_space<semaphore_mem>>) src(%dma_wait3A_344 : memref<80xi32, #tpu.memory_space<hbm>>) dst(%dma_wait3A_343 : memref<80xi32, #tpu.memory_space<vmem>>)
        %mul3A_345 = arith.constant 80 : i32
        %mul3A_346 = arith.muli %add3A_332, %mul3A_345 : i32
        %add3A_347 = arith.addi %multiple_of3A_8, %mul3A_346 : i32
        %dma_wait3A_348 = arith.constant 2 : i32
        %dma_wait3A_349 = arith.constant 0 : i32
        %dma_wait3A_350 = tpu.memref_slice %arg9[%dma_wait3A_348, %dma_wait3A_349] : memref<4x80xi32, #tpu.memory_space<vmem>> -> memref<1x80xi32, #tpu.memory_space<vmem>>
        %dma_wait3A_351 = tpu.memref_squeeze %dma_wait3A_350 : memref<1x80xi32, #tpu.memory_space<vmem>> -> memref<80xi32, #tpu.memory_space<vmem>>
        %dma_wait3A_352 = tpu.memref_slice %arg4[%add3A_347] : memref<160000xi32, #tpu.memory_space<hbm>> -> memref<80xi32, #tpu.memory_space<hbm>>
        %dma_wait3A_353 = arith.constant 0 : i32
        %dma_wait3A_354 = tpu.memref_slice %arg9[%dma_wait3A_348, %dma_wait3A_353] : memref<4x80xi32, #tpu.memory_space<vmem>> -> memref<1x80xi32, #tpu.memory_space<vmem>>
        %dma_wait3A_355 = tpu.memref_squeeze %dma_wait3A_354 : memref<1x80xi32, #tpu.memory_space<vmem>> -> memref<80xi32, #tpu.memory_space<vmem>>
        %dma_wait3A_356 = tpu.memref_slice %arg4[%add3A_347] : memref<160000xi32, #tpu.memory_space<hbm>> -> memref<80xi32, #tpu.memory_space<hbm>>
        tpu.wait_dma2 semaphore(%arg16 : memref<!tpu.dma_semaphore, #tpu.memory_space<semaphore_mem>>) src(%dma_wait3A_356 : memref<80xi32, #tpu.memory_space<hbm>>) dst(%dma_wait3A_355 : memref<80xi32, #tpu.memory_space<vmem>>)
        %add3A_357 = arith.constant 1 : i32
        %add3A_358 = arith.addi %add3A_245, %add3A_357 : i32
        %get3A_359 = arith.constant 0 : i32
        %get3A_360 = arith.index_cast %get3A_359 : i32 to index
        %get3A_361 = arith.constant 0 : index
        %get3A_362 = tpu.vector_load %arg8[%get3A_360, %get3A_361] {strides = array<i32>} : memref<2x80xi32, #tpu.memory_space<vmem>>, vector<1x16xi32>,
        %get3A_363 = vector.shape_cast %get3A_362 : vector<1x16xi32> to vector<16xi32>
        %mul3A_364 = arith.constant 2 : i32
        %mul3A_365 = vector.broadcast %mul3A_364 : i32 to vector<16xi32>
        %mul3A_366 = arith.muli %get3A_363, %mul3A_365 : vector<16xi32>
        %add3A_367 = vector.broadcast %arg0 : i32 to vector<16xi32>
        %add3A_368 = arith.addi %mul3A_366, %add3A_367 : vector<16xi32>
        %swap3A_369 = arith.constant 0 : i32
        %swap3A_370 = arith.index_cast %swap3A_369 : i32 to index
        %swap3A_371 = arith.constant 0 : index
        %swap3A_372 = tpu.vector_load %arg10[%swap3A_370, %swap3A_371] {strides = array<i32>} : memref<2x80xi32, #tpu.memory_space<vmem>>, vector<1x16xi32>,
        %swap3A_373 = vector.shape_cast %swap3A_372 : vector<1x16xi32> to vector<16xi32>
        %swap3A_374 = vector.shape_cast %add3A_368 : vector<16xi32> to vector<1x16xi32>
        tpu.vector_store %arg10[%swap3A_370, %swap3A_371], %swap3A_374 {strides = array<i32>} : memref<2x80xi32, #tpu.memory_space<vmem>>, vector<1x16xi32>,
        %get3A_375 = arith.constant 0 : i32
        %get3A_376 = arith.index_cast %get3A_375 : i32 to index
        %get3A_377 = arith.constant 16 : index
        %get3A_378 = tpu.vector_load %arg8[%get3A_376, %get3A_377] {strides = array<i32>} : memref<2x80xi32, #tpu.memory_space<vmem>>, vector<1x16xi32>,
        %get3A_379 = vector.shape_cast %get3A_378 : vector<1x16xi32> to vector<16xi32>
        %mul3A_380 = arith.constant 2 : i32
        %mul3A_381 = vector.broadcast %mul3A_380 : i32 to vector<16xi32>
        %mul3A_382 = arith.muli %get3A_379, %mul3A_381 : vector<16xi32>
        %add3A_383 = vector.broadcast %arg0 : i32 to vector<16xi32>
        %add3A_384 = arith.addi %mul3A_382, %add3A_383 : vector<16xi32>
        %swap3A_385 = arith.constant 0 : i32
        %swap3A_386 = arith.index_cast %swap3A_385 : i32 to index
        %swap3A_387 = arith.constant 16 : index
        %swap3A_388 = tpu.vector_load %arg10[%swap3A_386, %swap3A_387] {strides = array<i32>} : memref<2x80xi32, #tpu.memory_space<vmem>>, vector<1x16xi32>,
        %swap3A_389 = vector.shape_cast %swap3A_388 : vector<1x16xi32> to vector<16xi32>
        %swap3A_390 = vector.shape_cast %add3A_384 : vector<16xi32> to vector<1x16xi32>
        tpu.vector_store %arg10[%swap3A_386, %swap3A_387], %swap3A_390 {strides = array<i32>} : memref<2x80xi32, #tpu.memory_space<vmem>>, vector<1x16xi32>,
        %get3A_391 = arith.constant 0 : i32
        %get3A_392 = arith.index_cast %get3A_391 : i32 to index
        %get3A_393 = arith.constant 32 : index
        %get3A_394 = tpu.vector_load %arg8[%get3A_392, %get3A_393] {strides = array<i32>} : memref<2x80xi32, #tpu.memory_space<vmem>>, vector<1x16xi32>,
        %get3A_395 = vector.shape_cast %get3A_394 : vector<1x16xi32> to vector<16xi32>
        %mul3A_396 = arith.constant 2 : i32
        %mul3A_397 = vector.broadcast %mul3A_396 : i32 to vector<16xi32>
        %mul3A_398 = arith.muli %get3A_395, %mul3A_397 : vector<16xi32>
        %add3A_399 = vector.broadcast %arg0 : i32 to vector<16xi32>
        %add3A_400 = arith.addi %mul3A_398, %add3A_399 : vector<16xi32>
        %swap3A_401 = arith.constant 0 : i32
        %swap3A_402 = arith.index_cast %swap3A_401 : i32 to index
        %swap3A_403 = arith.constant 32 : index
        %swap3A_404 = tpu.vector_load %arg10[%swap3A_402, %swap3A_403] {strides = array<i32>} : memref<2x80xi32, #tpu.memory_space<vmem>>, vector<1x16xi32>,
        %swap3A_405 = vector.shape_cast %swap3A_404 : vector<1x16xi32> to vector<16xi32>
        %swap3A_406 = vector.shape_cast %add3A_400 : vector<16xi32> to vector<1x16xi32>
        tpu.vector_store %arg10[%swap3A_402, %swap3A_403], %swap3A_406 {strides = array<i32>} : memref<2x80xi32, #tpu.memory_space<vmem>>, vector<1x16xi32>,
        %get3A_407 = arith.constant 0 : i32
        %get3A_408 = arith.index_cast %get3A_407 : i32 to index
        %get3A_409 = arith.constant 48 : index
        %get3A_410 = tpu.vector_load %arg8[%get3A_408, %get3A_409] {strides = array<i32>} : memref<2x80xi32, #tpu.memory_space<vmem>>, vector<1x16xi32>,
        %get3A_411 = vector.shape_cast %get3A_410 : vector<1x16xi32> to vector<16xi32>
        %mul3A_412 = arith.constant 2 : i32
        %mul3A_413 = vector.broadcast %mul3A_412 : i32 to vector<16xi32>
        %mul3A_414 = arith.muli %get3A_411, %mul3A_413 : vector<16xi32>
        %add3A_415 = vector.broadcast %arg0 : i32 to vector<16xi32>
        %add3A_416 = arith.addi %mul3A_414, %add3A_415 : vector<16xi32>
        %swap3A_417 = arith.constant 0 : i32
        %swap3A_418 = arith.index_cast %swap3A_417 : i32 to index
        %swap3A_419 = arith.constant 48 : index
        %swap3A_420 = tpu.vector_load %arg10[%swap3A_418, %swap3A_419] {strides = array<i32>} : memref<2x80xi32, #tpu.memory_space<vmem>>, vector<1x16xi32>,
        %swap3A_421 = vector.shape_cast %swap3A_420 : vector<1x16xi32> to vector<16xi32>
        %swap3A_422 = vector.shape_cast %add3A_416 : vector<16xi32> to vector<1x16xi32>
        tpu.vector_store %arg10[%swap3A_418, %swap3A_419], %swap3A_422 {strides = array<i32>} : memref<2x80xi32, #tpu.memory_space<vmem>>, vector<1x16xi32>,
        %get3A_423 = arith.constant 0 : i32
        %get3A_424 = arith.index_cast %get3A_423 : i32 to index
        %get3A_425 = arith.constant 64 : index
        %get3A_426 = tpu.vector_load %arg8[%get3A_424, %get3A_425] {strides = array<i32>} : memref<2x80xi32, #tpu.memory_space<vmem>>, vector<1x16xi32>,
        %get3A_427 = vector.shape_cast %get3A_426 : vector<1x16xi32> to vector<16xi32>
        %mul3A_428 = arith.constant 2 : i32
        %mul3A_429 = vector.broadcast %mul3A_428 : i32 to vector<16xi32>
        %mul3A_430 = arith.muli %get3A_427, %mul3A_429 : vector<16xi32>
        %add3A_431 = vector.broadcast %arg0 : i32 to vector<16xi32>
        %add3A_432 = arith.addi %mul3A_430, %add3A_431 : vector<16xi32>
        %swap3A_433 = arith.constant 0 : i32
        %swap3A_434 = arith.index_cast %swap3A_433 : i32 to index
        %swap3A_435 = arith.constant 64 : index
        %swap3A_436 = tpu.vector_load %arg10[%swap3A_434, %swap3A_435] {strides = array<i32>} : memref<2x80xi32, #tpu.memory_space<vmem>>, vector<1x16xi32>,
        %swap3A_437 = vector.shape_cast %swap3A_436 : vector<1x16xi32> to vector<16xi32>
        %swap3A_438 = vector.shape_cast %add3A_432 : vector<16xi32> to vector<1x16xi32>
        tpu.vector_store %arg10[%swap3A_434, %swap3A_435], %swap3A_438 {strides = array<i32>} : memref<2x80xi32, #tpu.memory_space<vmem>>, vector<1x16xi32>,
        %dma_start3A_439 = arith.constant 0 : i32
        %dma_start3A_440 = arith.constant 0 : i32
        %dma_start3A_441 = arith.constant 0 : i32
        %dma_start3A_442 = arith.constant 0 : i32
        %dma_start3A_443 = tpu.memref_slice %arg11[%dma_start3A_440, %dma_start3A_441, %dma_start3A_442] : memref<2x80x128xf32, #tpu.memory_space<vmem>> -> memref<1x80x128xf32, #tpu.memory_space<vmem>>
        %dma_start3A_444 = tpu.memref_squeeze %dma_start3A_443 : memref<1x80x128xf32, #tpu.memory_space<vmem>> -> memref<80x128xf32, #tpu.memory_space<vmem>>
        %dma_start3A_445 = arith.constant 0 : i32
        %dma_start3A_446 = tpu.memref_slice %arg10[%dma_start3A_439, %dma_start3A_445] : memref<2x80xi32, #tpu.memory_space<vmem>> -> memref<1x80xi32, #tpu.memory_space<vmem>>
        %dma_start3A_447 = tpu.memref_squeeze %dma_start3A_446 : memref<1x80xi32, #tpu.memory_space<vmem>> -> memref<80xi32, #tpu.memory_space<vmem>>
        %dma_start3A_448 = arith.constant 0 : i32
        %dma_start3A_449 = arith.constant 0 : i32
        %dma_start3A_450 = tpu.memref_slice %arg2[%dma_start3A_448, %dma_start3A_449] : memref<20000x128xf32, #tpu.memory_space<hbm>> -> memref<20000x128xf32, #tpu.memory_space<hbm>>
        tpu.enqueue_indirect_dma source(%dma_start3A_450 : memref<20000x128xf32, #tpu.memory_space<hbm>>) target(%dma_start3A_444 : memref<80x128xf32, #tpu.memory_space<vmem>>) offsets(%dma_start3A_447 : memref<80xi32, #tpu.memory_space<vmem>>) semaphore(%arg18 : memref<!tpu.dma_semaphore, #tpu.memory_space<semaphore_mem>>)
        %mul3A_451 = arith.constant 80 : i32
        %mul3A_452 = arith.muli %add3A_358, %mul3A_451 : i32
        %add3A_453 = arith.addi %multiple_of3A_8, %mul3A_452 : i32
        %dma_start3A_454 = arith.constant 0 : i32
        %dma_start3A_455 = arith.constant 0 : i32
        %dma_start3A_456 = arith.constant 0 : i32
        %dma_start3A_457 = tpu.memref_slice %arg12[%dma_start3A_454, %dma_start3A_455, %dma_start3A_456] : memref<2x80x128xf32, #tpu.memory_space<vmem>> -> memref<1x80x128xf32, #tpu.memory_space<vmem>>
        %dma_start3A_458 = tpu.memref_squeeze %dma_start3A_457 : memref<1x80x128xf32, #tpu.memory_space<vmem>> -> memref<80x128xf32, #tpu.memory_space<vmem>>
        %dma_start3A_459 = tpu.memref_slice %arg5[%add3A_453, %multiple_of3A_17] : memref<160000x256xf32, #tpu.memory_space<hbm>> -> memref<80x128xf32, #tpu.memory_space<hbm>>
        %dma_start3A_460 = arith.constant 0 : i32
        %dma_start3A_461 = arith.constant 0 : i32
        %dma_start3A_462 = tpu.memref_slice %arg12[%dma_start3A_454, %dma_start3A_460, %dma_start3A_461] : memref<2x80x128xf32, #tpu.memory_space<vmem>> -> memref<1x80x128xf32, #tpu.memory_space<vmem>>
        %dma_start3A_463 = tpu.memref_squeeze %dma_start3A_462 : memref<1x80x128xf32, #tpu.memory_space<vmem>> -> memref<80x128xf32, #tpu.memory_space<vmem>>
        %dma_start3A_464 = tpu.memref_slice %arg5[%add3A_453, %multiple_of3A_17] : memref<160000x256xf32, #tpu.memory_space<hbm>> -> memref<80x128xf32, #tpu.memory_space<hbm>>
        tpu.enqueue_dma source(%dma_start3A_464 : memref<80x128xf32, #tpu.memory_space<hbm>>) target(%dma_start3A_463 : memref<80x128xf32, #tpu.memory_space<vmem>>) target_semaphore(%arg20 : memref<!tpu.dma_semaphore, #tpu.memory_space<semaphore_mem>>)
      } else {
      }
      %lt3A_268 = arith.constant 125 : i32
      %lt3A_269 = arith.cmpi slt, %add3A_245, %lt3A_268 : i32
      %convert_element_type3A_270 = arith.extui %lt3A_269 : i1 to i32
      %cond3A_271 = arith.constant 0 : i32
      %cond3A_272 = arith.cmpi ne, %convert_element_type3A_270, %cond3A_271 : i32
      scf.if %cond3A_272 {
        %dma_wait3A_331 = arith.constant 1 : i32
        %dma_wait3A_332 = arith.constant 1 : i32
        %dma_wait3A_333 = arith.constant 0 : i32
        %dma_wait3A_334 = arith.constant 0 : i32
        %dma_wait3A_335 = tpu.memref_slice %arg11[%dma_wait3A_332, %dma_wait3A_333, %dma_wait3A_334] : memref<2x80x128xf32, #tpu.memory_space<vmem>> -> memref<1x80x128xf32, #tpu.memory_space<vmem>>
        %dma_wait3A_336 = tpu.memref_squeeze %dma_wait3A_335 : memref<1x80x128xf32, #tpu.memory_space<vmem>> -> memref<80x128xf32, #tpu.memory_space<vmem>>
        %dma_wait3A_337 = arith.constant 0 : i32
        %dma_wait3A_338 = tpu.memref_slice %arg10[%dma_wait3A_331, %dma_wait3A_337] : memref<2x80xi32, #tpu.memory_space<vmem>> -> memref<1x80xi32, #tpu.memory_space<vmem>>
        %dma_wait3A_339 = tpu.memref_squeeze %dma_wait3A_338 : memref<1x80xi32, #tpu.memory_space<vmem>> -> memref<80xi32, #tpu.memory_space<vmem>>
        %dma_wait3A_340 = arith.constant 0 : i32
        %dma_wait3A_341 = arith.constant 0 : i32
        %dma_wait3A_342 = tpu.memref_slice %arg2[%dma_wait3A_340, %dma_wait3A_341] : memref<20000x128xf32, #tpu.memory_space<hbm>> -> memref<20000x128xf32, #tpu.memory_space<hbm>>
        tpu.wait_indirect_dma semaphore(%arg19 : memref<!tpu.dma_semaphore, #tpu.memory_space<semaphore_mem>>) src(%dma_wait3A_342 : memref<20000x128xf32, #tpu.memory_space<hbm>>) dst(%dma_wait3A_336 : memref<80x128xf32, #tpu.memory_space<vmem>>)
        %mul3A_343 = arith.constant 80 : i32
        %mul3A_344 = arith.muli %add3A_245, %mul3A_343 : i32
        %add3A_345 = arith.addi %multiple_of3A_8, %mul3A_344 : i32
        %dma_wait3A_346 = arith.constant 1 : i32
        %dma_wait3A_347 = arith.constant 0 : i32
        %dma_wait3A_348 = arith.constant 0 : i32
        %dma_wait3A_349 = tpu.memref_slice %arg12[%dma_wait3A_346, %dma_wait3A_347, %dma_wait3A_348] : memref<2x80x128xf32, #tpu.memory_space<vmem>> -> memref<1x80x128xf32, #tpu.memory_space<vmem>>
        %dma_wait3A_350 = tpu.memref_squeeze %dma_wait3A_349 : memref<1x80x128xf32, #tpu.memory_space<vmem>> -> memref<80x128xf32, #tpu.memory_space<vmem>>
        %dma_wait3A_351 = tpu.memref_slice %arg5[%add3A_345, %multiple_of3A_17] : memref<160000x256xf32, #tpu.memory_space<hbm>> -> memref<80x128xf32, #tpu.memory_space<hbm>>
        %dma_wait3A_352 = arith.constant 0 : i32
        %dma_wait3A_353 = arith.constant 0 : i32
        %dma_wait3A_354 = tpu.memref_slice %arg12[%dma_wait3A_346, %dma_wait3A_352, %dma_wait3A_353] : memref<2x80x128xf32, #tpu.memory_space<vmem>> -> memref<1x80x128xf32, #tpu.memory_space<vmem>>
        %dma_wait3A_355 = tpu.memref_squeeze %dma_wait3A_354 : memref<1x80x128xf32, #tpu.memory_space<vmem>> -> memref<80x128xf32, #tpu.memory_space<vmem>>
        %dma_wait3A_356 = tpu.memref_slice %arg5[%add3A_345, %multiple_of3A_17] : memref<160000x256xf32, #tpu.memory_space<hbm>> -> memref<80x128xf32, #tpu.memory_space<hbm>>
        tpu.wait_dma2 semaphore(%arg21 : memref<!tpu.dma_semaphore, #tpu.memory_space<semaphore_mem>>) src(%dma_wait3A_356 : memref<80x128xf32, #tpu.memory_space<hbm>>) dst(%dma_wait3A_355 : memref<80x128xf32, #tpu.memory_space<vmem>>)
        %scan3A_357 = arith.constant 0 : i32
        %scan3A_358 = arith.constant 80 : i32
        %scan3A_359 = arith.addi %scan3A_357, %scan3A_358 : i32
        %scan3A_360 = arith.constant 1 : i32
        scf.for %scan3A_374 = %scan3A_357 to %scan3A_359 step %scan3A_360  : i32 {
          %mul3A_375 = arith.constant 1 : i32
          %mul3A_376 = arith.muli %scan3A_374, %mul3A_375 : i32
          %add3A_377 = arith.constant 0 : i32
          %add3A_378 = arith.addi %add3A_377, %mul3A_376 : i32
          %get3A_379 = arith.constant 1 : i32
          %get3A_380 = arith.index_cast %get3A_379 : i32 to index
          %get3A_381 = arith.index_cast %add3A_378 : i32 to index
          %get3A_382 = arith.constant 0 : index
          %get3A_383 = tpu.vector_load %arg11[%get3A_380, %get3A_381, %get3A_382] {strides = array<i32>} : memref<2x80x128xf32, #tpu.memory_space<vmem>>, vector<1x1x16xf32>,
          %get3A_384 = vector.shape_cast %get3A_383 : vector<1x1x16xf32> to vector<16xf32>
          %get3A_385 = arith.constant 1 : i32
          %get3A_386 = arith.index_cast %get3A_385 : i32 to index
          %get3A_387 = arith.index_cast %add3A_378 : i32 to index
          %get3A_388 = arith.constant 0 : index
          %get3A_389 = tpu.vector_load %arg12[%get3A_386, %get3A_387, %get3A_388] {strides = array<i32>} : memref<2x80x128xf32, #tpu.memory_space<vmem>>, vector<1x1x16xf32>,
          %get3A_390 = vector.shape_cast %get3A_389 : vector<1x1x16xf32> to vector<16xf32>
          %add3A_391 = arith.addf %get3A_384, %get3A_390 : vector<16xf32>
          %max3A = arith.constant 0.000000e+00 : f32
          %max3A_392 = vector.broadcast %max3A : f32 to vector<16xf32>
          %max3A_393 = arith.maximumf %add3A_391, %max3A_392 : vector<16xf32>
          %swap3A_394 = arith.constant 1 : i32
          %swap3A_395 = arith.index_cast %swap3A_394 : i32 to index
          %swap3A_396 = arith.index_cast %add3A_378 : i32 to index
          %swap3A_397 = arith.constant 0 : index
          %swap3A_398 = tpu.vector_load %arg12[%swap3A_395, %swap3A_396, %swap3A_397] {strides = array<i32>} : memref<2x80x128xf32, #tpu.memory_space<vmem>>, vector<1x1x16xf32>,
          %swap3A_399 = vector.shape_cast %swap3A_398 : vector<1x1x16xf32> to vector<16xf32>
          %swap3A_400 = vector.shape_cast %max3A_393 : vector<16xf32> to vector<1x1x16xf32>
          tpu.vector_store %arg12[%swap3A_395, %swap3A_396, %swap3A_397], %swap3A_400 {strides = array<i32>} : memref<2x80x128xf32, #tpu.memory_space<vmem>>, vector<1x1x16xf32>,
          %get3A_401 = arith.constant 1 : i32
          %get3A_402 = arith.index_cast %get3A_401 : i32 to index
          %get3A_403 = arith.index_cast %add3A_378 : i32 to index
          %get3A_404 = arith.constant 16 : index
          %get3A_405 = tpu.vector_load %arg11[%get3A_402, %get3A_403, %get3A_404] {strides = array<i32>} : memref<2x80x128xf32, #tpu.memory_space<vmem>>, vector<1x1x16xf32>,
          %get3A_406 = vector.shape_cast %get3A_405 : vector<1x1x16xf32> to vector<16xf32>
          %get3A_407 = arith.constant 1 : i32
          %get3A_408 = arith.index_cast %get3A_407 : i32 to index
          %get3A_409 = arith.index_cast %add3A_378 : i32 to index
          %get3A_410 = arith.constant 16 : index
          %get3A_411 = tpu.vector_load %arg12[%get3A_408, %get3A_409, %get3A_410] {strides = array<i32>} : memref<2x80x128xf32, #tpu.memory_space<vmem>>, vector<1x1x16xf32>,
          %get3A_412 = vector.shape_cast %get3A_411 : vector<1x1x16xf32> to vector<16xf32>
          %add3A_413 = arith.addf %get3A_406, %get3A_412 : vector<16xf32>
          %max3A_414 = arith.constant 0.000000e+00 : f32
          %max3A_415 = vector.broadcast %max3A_414 : f32 to vector<16xf32>
          %max3A_416 = arith.maximumf %add3A_413, %max3A_415 : vector<16xf32>
          %swap3A_417 = arith.constant 1 : i32
          %swap3A_418 = arith.index_cast %swap3A_417 : i32 to index
          %swap3A_419 = arith.index_cast %add3A_378 : i32 to index
          %swap3A_420 = arith.constant 16 : index
          %swap3A_421 = tpu.vector_load %arg12[%swap3A_418, %swap3A_419, %swap3A_420] {strides = array<i32>} : memref<2x80x128xf32, #tpu.memory_space<vmem>>, vector<1x1x16xf32>,
          %swap3A_422 = vector.shape_cast %swap3A_421 : vector<1x1x16xf32> to vector<16xf32>
          %swap3A_423 = vector.shape_cast %max3A_416 : vector<16xf32> to vector<1x1x16xf32>
          tpu.vector_store %arg12[%swap3A_418, %swap3A_419, %swap3A_420], %swap3A_423 {strides = array<i32>} : memref<2x80x128xf32, #tpu.memory_space<vmem>>, vector<1x1x16xf32>,
          %get3A_424 = arith.constant 1 : i32
          %get3A_425 = arith.index_cast %get3A_424 : i32 to index
          %get3A_426 = arith.index_cast %add3A_378 : i32 to index
          %get3A_427 = arith.constant 32 : index
          %get3A_428 = tpu.vector_load %arg11[%get3A_425, %get3A_426, %get3A_427] {strides = array<i32>} : memref<2x80x128xf32, #tpu.memory_space<vmem>>, vector<1x1x16xf32>,
          %get3A_429 = vector.shape_cast %get3A_428 : vector<1x1x16xf32> to vector<16xf32>
          %get3A_430 = arith.constant 1 : i32
          %get3A_431 = arith.index_cast %get3A_430 : i32 to index
          %get3A_432 = arith.index_cast %add3A_378 : i32 to index
          %get3A_433 = arith.constant 32 : index
          %get3A_434 = tpu.vector_load %arg12[%get3A_431, %get3A_432, %get3A_433] {strides = array<i32>} : memref<2x80x128xf32, #tpu.memory_space<vmem>>, vector<1x1x16xf32>,
          %get3A_435 = vector.shape_cast %get3A_434 : vector<1x1x16xf32> to vector<16xf32>
          %add3A_436 = arith.addf %get3A_429, %get3A_435 : vector<16xf32>
          %max3A_437 = arith.constant 0.000000e+00 : f32
          %max3A_438 = vector.broadcast %max3A_437 : f32 to vector<16xf32>
          %max3A_439 = arith.maximumf %add3A_436, %max3A_438 : vector<16xf32>
          %swap3A_440 = arith.constant 1 : i32
          %swap3A_441 = arith.index_cast %swap3A_440 : i32 to index
          %swap3A_442 = arith.index_cast %add3A_378 : i32 to index
          %swap3A_443 = arith.constant 32 : index
          %swap3A_444 = tpu.vector_load %arg12[%swap3A_441, %swap3A_442, %swap3A_443] {strides = array<i32>} : memref<2x80x128xf32, #tpu.memory_space<vmem>>, vector<1x1x16xf32>,
          %swap3A_445 = vector.shape_cast %swap3A_444 : vector<1x1x16xf32> to vector<16xf32>
          %swap3A_446 = vector.shape_cast %max3A_439 : vector<16xf32> to vector<1x1x16xf32>
          tpu.vector_store %arg12[%swap3A_441, %swap3A_442, %swap3A_443], %swap3A_446 {strides = array<i32>} : memref<2x80x128xf32, #tpu.memory_space<vmem>>, vector<1x1x16xf32>,
          %get3A_447 = arith.constant 1 : i32
          %get3A_448 = arith.index_cast %get3A_447 : i32 to index
          %get3A_449 = arith.index_cast %add3A_378 : i32 to index
          %get3A_450 = arith.constant 48 : index
          %get3A_451 = tpu.vector_load %arg11[%get3A_448, %get3A_449, %get3A_450] {strides = array<i32>} : memref<2x80x128xf32, #tpu.memory_space<vmem>>, vector<1x1x16xf32>,
          %get3A_452 = vector.shape_cast %get3A_451 : vector<1x1x16xf32> to vector<16xf32>
          %get3A_453 = arith.constant 1 : i32
          %get3A_454 = arith.index_cast %get3A_453 : i32 to index
          %get3A_455 = arith.index_cast %add3A_378 : i32 to index
          %get3A_456 = arith.constant 48 : index
          %get3A_457 = tpu.vector_load %arg12[%get3A_454, %get3A_455, %get3A_456] {strides = array<i32>} : memref<2x80x128xf32, #tpu.memory_space<vmem>>, vector<1x1x16xf32>,
          %get3A_458 = vector.shape_cast %get3A_457 : vector<1x1x16xf32> to vector<16xf32>
          %add3A_459 = arith.addf %get3A_452, %get3A_458 : vector<16xf32>
          %max3A_460 = arith.constant 0.000000e+00 : f32
          %max3A_461 = vector.broadcast %max3A_460 : f32 to vector<16xf32>
          %max3A_462 = arith.maximumf %add3A_459, %max3A_461 : vector<16xf32>
          %swap3A_463 = arith.constant 1 : i32
          %swap3A_464 = arith.index_cast %swap3A_463 : i32 to index
          %swap3A_465 = arith.index_cast %add3A_378 : i32 to index
          %swap3A_466 = arith.constant 48 : index
          %swap3A_467 = tpu.vector_load %arg12[%swap3A_464, %swap3A_465, %swap3A_466] {strides = array<i32>} : memref<2x80x128xf32, #tpu.memory_space<vmem>>, vector<1x1x16xf32>,
          %swap3A_468 = vector.shape_cast %swap3A_467 : vector<1x1x16xf32> to vector<16xf32>
          %swap3A_469 = vector.shape_cast %max3A_462 : vector<16xf32> to vector<1x1x16xf32>
          tpu.vector_store %arg12[%swap3A_464, %swap3A_465, %swap3A_466], %swap3A_469 {strides = array<i32>} : memref<2x80x128xf32, #tpu.memory_space<vmem>>, vector<1x1x16xf32>,
          %get3A_470 = arith.constant 1 : i32
          %get3A_471 = arith.index_cast %get3A_470 : i32 to index
          %get3A_472 = arith.index_cast %add3A_378 : i32 to index
          %get3A_473 = arith.constant 64 : index
          %get3A_474 = tpu.vector_load %arg11[%get3A_471, %get3A_472, %get3A_473] {strides = array<i32>} : memref<2x80x128xf32, #tpu.memory_space<vmem>>, vector<1x1x16xf32>,
          %get3A_475 = vector.shape_cast %get3A_474 : vector<1x1x16xf32> to vector<16xf32>
          %get3A_476 = arith.constant 1 : i32
          %get3A_477 = arith.index_cast %get3A_476 : i32 to index
          %get3A_478 = arith.index_cast %add3A_378 : i32 to index
          %get3A_479 = arith.constant 64 : index
          %get3A_480 = tpu.vector_load %arg12[%get3A_477, %get3A_478, %get3A_479] {strides = array<i32>} : memref<2x80x128xf32, #tpu.memory_space<vmem>>, vector<1x1x16xf32>,
          %get3A_481 = vector.shape_cast %get3A_480 : vector<1x1x16xf32> to vector<16xf32>
          %add3A_482 = arith.addf %get3A_475, %get3A_481 : vector<16xf32>
          %max3A_483 = arith.constant 0.000000e+00 : f32
          %max3A_484 = vector.broadcast %max3A_483 : f32 to vector<16xf32>
          %max3A_485 = arith.maximumf %add3A_482, %max3A_484 : vector<16xf32>
          %swap3A_486 = arith.constant 1 : i32
          %swap3A_487 = arith.index_cast %swap3A_486 : i32 to index
          %swap3A_488 = arith.index_cast %add3A_378 : i32 to index
          %swap3A_489 = arith.constant 64 : index
          %swap3A_490 = tpu.vector_load %arg12[%swap3A_487, %swap3A_488, %swap3A_489] {strides = array<i32>} : memref<2x80x128xf32, #tpu.memory_space<vmem>>, vector<1x1x16xf32>,
          %swap3A_491 = vector.shape_cast %swap3A_490 : vector<1x1x16xf32> to vector<16xf32>
          %swap3A_492 = vector.shape_cast %max3A_485 : vector<16xf32> to vector<1x1x16xf32>
          tpu.vector_store %arg12[%swap3A_487, %swap3A_488, %swap3A_489], %swap3A_492 {strides = array<i32>} : memref<2x80x128xf32, #tpu.memory_space<vmem>>, vector<1x1x16xf32>,
          %get3A_493 = arith.constant 1 : i32
          %get3A_494 = arith.index_cast %get3A_493 : i32 to index
          %get3A_495 = arith.index_cast %add3A_378 : i32 to index
          %get3A_496 = arith.constant 80 : index
          %get3A_497 = tpu.vector_load %arg11[%get3A_494, %get3A_495, %get3A_496] {strides = array<i32>} : memref<2x80x128xf32, #tpu.memory_space<vmem>>, vector<1x1x16xf32>,
          %get3A_498 = vector.shape_cast %get3A_497 : vector<1x1x16xf32> to vector<16xf32>
          %get3A_499 = arith.constant 1 : i32
          %get3A_500 = arith.index_cast %get3A_499 : i32 to index
          %get3A_501 = arith.index_cast %add3A_378 : i32 to index
          %get3A_502 = arith.constant 80 : index
          %get3A_503 = tpu.vector_load %arg12[%get3A_500, %get3A_501, %get3A_502] {strides = array<i32>} : memref<2x80x128xf32, #tpu.memory_space<vmem>>, vector<1x1x16xf32>,
          %get3A_504 = vector.shape_cast %get3A_503 : vector<1x1x16xf32> to vector<16xf32>
          %add3A_505 = arith.addf %get3A_498, %get3A_504 : vector<16xf32>
          %max3A_506 = arith.constant 0.000000e+00 : f32
          %max3A_507 = vector.broadcast %max3A_506 : f32 to vector<16xf32>
          %max3A_508 = arith.maximumf %add3A_505, %max3A_507 : vector<16xf32>
          %swap3A_509 = arith.constant 1 : i32
          %swap3A_510 = arith.index_cast %swap3A_509 : i32 to index
          %swap3A_511 = arith.index_cast %add3A_378 : i32 to index
          %swap3A_512 = arith.constant 80 : index
          %swap3A_513 = tpu.vector_load %arg12[%swap3A_510, %swap3A_511, %swap3A_512] {strides = array<i32>} : memref<2x80x128xf32, #tpu.memory_space<vmem>>, vector<1x1x16xf32>,
          %swap3A_514 = vector.shape_cast %swap3A_513 : vector<1x1x16xf32> to vector<16xf32>
          %swap3A_515 = vector.shape_cast %max3A_508 : vector<16xf32> to vector<1x1x16xf32>
          tpu.vector_store %arg12[%swap3A_510, %swap3A_511, %swap3A_512], %swap3A_515 {strides = array<i32>} : memref<2x80x128xf32, #tpu.memory_space<vmem>>, vector<1x1x16xf32>,
          %get3A_516 = arith.constant 1 : i32
          %get3A_517 = arith.index_cast %get3A_516 : i32 to index
          %get3A_518 = arith.index_cast %add3A_378 : i32 to index
          %get3A_519 = arith.constant 96 : index
          %get3A_520 = tpu.vector_load %arg11[%get3A_517, %get3A_518, %get3A_519] {strides = array<i32>} : memref<2x80x128xf32, #tpu.memory_space<vmem>>, vector<1x1x16xf32>,
          %get3A_521 = vector.shape_cast %get3A_520 : vector<1x1x16xf32> to vector<16xf32>
          %get3A_522 = arith.constant 1 : i32
          %get3A_523 = arith.index_cast %get3A_522 : i32 to index
          %get3A_524 = arith.index_cast %add3A_378 : i32 to index
          %get3A_525 = arith.constant 96 : index
          %get3A_526 = tpu.vector_load %arg12[%get3A_523, %get3A_524, %get3A_525] {strides = array<i32>} : memref<2x80x128xf32, #tpu.memory_space<vmem>>, vector<1x1x16xf32>,
          %get3A_527 = vector.shape_cast %get3A_526 : vector<1x1x16xf32> to vector<16xf32>
          %add3A_528 = arith.addf %get3A_521, %get3A_527 : vector<16xf32>
          %max3A_529 = arith.constant 0.000000e+00 : f32
          %max3A_530 = vector.broadcast %max3A_529 : f32 to vector<16xf32>
          %max3A_531 = arith.maximumf %add3A_528, %max3A_530 : vector<16xf32>
          %swap3A_532 = arith.constant 1 : i32
          %swap3A_533 = arith.index_cast %swap3A_532 : i32 to index
          %swap3A_534 = arith.index_cast %add3A_378 : i32 to index
          %swap3A_535 = arith.constant 96 : index
          %swap3A_536 = tpu.vector_load %arg12[%swap3A_533, %swap3A_534, %swap3A_535] {strides = array<i32>} : memref<2x80x128xf32, #tpu.memory_space<vmem>>, vector<1x1x16xf32>,
          %swap3A_537 = vector.shape_cast %swap3A_536 : vector<1x1x16xf32> to vector<16xf32>
          %swap3A_538 = vector.shape_cast %max3A_531 : vector<16xf32> to vector<1x1x16xf32>
          tpu.vector_store %arg12[%swap3A_533, %swap3A_534, %swap3A_535], %swap3A_538 {strides = array<i32>} : memref<2x80x128xf32, #tpu.memory_space<vmem>>, vector<1x1x16xf32>,
          %get3A_539 = arith.constant 1 : i32
          %get3A_540 = arith.index_cast %get3A_539 : i32 to index
          %get3A_541 = arith.index_cast %add3A_378 : i32 to index
          %get3A_542 = arith.constant 112 : index
          %get3A_543 = tpu.vector_load %arg11[%get3A_540, %get3A_541, %get3A_542] {strides = array<i32>} : memref<2x80x128xf32, #tpu.memory_space<vmem>>, vector<1x1x16xf32>,
          %get3A_544 = vector.shape_cast %get3A_543 : vector<1x1x16xf32> to vector<16xf32>
          %get3A_545 = arith.constant 1 : i32
          %get3A_546 = arith.index_cast %get3A_545 : i32 to index
          %get3A_547 = arith.index_cast %add3A_378 : i32 to index
          %get3A_548 = arith.constant 112 : index
          %get3A_549 = tpu.vector_load %arg12[%get3A_546, %get3A_547, %get3A_548] {strides = array<i32>} : memref<2x80x128xf32, #tpu.memory_space<vmem>>, vector<1x1x16xf32>,
          %get3A_550 = vector.shape_cast %get3A_549 : vector<1x1x16xf32> to vector<16xf32>
          %add3A_551 = arith.addf %get3A_544, %get3A_550 : vector<16xf32>
          %max3A_552 = arith.constant 0.000000e+00 : f32
          %max3A_553 = vector.broadcast %max3A_552 : f32 to vector<16xf32>
          %max3A_554 = arith.maximumf %add3A_551, %max3A_553 : vector<16xf32>
          %swap3A_555 = arith.constant 1 : i32
          %swap3A_556 = arith.index_cast %swap3A_555 : i32 to index
          %swap3A_557 = arith.index_cast %add3A_378 : i32 to index
          %swap3A_558 = arith.constant 112 : index
          %swap3A_559 = tpu.vector_load %arg12[%swap3A_556, %swap3A_557, %swap3A_558] {strides = array<i32>} : memref<2x80x128xf32, #tpu.memory_space<vmem>>, vector<1x1x16xf32>,
          %swap3A_560 = vector.shape_cast %swap3A_559 : vector<1x1x16xf32> to vector<16xf32>
          %swap3A_561 = vector.shape_cast %max3A_554 : vector<16xf32> to vector<1x1x16xf32>
          tpu.vector_store %arg12[%swap3A_556, %swap3A_557, %swap3A_558], %swap3A_561 {strides = array<i32>} : memref<2x80x128xf32, #tpu.memory_space<vmem>>, vector<1x1x16xf32>,
        }
        %scan3A_361 = arith.constant 80 : i32
        %dma_start3A_362 = arith.constant 1 : i32
        %dma_start3A_363 = arith.constant 1 : i32
        %dma_start3A_364 = arith.constant 0 : i32
        %dma_start3A_365 = arith.constant 0 : i32
        %dma_start3A_366 = tpu.memref_slice %arg12[%dma_start3A_362, %dma_start3A_364, %dma_start3A_365] : memref<2x80x128xf32, #tpu.memory_space<vmem>> -> memref<1x80x128xf32, #tpu.memory_space<vmem>>
        %dma_start3A_367 = tpu.memref_squeeze %dma_start3A_366 : memref<1x80x128xf32, #tpu.memory_space<vmem>> -> memref<80x128xf32, #tpu.memory_space<vmem>>
        %dma_start3A_368 = arith.constant 0 : i32
        %dma_start3A_369 = tpu.memref_slice %arg9[%dma_start3A_363, %dma_start3A_368] : memref<4x80xi32, #tpu.memory_space<vmem>> -> memref<1x80xi32, #tpu.memory_space<vmem>>
        %dma_start3A_370 = tpu.memref_squeeze %dma_start3A_369 : memref<1x80xi32, #tpu.memory_space<vmem>> -> memref<80xi32, #tpu.memory_space<vmem>>
        %dma_start3A_371 = arith.constant 0 : i32
        %dma_start3A_372 = arith.constant 0 : i32
        %dma_start3A_373 = tpu.memref_slice %arg13[%dma_start3A_371, %dma_start3A_372] : memref<10000x128xf32, #tpu.memory_space<vmem_shared>> -> memref<10000x128xf32, #tpu.memory_space<vmem_shared>>
        tpu.enqueue_indirect_dma source(%dma_start3A_367 : memref<80x128xf32, #tpu.memory_space<vmem>>) target(%dma_start3A_373 : memref<10000x128xf32, #tpu.memory_space<vmem_shared>>) offsets(%dma_start3A_370 : memref<80xi32, #tpu.memory_space<vmem>>) semaphore(%arg23 : memref<!tpu.dma_semaphore, #tpu.memory_space<semaphore_mem>>) {add = true}
      } else {
      }
      %add3A_273 = arith.constant 2 : i32
      %add3A_274 = arith.addi %add3A_216, %add3A_273 : i32
      %add3A_275 = arith.constant 2 : i32
      %add3A_276 = arith.addi %add3A_274, %add3A_275 : i32
      %lt3A_277 = arith.constant 125 : i32
      %lt3A_278 = arith.cmpi slt, %add3A_276, %lt3A_277 : i32
      %convert_element_type3A_279 = arith.extui %lt3A_278 : i1 to i32
      %cond3A_280 = arith.constant 0 : i32
      %cond3A_281 = arith.cmpi ne, %convert_element_type3A_279, %cond3A_280 : i32
      scf.if %cond3A_281 {
        %add3A_331 = arith.constant 2 : i32
        %add3A_332 = arith.addi %add3A_274, %add3A_331 : i32
        %mul3A_333 = arith.constant 80 : i32
        %mul3A_334 = arith.muli %add3A_332, %mul3A_333 : i32
        %add3A_335 = arith.addi %multiple_of3A_8, %mul3A_334 : i32
        %dma_start3A_336 = arith.constant 0 : i32
        %dma_start3A_337 = arith.constant 0 : i32
        %dma_start3A_338 = tpu.memref_slice %arg8[%dma_start3A_336, %dma_start3A_337] : memref<2x80xi32, #tpu.memory_space<vmem>> -> memref<1x80xi32, #tpu.memory_space<vmem>>
        %dma_start3A_339 = tpu.memref_squeeze %dma_start3A_338 : memref<1x80xi32, #tpu.memory_space<vmem>> -> memref<80xi32, #tpu.memory_space<vmem>>
        %dma_start3A_340 = tpu.memref_slice %arg3[%add3A_335] : memref<160000xi32, #tpu.memory_space<hbm>> -> memref<80xi32, #tpu.memory_space<hbm>>
        %dma_start3A_341 = arith.constant 0 : i32
        %dma_start3A_342 = tpu.memref_slice %arg8[%dma_start3A_336, %dma_start3A_341] : memref<2x80xi32, #tpu.memory_space<vmem>> -> memref<1x80xi32, #tpu.memory_space<vmem>>
        %dma_start3A_343 = tpu.memref_squeeze %dma_start3A_342 : memref<1x80xi32, #tpu.memory_space<vmem>> -> memref<80xi32, #tpu.memory_space<vmem>>
        %dma_start3A_344 = tpu.memref_slice %arg3[%add3A_335] : memref<160000xi32, #tpu.memory_space<hbm>> -> memref<80xi32, #tpu.memory_space<hbm>>
        tpu.enqueue_dma source(%dma_start3A_344 : memref<80xi32, #tpu.memory_space<hbm>>) target(%dma_start3A_343 : memref<80xi32, #tpu.memory_space<vmem>>) target_semaphore(%arg14 : memref<!tpu.dma_semaphore, #tpu.memory_space<semaphore_mem>>)
        %mul3A_345 = arith.constant 80 : i32
        %mul3A_346 = arith.muli %add3A_332, %mul3A_345 : i32
        %add3A_347 = arith.addi %multiple_of3A_8, %mul3A_346 : i32
        %dma_start3A_348 = arith.constant 0 : i32
        %dma_start3A_349 = arith.constant 0 : i32
        %dma_start3A_350 = tpu.memref_slice %arg9[%dma_start3A_348, %dma_start3A_349] : memref<4x80xi32, #tpu.memory_space<vmem>> -> memref<1x80xi32, #tpu.memory_space<vmem>>
        %dma_start3A_351 = tpu.memref_squeeze %dma_start3A_350 : memref<1x80xi32, #tpu.memory_space<vmem>> -> memref<80xi32, #tpu.memory_space<vmem>>
        %dma_start3A_352 = tpu.memref_slice %arg4[%add3A_347] : memref<160000xi32, #tpu.memory_space<hbm>> -> memref<80xi32, #tpu.memory_space<hbm>>
        %dma_start3A_353 = arith.constant 0 : i32
        %dma_start3A_354 = tpu.memref_slice %arg9[%dma_start3A_348, %dma_start3A_353] : memref<4x80xi32, #tpu.memory_space<vmem>> -> memref<1x80xi32, #tpu.memory_space<vmem>>
        %dma_start3A_355 = tpu.memref_squeeze %dma_start3A_354 : memref<1x80xi32, #tpu.memory_space<vmem>> -> memref<80xi32, #tpu.memory_space<vmem>>
        %dma_start3A_356 = tpu.memref_slice %arg4[%add3A_347] : memref<160000xi32, #tpu.memory_space<hbm>> -> memref<80xi32, #tpu.memory_space<hbm>>
        tpu.enqueue_dma source(%dma_start3A_356 : memref<80xi32, #tpu.memory_space<hbm>>) target(%dma_start3A_355 : memref<80xi32, #tpu.memory_space<vmem>>) target_semaphore(%arg16 : memref<!tpu.dma_semaphore, #tpu.memory_space<semaphore_mem>>)
      } else {
      }
      %ge3A_282 = arith.constant 1 : i32
      %ge3A_283 = arith.cmpi sge, %add3A_274, %ge3A_282 : i32
      %lt3A_284 = arith.constant 125 : i32
      %lt3A_285 = arith.cmpi slt, %add3A_274, %lt3A_284 : i32
      %and3A_286 = arith.andi %ge3A_283, %lt3A_285 : i1
      %convert_element_type3A_287 = arith.extui %and3A_286 : i1 to i32
      %cond3A_288 = arith.constant 0 : i32
      %cond3A_289 = arith.cmpi ne, %convert_element_type3A_287, %cond3A_288 : i32
      scf.if %cond3A_289 {
        %dma_wait3A_331 = arith.constant 1 : i32
        %dma_wait3A_332 = arith.constant 1 : i32
        %dma_wait3A_333 = arith.constant 0 : i32
        %dma_wait3A_334 = arith.constant 0 : i32
        %dma_wait3A_335 = tpu.memref_slice %arg12[%dma_wait3A_331, %dma_wait3A_333, %dma_wait3A_334] : memref<2x80x128xf32, #tpu.memory_space<vmem>> -> memref<1x80x128xf32, #tpu.memory_space<vmem>>
        %dma_wait3A_336 = tpu.memref_squeeze %dma_wait3A_335 : memref<1x80x128xf32, #tpu.memory_space<vmem>> -> memref<80x128xf32, #tpu.memory_space<vmem>>
        %dma_wait3A_337 = arith.constant 0 : i32
        %dma_wait3A_338 = tpu.memref_slice %arg9[%dma_wait3A_332, %dma_wait3A_337] : memref<4x80xi32, #tpu.memory_space<vmem>> -> memref<1x80xi32, #tpu.memory_space<vmem>>
        %dma_wait3A_339 = tpu.memref_squeeze %dma_wait3A_338 : memref<1x80xi32, #tpu.memory_space<vmem>> -> memref<80xi32, #tpu.memory_space<vmem>>
        %dma_wait3A_340 = arith.constant 0 : i32
        %dma_wait3A_341 = arith.constant 0 : i32
        %dma_wait3A_342 = tpu.memref_slice %arg13[%dma_wait3A_340, %dma_wait3A_341] : memref<10000x128xf32, #tpu.memory_space<vmem_shared>> -> memref<10000x128xf32, #tpu.memory_space<vmem_shared>>
        tpu.wait_indirect_dma semaphore(%arg23 : memref<!tpu.dma_semaphore, #tpu.memory_space<semaphore_mem>>) src(%dma_wait3A_336 : memref<80x128xf32, #tpu.memory_space<vmem>>) dst(%dma_wait3A_342 : memref<10000x128xf32, #tpu.memory_space<vmem_shared>>)
      } else {
      }
      %add3A_290 = arith.constant 1 : i32
      %add3A_291 = arith.addi %add3A_274, %add3A_290 : i32
      %lt3A_292 = arith.constant 125 : i32
      %lt3A_293 = arith.cmpi slt, %add3A_291, %lt3A_292 : i32
      %convert_element_type3A_294 = arith.extui %lt3A_293 : i1 to i32
      %cond3A_295 = arith.constant 0 : i32
      %cond3A_296 = arith.cmpi ne, %convert_element_type3A_294, %cond3A_295 : i32
      scf.if %cond3A_296 {
        %add3A_331 = arith.constant 1 : i32
        %add3A_332 = arith.addi %add3A_274, %add3A_331 : i32
        %mul3A_333 = arith.constant 80 : i32
        %mul3A_334 = arith.muli %add3A_332, %mul3A_333 : i32
        %add3A_335 = arith.addi %multiple_of3A_8, %mul3A_334 : i32
        %dma_wait3A_336 = arith.constant 1 : i32
        %dma_wait3A_337 = arith.constant 0 : i32
        %dma_wait3A_338 = tpu.memref_slice %arg8[%dma_wait3A_336, %dma_wait3A_337] : memref<2x80xi32, #tpu.memory_space<vmem>> -> memref<1x80xi32, #tpu.memory_space<vmem>>
        %dma_wait3A_339 = tpu.memref_squeeze %dma_wait3A_338 : memref<1x80xi32, #tpu.memory_space<vmem>> -> memref<80xi32, #tpu.memory_space<vmem>>
        %dma_wait3A_340 = tpu.memref_slice %arg3[%add3A_335] : memref<160000xi32, #tpu.memory_space<hbm>> -> memref<80xi32, #tpu.memory_space<hbm>>
        %dma_wait3A_341 = arith.constant 0 : i32
        %dma_wait3A_342 = tpu.memref_slice %arg8[%dma_wait3A_336, %dma_wait3A_341] : memref<2x80xi32, #tpu.memory_space<vmem>> -> memref<1x80xi32, #tpu.memory_space<vmem>>
        %dma_wait3A_343 = tpu.memref_squeeze %dma_wait3A_342 : memref<1x80xi32, #tpu.memory_space<vmem>> -> memref<80xi32, #tpu.memory_space<vmem>>
        %dma_wait3A_344 = tpu.memref_slice %arg3[%add3A_335] : memref<160000xi32, #tpu.memory_space<hbm>> -> memref<80xi32, #tpu.memory_space<hbm>>
        tpu.wait_dma2 semaphore(%arg15 : memref<!tpu.dma_semaphore, #tpu.memory_space<semaphore_mem>>) src(%dma_wait3A_344 : memref<80xi32, #tpu.memory_space<hbm>>) dst(%dma_wait3A_343 : memref<80xi32, #tpu.memory_space<vmem>>)
        %mul3A_345 = arith.constant 80 : i32
        %mul3A_346 = arith.muli %add3A_332, %mul3A_345 : i32
        %add3A_347 = arith.addi %multiple_of3A_8, %mul3A_346 : i32
        %dma_wait3A_348 = arith.constant 3 : i32
        %dma_wait3A_349 = arith.constant 0 : i32
        %dma_wait3A_350 = tpu.memref_slice %arg9[%dma_wait3A_348, %dma_wait3A_349] : memref<4x80xi32, #tpu.memory_space<vmem>> -> memref<1x80xi32, #tpu.memory_space<vmem>>
        %dma_wait3A_351 = tpu.memref_squeeze %dma_wait3A_350 : memref<1x80xi32, #tpu.memory_space<vmem>> -> memref<80xi32, #tpu.memory_space<vmem>>
        %dma_wait3A_352 = tpu.memref_slice %arg4[%add3A_347] : memref<160000xi32, #tpu.memory_space<hbm>> -> memref<80xi32, #tpu.memory_space<hbm>>
        %dma_wait3A_353 = arith.constant 0 : i32
        %dma_wait3A_354 = tpu.memref_slice %arg9[%dma_wait3A_348, %dma_wait3A_353] : memref<4x80xi32, #tpu.memory_space<vmem>> -> memref<1x80xi32, #tpu.memory_space<vmem>>
        %dma_wait3A_355 = tpu.memref_squeeze %dma_wait3A_354 : memref<1x80xi32, #tpu.memory_space<vmem>> -> memref<80xi32, #tpu.memory_space<vmem>>
        %dma_wait3A_356 = tpu.memref_slice %arg4[%add3A_347] : memref<160000xi32, #tpu.memory_space<hbm>> -> memref<80xi32, #tpu.memory_space<hbm>>
        tpu.wait_dma2 semaphore(%arg17 : memref<!tpu.dma_semaphore, #tpu.memory_space<semaphore_mem>>) src(%dma_wait3A_356 : memref<80xi32, #tpu.memory_space<hbm>>) dst(%dma_wait3A_355 : memref<80xi32, #tpu.memory_space<vmem>>)
        %add3A_357 = arith.constant 1 : i32
        %add3A_358 = arith.addi %add3A_274, %add3A_357 : i32
        %get3A_359 = arith.constant 1 : i32
        %get3A_360 = arith.index_cast %get3A_359 : i32 to index
        %get3A_361 = arith.constant 0 : index
        %get3A_362 = tpu.vector_load %arg8[%get3A_360, %get3A_361] {strides = array<i32>} : memref<2x80xi32, #tpu.memory_space<vmem>>, vector<1x16xi32>,
        %get3A_363 = vector.shape_cast %get3A_362 : vector<1x16xi32> to vector<16xi32>
        %mul3A_364 = arith.constant 2 : i32
        %mul3A_365 = vector.broadcast %mul3A_364 : i32 to vector<16xi32>
        %mul3A_366 = arith.muli %get3A_363, %mul3A_365 : vector<16xi32>
        %add3A_367 = vector.broadcast %arg0 : i32 to vector<16xi32>
        %add3A_368 = arith.addi %mul3A_366, %add3A_367 : vector<16xi32>
        %swap3A_369 = arith.constant 1 : i32
        %swap3A_370 = arith.index_cast %swap3A_369 : i32 to index
        %swap3A_371 = arith.constant 0 : index
        %swap3A_372 = tpu.vector_load %arg10[%swap3A_370, %swap3A_371] {strides = array<i32>} : memref<2x80xi32, #tpu.memory_space<vmem>>, vector<1x16xi32>,
        %swap3A_373 = vector.shape_cast %swap3A_372 : vector<1x16xi32> to vector<16xi32>
        %swap3A_374 = vector.shape_cast %add3A_368 : vector<16xi32> to vector<1x16xi32>
        tpu.vector_store %arg10[%swap3A_370, %swap3A_371], %swap3A_374 {strides = array<i32>} : memref<2x80xi32, #tpu.memory_space<vmem>>, vector<1x16xi32>,
        %get3A_375 = arith.constant 1 : i32
        %get3A_376 = arith.index_cast %get3A_375 : i32 to index
        %get3A_377 = arith.constant 16 : index
        %get3A_378 = tpu.vector_load %arg8[%get3A_376, %get3A_377] {strides = array<i32>} : memref<2x80xi32, #tpu.memory_space<vmem>>, vector<1x16xi32>,
        %get3A_379 = vector.shape_cast %get3A_378 : vector<1x16xi32> to vector<16xi32>
        %mul3A_380 = arith.constant 2 : i32
        %mul3A_381 = vector.broadcast %mul3A_380 : i32 to vector<16xi32>
        %mul3A_382 = arith.muli %get3A_379, %mul3A_381 : vector<16xi32>
        %add3A_383 = vector.broadcast %arg0 : i32 to vector<16xi32>
        %add3A_384 = arith.addi %mul3A_382, %add3A_383 : vector<16xi32>
        %swap3A_385 = arith.constant 1 : i32
        %swap3A_386 = arith.index_cast %swap3A_385 : i32 to index
        %swap3A_387 = arith.constant 16 : index
        %swap3A_388 = tpu.vector_load %arg10[%swap3A_386, %swap3A_387] {strides = array<i32>} : memref<2x80xi32, #tpu.memory_space<vmem>>, vector<1x16xi32>,
        %swap3A_389 = vector.shape_cast %swap3A_388 : vector<1x16xi32> to vector<16xi32>
        %swap3A_390 = vector.shape_cast %add3A_384 : vector<16xi32> to vector<1x16xi32>
        tpu.vector_store %arg10[%swap3A_386, %swap3A_387], %swap3A_390 {strides = array<i32>} : memref<2x80xi32, #tpu.memory_space<vmem>>, vector<1x16xi32>,
        %get3A_391 = arith.constant 1 : i32
        %get3A_392 = arith.index_cast %get3A_391 : i32 to index
        %get3A_393 = arith.constant 32 : index
        %get3A_394 = tpu.vector_load %arg8[%get3A_392, %get3A_393] {strides = array<i32>} : memref<2x80xi32, #tpu.memory_space<vmem>>, vector<1x16xi32>,
        %get3A_395 = vector.shape_cast %get3A_394 : vector<1x16xi32> to vector<16xi32>
        %mul3A_396 = arith.constant 2 : i32
        %mul3A_397 = vector.broadcast %mul3A_396 : i32 to vector<16xi32>
        %mul3A_398 = arith.muli %get3A_395, %mul3A_397 : vector<16xi32>
        %add3A_399 = vector.broadcast %arg0 : i32 to vector<16xi32>
        %add3A_400 = arith.addi %mul3A_398, %add3A_399 : vector<16xi32>
        %swap3A_401 = arith.constant 1 : i32
        %swap3A_402 = arith.index_cast %swap3A_401 : i32 to index
        %swap3A_403 = arith.constant 32 : index
        %swap3A_404 = tpu.vector_load %arg10[%swap3A_402, %swap3A_403] {strides = array<i32>} : memref<2x80xi32, #tpu.memory_space<vmem>>, vector<1x16xi32>,
        %swap3A_405 = vector.shape_cast %swap3A_404 : vector<1x16xi32> to vector<16xi32>
        %swap3A_406 = vector.shape_cast %add3A_400 : vector<16xi32> to vector<1x16xi32>
        tpu.vector_store %arg10[%swap3A_402, %swap3A_403], %swap3A_406 {strides = array<i32>} : memref<2x80xi32, #tpu.memory_space<vmem>>, vector<1x16xi32>,
        %get3A_407 = arith.constant 1 : i32
        %get3A_408 = arith.index_cast %get3A_407 : i32 to index
        %get3A_409 = arith.constant 48 : index
        %get3A_410 = tpu.vector_load %arg8[%get3A_408, %get3A_409] {strides = array<i32>} : memref<2x80xi32, #tpu.memory_space<vmem>>, vector<1x16xi32>,
        %get3A_411 = vector.shape_cast %get3A_410 : vector<1x16xi32> to vector<16xi32>
        %mul3A_412 = arith.constant 2 : i32
        %mul3A_413 = vector.broadcast %mul3A_412 : i32 to vector<16xi32>
        %mul3A_414 = arith.muli %get3A_411, %mul3A_413 : vector<16xi32>
        %add3A_415 = vector.broadcast %arg0 : i32 to vector<16xi32>
        %add3A_416 = arith.addi %mul3A_414, %add3A_415 : vector<16xi32>
        %swap3A_417 = arith.constant 1 : i32
        %swap3A_418 = arith.index_cast %swap3A_417 : i32 to index
        %swap3A_419 = arith.constant 48 : index
        %swap3A_420 = tpu.vector_load %arg10[%swap3A_418, %swap3A_419] {strides = array<i32>} : memref<2x80xi32, #tpu.memory_space<vmem>>, vector<1x16xi32>,
        %swap3A_421 = vector.shape_cast %swap3A_420 : vector<1x16xi32> to vector<16xi32>
        %swap3A_422 = vector.shape_cast %add3A_416 : vector<16xi32> to vector<1x16xi32>
        tpu.vector_store %arg10[%swap3A_418, %swap3A_419], %swap3A_422 {strides = array<i32>} : memref<2x80xi32, #tpu.memory_space<vmem>>, vector<1x16xi32>,
        %get3A_423 = arith.constant 1 : i32
        %get3A_424 = arith.index_cast %get3A_423 : i32 to index
        %get3A_425 = arith.constant 64 : index
        %get3A_426 = tpu.vector_load %arg8[%get3A_424, %get3A_425] {strides = array<i32>} : memref<2x80xi32, #tpu.memory_space<vmem>>, vector<1x16xi32>,
        %get3A_427 = vector.shape_cast %get3A_426 : vector<1x16xi32> to vector<16xi32>
        %mul3A_428 = arith.constant 2 : i32
        %mul3A_429 = vector.broadcast %mul3A_428 : i32 to vector<16xi32>
        %mul3A_430 = arith.muli %get3A_427, %mul3A_429 : vector<16xi32>
        %add3A_431 = vector.broadcast %arg0 : i32 to vector<16xi32>
        %add3A_432 = arith.addi %mul3A_430, %add3A_431 : vector<16xi32>
        %swap3A_433 = arith.constant 1 : i32
        %swap3A_434 = arith.index_cast %swap3A_433 : i32 to index
        %swap3A_435 = arith.constant 64 : index
        %swap3A_436 = tpu.vector_load %arg10[%swap3A_434, %swap3A_435] {strides = array<i32>} : memref<2x80xi32, #tpu.memory_space<vmem>>, vector<1x16xi32>,
        %swap3A_437 = vector.shape_cast %swap3A_436 : vector<1x16xi32> to vector<16xi32>
        %swap3A_438 = vector.shape_cast %add3A_432 : vector<16xi32> to vector<1x16xi32>
        tpu.vector_store %arg10[%swap3A_434, %swap3A_435], %swap3A_438 {strides = array<i32>} : memref<2x80xi32, #tpu.memory_space<vmem>>, vector<1x16xi32>,
        %dma_start3A_439 = arith.constant 1 : i32
        %dma_start3A_440 = arith.constant 1 : i32
        %dma_start3A_441 = arith.constant 0 : i32
        %dma_start3A_442 = arith.constant 0 : i32
        %dma_start3A_443 = tpu.memref_slice %arg11[%dma_start3A_440, %dma_start3A_441, %dma_start3A_442] : memref<2x80x128xf32, #tpu.memory_space<vmem>> -> memref<1x80x128xf32, #tpu.memory_space<vmem>>
        %dma_start3A_444 = tpu.memref_squeeze %dma_start3A_443 : memref<1x80x128xf32, #tpu.memory_space<vmem>> -> memref<80x128xf32, #tpu.memory_space<vmem>>
        %dma_start3A_445 = arith.constant 0 : i32
        %dma_start3A_446 = tpu.memref_slice %arg10[%dma_start3A_439, %dma_start3A_445] : memref<2x80xi32, #tpu.memory_space<vmem>> -> memref<1x80xi32, #tpu.memory_space<vmem>>
        %dma_start3A_447 = tpu.memref_squeeze %dma_start3A_446 : memref<1x80xi32, #tpu.memory_space<vmem>> -> memref<80xi32, #tpu.memory_space<vmem>>
        %dma_start3A_448 = arith.constant 0 : i32
        %dma_start3A_449 = arith.constant 0 : i32
        %dma_start3A_450 = tpu.memref_slice %arg2[%dma_start3A_448, %dma_start3A_449] : memref<20000x128xf32, #tpu.memory_space<hbm>> -> memref<20000x128xf32, #tpu.memory_space<hbm>>
        tpu.enqueue_indirect_dma source(%dma_start3A_450 : memref<20000x128xf32, #tpu.memory_space<hbm>>) target(%dma_start3A_444 : memref<80x128xf32, #tpu.memory_space<vmem>>) offsets(%dma_start3A_447 : memref<80xi32, #tpu.memory_space<vmem>>) semaphore(%arg19 : memref<!tpu.dma_semaphore, #tpu.memory_space<semaphore_mem>>)
        %mul3A_451 = arith.constant 80 : i32
        %mul3A_452 = arith.muli %add3A_358, %mul3A_451 : i32
        %add3A_453 = arith.addi %multiple_of3A_8, %mul3A_452 : i32
        %dma_start3A_454 = arith.constant 1 : i32
        %dma_start3A_455 = arith.constant 0 : i32
        %dma_start3A_456 = arith.constant 0 : i32
        %dma_start3A_457 = tpu.memref_slice %arg12[%dma_start3A_454, %dma_start3A_455, %dma_start3A_456] : memref<2x80x128xf32, #tpu.memory_space<vmem>> -> memref<1x80x128xf32, #tpu.memory_space<vmem>>
        %dma_start3A_458 = tpu.memref_squeeze %dma_start3A_457 : memref<1x80x128xf32, #tpu.memory_space<vmem>> -> memref<80x128xf32, #tpu.memory_space<vmem>>
        %dma_start3A_459 = tpu.memref_slice %arg5[%add3A_453, %multiple_of3A_17] : memref<160000x256xf32, #tpu.memory_space<hbm>> -> memref<80x128xf32, #tpu.memory_space<hbm>>
        %dma_start3A_460 = arith.constant 0 : i32
        %dma_start3A_461 = arith.constant 0 : i32
        %dma_start3A_462 = tpu.memref_slice %arg12[%dma_start3A_454, %dma_start3A_460, %dma_start3A_461] : memref<2x80x128xf32, #tpu.memory_space<vmem>> -> memref<1x80x128xf32, #tpu.memory_space<vmem>>
        %dma_start3A_463 = tpu.memref_squeeze %dma_start3A_462 : memref<1x80x128xf32, #tpu.memory_space<vmem>> -> memref<80x128xf32, #tpu.memory_space<vmem>>
        %dma_start3A_464 = tpu.memref_slice %arg5[%add3A_453, %multiple_of3A_17] : memref<160000x256xf32, #tpu.memory_space<hbm>> -> memref<80x128xf32, #tpu.memory_space<hbm>>
        tpu.enqueue_dma source(%dma_start3A_464 : memref<80x128xf32, #tpu.memory_space<hbm>>) target(%dma_start3A_463 : memref<80x128xf32, #tpu.memory_space<vmem>>) target_semaphore(%arg21 : memref<!tpu.dma_semaphore, #tpu.memory_space<semaphore_mem>>)
      } else {
      }
      %lt3A_297 = arith.constant 125 : i32
      %lt3A_298 = arith.cmpi slt, %add3A_274, %lt3A_297 : i32
      %convert_element_type3A_299 = arith.extui %lt3A_298 : i1 to i32
      %cond3A_300 = arith.constant 0 : i32
      %cond3A_301 = arith.cmpi ne, %convert_element_type3A_299, %cond3A_300 : i32
      scf.if %cond3A_301 {
        %dma_wait3A_331 = arith.constant 0 : i32
        %dma_wait3A_332 = arith.constant 0 : i32
        %dma_wait3A_333 = arith.constant 0 : i32
        %dma_wait3A_334 = arith.constant 0 : i32
        %dma_wait3A_335 = tpu.memref_slice %arg11[%dma_wait3A_332, %dma_wait3A_333, %dma_wait3A_334] : memref<2x80x128xf32, #tpu.memory_space<vmem>> -> memref<1x80x128xf32, #tpu.memory_space<vmem>>
        %dma_wait3A_336 = tpu.memref_squeeze %dma_wait3A_335 : memref<1x80x128xf32, #tpu.memory_space<vmem>> -> memref<80x128xf32, #tpu.memory_space<vmem>>
        %dma_wait3A_337 = arith.constant 0 : i32
        %dma_wait3A_338 = tpu.memref_slice %arg10[%dma_wait3A_331, %dma_wait3A_337] : memref<2x80xi32, #tpu.memory_space<vmem>> -> memref<1x80xi32, #tpu.memory_space<vmem>>
        %dma_wait3A_339 = tpu.memref_squeeze %dma_wait3A_338 : memref<1x80xi32, #tpu.memory_space<vmem>> -> memref<80xi32, #tpu.memory_space<vmem>>
        %dma_wait3A_340 = arith.constant 0 : i32
        %dma_wait3A_341 = arith.constant 0 : i32
        %dma_wait3A_342 = tpu.memref_slice %arg2[%dma_wait3A_340, %dma_wait3A_341] : memref<20000x128xf32, #tpu.memory_space<hbm>> -> memref<20000x128xf32, #tpu.memory_space<hbm>>
        tpu.wait_indirect_dma semaphore(%arg18 : memref<!tpu.dma_semaphore, #tpu.memory_space<semaphore_mem>>) src(%dma_wait3A_342 : memref<20000x128xf32, #tpu.memory_space<hbm>>) dst(%dma_wait3A_336 : memref<80x128xf32, #tpu.memory_space<vmem>>)
        %mul3A_343 = arith.constant 80 : i32
        %mul3A_344 = arith.muli %add3A_274, %mul3A_343 : i32
        %add3A_345 = arith.addi %multiple_of3A_8, %mul3A_344 : i32
        %dma_wait3A_346 = arith.constant 0 : i32
        %dma_wait3A_347 = arith.constant 0 : i32
        %dma_wait3A_348 = arith.constant 0 : i32
        %dma_wait3A_349 = tpu.memref_slice %arg12[%dma_wait3A_346, %dma_wait3A_347, %dma_wait3A_348] : memref<2x80x128xf32, #tpu.memory_space<vmem>> -> memref<1x80x128xf32, #tpu.memory_space<vmem>>
        %dma_wait3A_350 = tpu.memref_squeeze %dma_wait3A_349 : memref<1x80x128xf32, #tpu.memory_space<vmem>> -> memref<80x128xf32, #tpu.memory_space<vmem>>
        %dma_wait3A_351 = tpu.memref_slice %arg5[%add3A_345, %multiple_of3A_17] : memref<160000x256xf32, #tpu.memory_space<hbm>> -> memref<80x128xf32, #tpu.memory_space<hbm>>
        %dma_wait3A_352 = arith.constant 0 : i32
        %dma_wait3A_353 = arith.constant 0 : i32
        %dma_wait3A_354 = tpu.memref_slice %arg12[%dma_wait3A_346, %dma_wait3A_352, %dma_wait3A_353] : memref<2x80x128xf32, #tpu.memory_space<vmem>> -> memref<1x80x128xf32, #tpu.memory_space<vmem>>
        %dma_wait3A_355 = tpu.memref_squeeze %dma_wait3A_354 : memref<1x80x128xf32, #tpu.memory_space<vmem>> -> memref<80x128xf32, #tpu.memory_space<vmem>>
        %dma_wait3A_356 = tpu.memref_slice %arg5[%add3A_345, %multiple_of3A_17] : memref<160000x256xf32, #tpu.memory_space<hbm>> -> memref<80x128xf32, #tpu.memory_space<hbm>>
        tpu.wait_dma2 semaphore(%arg20 : memref<!tpu.dma_semaphore, #tpu.memory_space<semaphore_mem>>) src(%dma_wait3A_356 : memref<80x128xf32, #tpu.memory_space<hbm>>) dst(%dma_wait3A_355 : memref<80x128xf32, #tpu.memory_space<vmem>>)
        %scan3A_357 = arith.constant 0 : i32
        %scan3A_358 = arith.constant 80 : i32
        %scan3A_359 = arith.addi %scan3A_357, %scan3A_358 : i32
        %scan3A_360 = arith.constant 1 : i32
        scf.for %scan3A_374 = %scan3A_357 to %scan3A_359 step %scan3A_360  : i32 {
          %mul3A_375 = arith.constant 1 : i32
          %mul3A_376 = arith.muli %scan3A_374, %mul3A_375 : i32
          %add3A_377 = arith.constant 0 : i32
          %add3A_378 = arith.addi %add3A_377, %mul3A_376 : i32
          %get3A_379 = arith.constant 0 : i32
          %get3A_380 = arith.index_cast %get3A_379 : i32 to index
          %get3A_381 = arith.index_cast %add3A_378 : i32 to index
          %get3A_382 = arith.constant 0 : index
          %get3A_383 = tpu.vector_load %arg11[%get3A_380, %get3A_381, %get3A_382] {strides = array<i32>} : memref<2x80x128xf32, #tpu.memory_space<vmem>>, vector<1x1x16xf32>,
          %get3A_384 = vector.shape_cast %get3A_383 : vector<1x1x16xf32> to vector<16xf32>
          %get3A_385 = arith.constant 0 : i32
          %get3A_386 = arith.index_cast %get3A_385 : i32 to index
          %get3A_387 = arith.index_cast %add3A_378 : i32 to index
          %get3A_388 = arith.constant 0 : index
          %get3A_389 = tpu.vector_load %arg12[%get3A_386, %get3A_387, %get3A_388] {strides = array<i32>} : memref<2x80x128xf32, #tpu.memory_space<vmem>>, vector<1x1x16xf32>,
          %get3A_390 = vector.shape_cast %get3A_389 : vector<1x1x16xf32> to vector<16xf32>
          %add3A_391 = arith.addf %get3A_384, %get3A_390 : vector<16xf32>
          %max3A = arith.constant 0.000000e+00 : f32
          %max3A_392 = vector.broadcast %max3A : f32 to vector<16xf32>
          %max3A_393 = arith.maximumf %add3A_391, %max3A_392 : vector<16xf32>
          %swap3A_394 = arith.constant 0 : i32
          %swap3A_395 = arith.index_cast %swap3A_394 : i32 to index
          %swap3A_396 = arith.index_cast %add3A_378 : i32 to index
          %swap3A_397 = arith.constant 0 : index
          %swap3A_398 = tpu.vector_load %arg12[%swap3A_395, %swap3A_396, %swap3A_397] {strides = array<i32>} : memref<2x80x128xf32, #tpu.memory_space<vmem>>, vector<1x1x16xf32>,
          %swap3A_399 = vector.shape_cast %swap3A_398 : vector<1x1x16xf32> to vector<16xf32>
          %swap3A_400 = vector.shape_cast %max3A_393 : vector<16xf32> to vector<1x1x16xf32>
          tpu.vector_store %arg12[%swap3A_395, %swap3A_396, %swap3A_397], %swap3A_400 {strides = array<i32>} : memref<2x80x128xf32, #tpu.memory_space<vmem>>, vector<1x1x16xf32>,
          %get3A_401 = arith.constant 0 : i32
          %get3A_402 = arith.index_cast %get3A_401 : i32 to index
          %get3A_403 = arith.index_cast %add3A_378 : i32 to index
          %get3A_404 = arith.constant 16 : index
          %get3A_405 = tpu.vector_load %arg11[%get3A_402, %get3A_403, %get3A_404] {strides = array<i32>} : memref<2x80x128xf32, #tpu.memory_space<vmem>>, vector<1x1x16xf32>,
          %get3A_406 = vector.shape_cast %get3A_405 : vector<1x1x16xf32> to vector<16xf32>
          %get3A_407 = arith.constant 0 : i32
          %get3A_408 = arith.index_cast %get3A_407 : i32 to index
          %get3A_409 = arith.index_cast %add3A_378 : i32 to index
          %get3A_410 = arith.constant 16 : index
          %get3A_411 = tpu.vector_load %arg12[%get3A_408, %get3A_409, %get3A_410] {strides = array<i32>} : memref<2x80x128xf32, #tpu.memory_space<vmem>>, vector<1x1x16xf32>,
          %get3A_412 = vector.shape_cast %get3A_411 : vector<1x1x16xf32> to vector<16xf32>
          %add3A_413 = arith.addf %get3A_406, %get3A_412 : vector<16xf32>
          %max3A_414 = arith.constant 0.000000e+00 : f32
          %max3A_415 = vector.broadcast %max3A_414 : f32 to vector<16xf32>
          %max3A_416 = arith.maximumf %add3A_413, %max3A_415 : vector<16xf32>
          %swap3A_417 = arith.constant 0 : i32
          %swap3A_418 = arith.index_cast %swap3A_417 : i32 to index
          %swap3A_419 = arith.index_cast %add3A_378 : i32 to index
          %swap3A_420 = arith.constant 16 : index
          %swap3A_421 = tpu.vector_load %arg12[%swap3A_418, %swap3A_419, %swap3A_420] {strides = array<i32>} : memref<2x80x128xf32, #tpu.memory_space<vmem>>, vector<1x1x16xf32>,
          %swap3A_422 = vector.shape_cast %swap3A_421 : vector<1x1x16xf32> to vector<16xf32>
          %swap3A_423 = vector.shape_cast %max3A_416 : vector<16xf32> to vector<1x1x16xf32>
          tpu.vector_store %arg12[%swap3A_418, %swap3A_419, %swap3A_420], %swap3A_423 {strides = array<i32>} : memref<2x80x128xf32, #tpu.memory_space<vmem>>, vector<1x1x16xf32>,
          %get3A_424 = arith.constant 0 : i32
          %get3A_425 = arith.index_cast %get3A_424 : i32 to index
          %get3A_426 = arith.index_cast %add3A_378 : i32 to index
          %get3A_427 = arith.constant 32 : index
          %get3A_428 = tpu.vector_load %arg11[%get3A_425, %get3A_426, %get3A_427] {strides = array<i32>} : memref<2x80x128xf32, #tpu.memory_space<vmem>>, vector<1x1x16xf32>,
          %get3A_429 = vector.shape_cast %get3A_428 : vector<1x1x16xf32> to vector<16xf32>
          %get3A_430 = arith.constant 0 : i32
          %get3A_431 = arith.index_cast %get3A_430 : i32 to index
          %get3A_432 = arith.index_cast %add3A_378 : i32 to index
          %get3A_433 = arith.constant 32 : index
          %get3A_434 = tpu.vector_load %arg12[%get3A_431, %get3A_432, %get3A_433] {strides = array<i32>} : memref<2x80x128xf32, #tpu.memory_space<vmem>>, vector<1x1x16xf32>,
          %get3A_435 = vector.shape_cast %get3A_434 : vector<1x1x16xf32> to vector<16xf32>
          %add3A_436 = arith.addf %get3A_429, %get3A_435 : vector<16xf32>
          %max3A_437 = arith.constant 0.000000e+00 : f32
          %max3A_438 = vector.broadcast %max3A_437 : f32 to vector<16xf32>
          %max3A_439 = arith.maximumf %add3A_436, %max3A_438 : vector<16xf32>
          %swap3A_440 = arith.constant 0 : i32
          %swap3A_441 = arith.index_cast %swap3A_440 : i32 to index
          %swap3A_442 = arith.index_cast %add3A_378 : i32 to index
          %swap3A_443 = arith.constant 32 : index
          %swap3A_444 = tpu.vector_load %arg12[%swap3A_441, %swap3A_442, %swap3A_443] {strides = array<i32>} : memref<2x80x128xf32, #tpu.memory_space<vmem>>, vector<1x1x16xf32>,
          %swap3A_445 = vector.shape_cast %swap3A_444 : vector<1x1x16xf32> to vector<16xf32>
          %swap3A_446 = vector.shape_cast %max3A_439 : vector<16xf32> to vector<1x1x16xf32>
          tpu.vector_store %arg12[%swap3A_441, %swap3A_442, %swap3A_443], %swap3A_446 {strides = array<i32>} : memref<2x80x128xf32, #tpu.memory_space<vmem>>, vector<1x1x16xf32>,
          %get3A_447 = arith.constant 0 : i32
          %get3A_448 = arith.index_cast %get3A_447 : i32 to index
          %get3A_449 = arith.index_cast %add3A_378 : i32 to index
          %get3A_450 = arith.constant 48 : index
          %get3A_451 = tpu.vector_load %arg11[%get3A_448, %get3A_449, %get3A_450] {strides = array<i32>} : memref<2x80x128xf32, #tpu.memory_space<vmem>>, vector<1x1x16xf32>,
          %get3A_452 = vector.shape_cast %get3A_451 : vector<1x1x16xf32> to vector<16xf32>
          %get3A_453 = arith.constant 0 : i32
          %get3A_454 = arith.index_cast %get3A_453 : i32 to index
          %get3A_455 = arith.index_cast %add3A_378 : i32 to index
          %get3A_456 = arith.constant 48 : index
          %get3A_457 = tpu.vector_load %arg12[%get3A_454, %get3A_455, %get3A_456] {strides = array<i32>} : memref<2x80x128xf32, #tpu.memory_space<vmem>>, vector<1x1x16xf32>,
          %get3A_458 = vector.shape_cast %get3A_457 : vector<1x1x16xf32> to vector<16xf32>
          %add3A_459 = arith.addf %get3A_452, %get3A_458 : vector<16xf32>
          %max3A_460 = arith.constant 0.000000e+00 : f32
          %max3A_461 = vector.broadcast %max3A_460 : f32 to vector<16xf32>
          %max3A_462 = arith.maximumf %add3A_459, %max3A_461 : vector<16xf32>
          %swap3A_463 = arith.constant 0 : i32
          %swap3A_464 = arith.index_cast %swap3A_463 : i32 to index
          %swap3A_465 = arith.index_cast %add3A_378 : i32 to index
          %swap3A_466 = arith.constant 48 : index
          %swap3A_467 = tpu.vector_load %arg12[%swap3A_464, %swap3A_465, %swap3A_466] {strides = array<i32>} : memref<2x80x128xf32, #tpu.memory_space<vmem>>, vector<1x1x16xf32>,
          %swap3A_468 = vector.shape_cast %swap3A_467 : vector<1x1x16xf32> to vector<16xf32>
          %swap3A_469 = vector.shape_cast %max3A_462 : vector<16xf32> to vector<1x1x16xf32>
          tpu.vector_store %arg12[%swap3A_464, %swap3A_465, %swap3A_466], %swap3A_469 {strides = array<i32>} : memref<2x80x128xf32, #tpu.memory_space<vmem>>, vector<1x1x16xf32>,
          %get3A_470 = arith.constant 0 : i32
          %get3A_471 = arith.index_cast %get3A_470 : i32 to index
          %get3A_472 = arith.index_cast %add3A_378 : i32 to index
          %get3A_473 = arith.constant 64 : index
          %get3A_474 = tpu.vector_load %arg11[%get3A_471, %get3A_472, %get3A_473] {strides = array<i32>} : memref<2x80x128xf32, #tpu.memory_space<vmem>>, vector<1x1x16xf32>,
          %get3A_475 = vector.shape_cast %get3A_474 : vector<1x1x16xf32> to vector<16xf32>
          %get3A_476 = arith.constant 0 : i32
          %get3A_477 = arith.index_cast %get3A_476 : i32 to index
          %get3A_478 = arith.index_cast %add3A_378 : i32 to index
          %get3A_479 = arith.constant 64 : index
          %get3A_480 = tpu.vector_load %arg12[%get3A_477, %get3A_478, %get3A_479] {strides = array<i32>} : memref<2x80x128xf32, #tpu.memory_space<vmem>>, vector<1x1x16xf32>,
          %get3A_481 = vector.shape_cast %get3A_480 : vector<1x1x16xf32> to vector<16xf32>
          %add3A_482 = arith.addf %get3A_475, %get3A_481 : vector<16xf32>
          %max3A_483 = arith.constant 0.000000e+00 : f32
          %max3A_484 = vector.broadcast %max3A_483 : f32 to vector<16xf32>
          %max3A_485 = arith.maximumf %add3A_482, %max3A_484 : vector<16xf32>
          %swap3A_486 = arith.constant 0 : i32
          %swap3A_487 = arith.index_cast %swap3A_486 : i32 to index
          %swap3A_488 = arith.index_cast %add3A_378 : i32 to index
          %swap3A_489 = arith.constant 64 : index
          %swap3A_490 = tpu.vector_load %arg12[%swap3A_487, %swap3A_488, %swap3A_489] {strides = array<i32>} : memref<2x80x128xf32, #tpu.memory_space<vmem>>, vector<1x1x16xf32>,
          %swap3A_491 = vector.shape_cast %swap3A_490 : vector<1x1x16xf32> to vector<16xf32>
          %swap3A_492 = vector.shape_cast %max3A_485 : vector<16xf32> to vector<1x1x16xf32>
          tpu.vector_store %arg12[%swap3A_487, %swap3A_488, %swap3A_489], %swap3A_492 {strides = array<i32>} : memref<2x80x128xf32, #tpu.memory_space<vmem>>, vector<1x1x16xf32>,
          %get3A_493 = arith.constant 0 : i32
          %get3A_494 = arith.index_cast %get3A_493 : i32 to index
          %get3A_495 = arith.index_cast %add3A_378 : i32 to index
          %get3A_496 = arith.constant 80 : index
          %get3A_497 = tpu.vector_load %arg11[%get3A_494, %get3A_495, %get3A_496] {strides = array<i32>} : memref<2x80x128xf32, #tpu.memory_space<vmem>>, vector<1x1x16xf32>,
          %get3A_498 = vector.shape_cast %get3A_497 : vector<1x1x16xf32> to vector<16xf32>
          %get3A_499 = arith.constant 0 : i32
          %get3A_500 = arith.index_cast %get3A_499 : i32 to index
          %get3A_501 = arith.index_cast %add3A_378 : i32 to index
          %get3A_502 = arith.constant 80 : index
          %get3A_503 = tpu.vector_load %arg12[%get3A_500, %get3A_501, %get3A_502] {strides = array<i32>} : memref<2x80x128xf32, #tpu.memory_space<vmem>>, vector<1x1x16xf32>,
          %get3A_504 = vector.shape_cast %get3A_503 : vector<1x1x16xf32> to vector<16xf32>
          %add3A_505 = arith.addf %get3A_498, %get3A_504 : vector<16xf32>
          %max3A_506 = arith.constant 0.000000e+00 : f32
          %max3A_507 = vector.broadcast %max3A_506 : f32 to vector<16xf32>
          %max3A_508 = arith.maximumf %add3A_505, %max3A_507 : vector<16xf32>
          %swap3A_509 = arith.constant 0 : i32
          %swap3A_510 = arith.index_cast %swap3A_509 : i32 to index
          %swap3A_511 = arith.index_cast %add3A_378 : i32 to index
          %swap3A_512 = arith.constant 80 : index
          %swap3A_513 = tpu.vector_load %arg12[%swap3A_510, %swap3A_511, %swap3A_512] {strides = array<i32>} : memref<2x80x128xf32, #tpu.memory_space<vmem>>, vector<1x1x16xf32>,
          %swap3A_514 = vector.shape_cast %swap3A_513 : vector<1x1x16xf32> to vector<16xf32>
          %swap3A_515 = vector.shape_cast %max3A_508 : vector<16xf32> to vector<1x1x16xf32>
          tpu.vector_store %arg12[%swap3A_510, %swap3A_511, %swap3A_512], %swap3A_515 {strides = array<i32>} : memref<2x80x128xf32, #tpu.memory_space<vmem>>, vector<1x1x16xf32>,
          %get3A_516 = arith.constant 0 : i32
          %get3A_517 = arith.index_cast %get3A_516 : i32 to index
          %get3A_518 = arith.index_cast %add3A_378 : i32 to index
          %get3A_519 = arith.constant 96 : index
          %get3A_520 = tpu.vector_load %arg11[%get3A_517, %get3A_518, %get3A_519] {strides = array<i32>} : memref<2x80x128xf32, #tpu.memory_space<vmem>>, vector<1x1x16xf32>,
          %get3A_521 = vector.shape_cast %get3A_520 : vector<1x1x16xf32> to vector<16xf32>
          %get3A_522 = arith.constant 0 : i32
          %get3A_523 = arith.index_cast %get3A_522 : i32 to index
          %get3A_524 = arith.index_cast %add3A_378 : i32 to index
          %get3A_525 = arith.constant 96 : index
          %get3A_526 = tpu.vector_load %arg12[%get3A_523, %get3A_524, %get3A_525] {strides = array<i32>} : memref<2x80x128xf32, #tpu.memory_space<vmem>>, vector<1x1x16xf32>,
          %get3A_527 = vector.shape_cast %get3A_526 : vector<1x1x16xf32> to vector<16xf32>
          %add3A_528 = arith.addf %get3A_521, %get3A_527 : vector<16xf32>
          %max3A_529 = arith.constant 0.000000e+00 : f32
          %max3A_530 = vector.broadcast %max3A_529 : f32 to vector<16xf32>
          %max3A_531 = arith.maximumf %add3A_528, %max3A_530 : vector<16xf32>
          %swap3A_532 = arith.constant 0 : i32
          %swap3A_533 = arith.index_cast %swap3A_532 : i32 to index
          %swap3A_534 = arith.index_cast %add3A_378 : i32 to index
          %swap3A_535 = arith.constant 96 : index
          %swap3A_536 = tpu.vector_load %arg12[%swap3A_533, %swap3A_534, %swap3A_535] {strides = array<i32>} : memref<2x80x128xf32, #tpu.memory_space<vmem>>, vector<1x1x16xf32>,
          %swap3A_537 = vector.shape_cast %swap3A_536 : vector<1x1x16xf32> to vector<16xf32>
          %swap3A_538 = vector.shape_cast %max3A_531 : vector<16xf32> to vector<1x1x16xf32>
          tpu.vector_store %arg12[%swap3A_533, %swap3A_534, %swap3A_535], %swap3A_538 {strides = array<i32>} : memref<2x80x128xf32, #tpu.memory_space<vmem>>, vector<1x1x16xf32>,
          %get3A_539 = arith.constant 0 : i32
          %get3A_540 = arith.index_cast %get3A_539 : i32 to index
          %get3A_541 = arith.index_cast %add3A_378 : i32 to index
          %get3A_542 = arith.constant 112 : index
          %get3A_543 = tpu.vector_load %arg11[%get3A_540, %get3A_541, %get3A_542] {strides = array<i32>} : memref<2x80x128xf32, #tpu.memory_space<vmem>>, vector<1x1x16xf32>,
          %get3A_544 = vector.shape_cast %get3A_543 : vector<1x1x16xf32> to vector<16xf32>
          %get3A_545 = arith.constant 0 : i32
          %get3A_546 = arith.index_cast %get3A_545 : i32 to index
          %get3A_547 = arith.index_cast %add3A_378 : i32 to index
          %get3A_548 = arith.constant 112 : index
          %get3A_549 = tpu.vector_load %arg12[%get3A_546, %get3A_547, %get3A_548] {strides = array<i32>} : memref<2x80x128xf32, #tpu.memory_space<vmem>>, vector<1x1x16xf32>,
          %get3A_550 = vector.shape_cast %get3A_549 : vector<1x1x16xf32> to vector<16xf32>
          %add3A_551 = arith.addf %get3A_544, %get3A_550 : vector<16xf32>
          %max3A_552 = arith.constant 0.000000e+00 : f32
          %max3A_553 = vector.broadcast %max3A_552 : f32 to vector<16xf32>
          %max3A_554 = arith.maximumf %add3A_551, %max3A_553 : vector<16xf32>
          %swap3A_555 = arith.constant 0 : i32
          %swap3A_556 = arith.index_cast %swap3A_555 : i32 to index
          %swap3A_557 = arith.index_cast %add3A_378 : i32 to index
          %swap3A_558 = arith.constant 112 : index
          %swap3A_559 = tpu.vector_load %arg12[%swap3A_556, %swap3A_557, %swap3A_558] {strides = array<i32>} : memref<2x80x128xf32, #tpu.memory_space<vmem>>, vector<1x1x16xf32>,
          %swap3A_560 = vector.shape_cast %swap3A_559 : vector<1x1x16xf32> to vector<16xf32>
          %swap3A_561 = vector.shape_cast %max3A_554 : vector<16xf32> to vector<1x1x16xf32>
          tpu.vector_store %arg12[%swap3A_556, %swap3A_557, %swap3A_558], %swap3A_561 {strides = array<i32>} : memref<2x80x128xf32, #tpu.memory_space<vmem>>, vector<1x1x16xf32>,
        }
        %scan3A_361 = arith.constant 80 : i32
        %dma_start3A_362 = arith.constant 0 : i32
        %dma_start3A_363 = arith.constant 2 : i32
        %dma_start3A_364 = arith.constant 0 : i32
        %dma_start3A_365 = arith.constant 0 : i32
        %dma_start3A_366 = tpu.memref_slice %arg12[%dma_start3A_362, %dma_start3A_364, %dma_start3A_365] : memref<2x80x128xf32, #tpu.memory_space<vmem>> -> memref<1x80x128xf32, #tpu.memory_space<vmem>>
        %dma_start3A_367 = tpu.memref_squeeze %dma_start3A_366 : memref<1x80x128xf32, #tpu.memory_space<vmem>> -> memref<80x128xf32, #tpu.memory_space<vmem>>
        %dma_start3A_368 = arith.constant 0 : i32
        %dma_start3A_369 = tpu.memref_slice %arg9[%dma_start3A_363, %dma_start3A_368] : memref<4x80xi32, #tpu.memory_space<vmem>> -> memref<1x80xi32, #tpu.memory_space<vmem>>
        %dma_start3A_370 = tpu.memref_squeeze %dma_start3A_369 : memref<1x80xi32, #tpu.memory_space<vmem>> -> memref<80xi32, #tpu.memory_space<vmem>>
        %dma_start3A_371 = arith.constant 0 : i32
        %dma_start3A_372 = arith.constant 0 : i32
        %dma_start3A_373 = tpu.memref_slice %arg13[%dma_start3A_371, %dma_start3A_372] : memref<10000x128xf32, #tpu.memory_space<vmem_shared>> -> memref<10000x128xf32, #tpu.memory_space<vmem_shared>>
        tpu.enqueue_indirect_dma source(%dma_start3A_367 : memref<80x128xf32, #tpu.memory_space<vmem>>) target(%dma_start3A_373 : memref<10000x128xf32, #tpu.memory_space<vmem_shared>>) offsets(%dma_start3A_370 : memref<80xi32, #tpu.memory_space<vmem>>) semaphore(%arg22 : memref<!tpu.dma_semaphore, #tpu.memory_space<semaphore_mem>>) {add = true}
      } else {
      }
      %add3A_302 = arith.constant 3 : i32
      %add3A_303 = arith.addi %add3A_216, %add3A_302 : i32
      %add3A_304 = arith.constant 2 : i32
      %add3A_305 = arith.addi %add3A_303, %add3A_304 : i32
      %lt3A_306 = arith.constant 125 : i32
      %lt3A_307 = arith.cmpi slt, %add3A_305, %lt3A_306 : i32
      %convert_element_type3A_308 = arith.extui %lt3A_307 : i1 to i32
      %cond3A_309 = arith.constant 0 : i32
      %cond3A_310 = arith.cmpi ne, %convert_element_type3A_308, %cond3A_309 : i32
      scf.if %cond3A_310 {
        %add3A_331 = arith.constant 2 : i32
        %add3A_332 = arith.addi %add3A_303, %add3A_331 : i32
        %mul3A_333 = arith.constant 80 : i32
        %mul3A_334 = arith.muli %add3A_332, %mul3A_333 : i32
        %add3A_335 = arith.addi %multiple_of3A_8, %mul3A_334 : i32
        %dma_start3A_336 = arith.constant 1 : i32
        %dma_start3A_337 = arith.constant 0 : i32
        %dma_start3A_338 = tpu.memref_slice %arg8[%dma_start3A_336, %dma_start3A_337] : memref<2x80xi32, #tpu.memory_space<vmem>> -> memref<1x80xi32, #tpu.memory_space<vmem>>
        %dma_start3A_339 = tpu.memref_squeeze %dma_start3A_338 : memref<1x80xi32, #tpu.memory_space<vmem>> -> memref<80xi32, #tpu.memory_space<vmem>>
        %dma_start3A_340 = tpu.memref_slice %arg3[%add3A_335] : memref<160000xi32, #tpu.memory_space<hbm>> -> memref<80xi32, #tpu.memory_space<hbm>>
        %dma_start3A_341 = arith.constant 0 : i32
        %dma_start3A_342 = tpu.memref_slice %arg8[%dma_start3A_336, %dma_start3A_341] : memref<2x80xi32, #tpu.memory_space<vmem>> -> memref<1x80xi32, #tpu.memory_space<vmem>>
        %dma_start3A_343 = tpu.memref_squeeze %dma_start3A_342 : memref<1x80xi32, #tpu.memory_space<vmem>> -> memref<80xi32, #tpu.memory_space<vmem>>
        %dma_start3A_344 = tpu.memref_slice %arg3[%add3A_335] : memref<160000xi32, #tpu.memory_space<hbm>> -> memref<80xi32, #tpu.memory_space<hbm>>
        tpu.enqueue_dma source(%dma_start3A_344 : memref<80xi32, #tpu.memory_space<hbm>>) target(%dma_start3A_343 : memref<80xi32, #tpu.memory_space<vmem>>) target_semaphore(%arg15 : memref<!tpu.dma_semaphore, #tpu.memory_space<semaphore_mem>>)
        %mul3A_345 = arith.constant 80 : i32
        %mul3A_346 = arith.muli %add3A_332, %mul3A_345 : i32
        %add3A_347 = arith.addi %multiple_of3A_8, %mul3A_346 : i32
        %dma_start3A_348 = arith.constant 1 : i32
        %dma_start3A_349 = arith.constant 0 : i32
        %dma_start3A_350 = tpu.memref_slice %arg9[%dma_start3A_348, %dma_start3A_349] : memref<4x80xi32, #tpu.memory_space<vmem>> -> memref<1x80xi32, #tpu.memory_space<vmem>>
        %dma_start3A_351 = tpu.memref_squeeze %dma_start3A_350 : memref<1x80xi32, #tpu.memory_space<vmem>> -> memref<80xi32, #tpu.memory_space<vmem>>
        %dma_start3A_352 = tpu.memref_slice %arg4[%add3A_347] : memref<160000xi32, #tpu.memory_space<hbm>> -> memref<80xi32, #tpu.memory_space<hbm>>
        %dma_start3A_353 = arith.constant 0 : i32
        %dma_start3A_354 = tpu.memref_slice %arg9[%dma_start3A_348, %dma_start3A_353] : memref<4x80xi32, #tpu.memory_space<vmem>> -> memref<1x80xi32, #tpu.memory_space<vmem>>
        %dma_start3A_355 = tpu.memref_squeeze %dma_start3A_354 : memref<1x80xi32, #tpu.memory_space<vmem>> -> memref<80xi32, #tpu.memory_space<vmem>>
        %dma_start3A_356 = tpu.memref_slice %arg4[%add3A_347] : memref<160000xi32, #tpu.memory_space<hbm>> -> memref<80xi32, #tpu.memory_space<hbm>>
        tpu.enqueue_dma source(%dma_start3A_356 : memref<80xi32, #tpu.memory_space<hbm>>) target(%dma_start3A_355 : memref<80xi32, #tpu.memory_space<vmem>>) target_semaphore(%arg17 : memref<!tpu.dma_semaphore, #tpu.memory_space<semaphore_mem>>)
      } else {
      }
      %ge3A_311 = arith.constant 1 : i32
      %ge3A_312 = arith.cmpi sge, %add3A_303, %ge3A_311 : i32
      %lt3A_313 = arith.constant 125 : i32
      %lt3A_314 = arith.cmpi slt, %add3A_303, %lt3A_313 : i32
      %and3A_315 = arith.andi %ge3A_312, %lt3A_314 : i1
      %convert_element_type3A_316 = arith.extui %and3A_315 : i1 to i32
      %cond3A_317 = arith.constant 0 : i32
      %cond3A_318 = arith.cmpi ne, %convert_element_type3A_316, %cond3A_317 : i32
      scf.if %cond3A_318 {
        %dma_wait3A_331 = arith.constant 0 : i32
        %dma_wait3A_332 = arith.constant 2 : i32
        %dma_wait3A_333 = arith.constant 0 : i32
        %dma_wait3A_334 = arith.constant 0 : i32
        %dma_wait3A_335 = tpu.memref_slice %arg12[%dma_wait3A_331, %dma_wait3A_333, %dma_wait3A_334] : memref<2x80x128xf32, #tpu.memory_space<vmem>> -> memref<1x80x128xf32, #tpu.memory_space<vmem>>
        %dma_wait3A_336 = tpu.memref_squeeze %dma_wait3A_335 : memref<1x80x128xf32, #tpu.memory_space<vmem>> -> memref<80x128xf32, #tpu.memory_space<vmem>>
        %dma_wait3A_337 = arith.constant 0 : i32
        %dma_wait3A_338 = tpu.memref_slice %arg9[%dma_wait3A_332, %dma_wait3A_337] : memref<4x80xi32, #tpu.memory_space<vmem>> -> memref<1x80xi32, #tpu.memory_space<vmem>>
        %dma_wait3A_339 = tpu.memref_squeeze %dma_wait3A_338 : memref<1x80xi32, #tpu.memory_space<vmem>> -> memref<80xi32, #tpu.memory_space<vmem>>
        %dma_wait3A_340 = arith.constant 0 : i32
        %dma_wait3A_341 = arith.constant 0 : i32
        %dma_wait3A_342 = tpu.memref_slice %arg13[%dma_wait3A_340, %dma_wait3A_341] : memref<10000x128xf32, #tpu.memory_space<vmem_shared>> -> memref<10000x128xf32, #tpu.memory_space<vmem_shared>>
        tpu.wait_indirect_dma semaphore(%arg22 : memref<!tpu.dma_semaphore, #tpu.memory_space<semaphore_mem>>) src(%dma_wait3A_336 : memref<80x128xf32, #tpu.memory_space<vmem>>) dst(%dma_wait3A_342 : memref<10000x128xf32, #tpu.memory_space<vmem_shared>>)
      } else {
      }
      %add3A_319 = arith.constant 1 : i32
      %add3A_320 = arith.addi %add3A_303, %add3A_319 : i32
      %lt3A_321 = arith.constant 125 : i32
      %lt3A_322 = arith.cmpi slt, %add3A_320, %lt3A_321 : i32
      %convert_element_type3A_323 = arith.extui %lt3A_322 : i1 to i32
      %cond3A_324 = arith.constant 0 : i32
      %cond3A_325 = arith.cmpi ne, %convert_element_type3A_323, %cond3A_324 : i32
      scf.if %cond3A_325 {
        %add3A_331 = arith.constant 1 : i32
        %add3A_332 = arith.addi %add3A_303, %add3A_331 : i32
        %mul3A_333 = arith.constant 80 : i32
        %mul3A_334 = arith.muli %add3A_332, %mul3A_333 : i32
        %add3A_335 = arith.addi %multiple_of3A_8, %mul3A_334 : i32
        %dma_wait3A_336 = arith.constant 0 : i32
        %dma_wait3A_337 = arith.constant 0 : i32
        %dma_wait3A_338 = tpu.memref_slice %arg8[%dma_wait3A_336, %dma_wait3A_337] : memref<2x80xi32, #tpu.memory_space<vmem>> -> memref<1x80xi32, #tpu.memory_space<vmem>>
        %dma_wait3A_339 = tpu.memref_squeeze %dma_wait3A_338 : memref<1x80xi32, #tpu.memory_space<vmem>> -> memref<80xi32, #tpu.memory_space<vmem>>
        %dma_wait3A_340 = tpu.memref_slice %arg3[%add3A_335] : memref<160000xi32, #tpu.memory_space<hbm>> -> memref<80xi32, #tpu.memory_space<hbm>>
        %dma_wait3A_341 = arith.constant 0 : i32
        %dma_wait3A_342 = tpu.memref_slice %arg8[%dma_wait3A_336, %dma_wait3A_341] : memref<2x80xi32, #tpu.memory_space<vmem>> -> memref<1x80xi32, #tpu.memory_space<vmem>>
        %dma_wait3A_343 = tpu.memref_squeeze %dma_wait3A_342 : memref<1x80xi32, #tpu.memory_space<vmem>> -> memref<80xi32, #tpu.memory_space<vmem>>
        %dma_wait3A_344 = tpu.memref_slice %arg3[%add3A_335] : memref<160000xi32, #tpu.memory_space<hbm>> -> memref<80xi32, #tpu.memory_space<hbm>>
        tpu.wait_dma2 semaphore(%arg14 : memref<!tpu.dma_semaphore, #tpu.memory_space<semaphore_mem>>) src(%dma_wait3A_344 : memref<80xi32, #tpu.memory_space<hbm>>) dst(%dma_wait3A_343 : memref<80xi32, #tpu.memory_space<vmem>>)
        %mul3A_345 = arith.constant 80 : i32
        %mul3A_346 = arith.muli %add3A_332, %mul3A_345 : i32
        %add3A_347 = arith.addi %multiple_of3A_8, %mul3A_346 : i32
        %dma_wait3A_348 = arith.constant 0 : i32
        %dma_wait3A_349 = arith.constant 0 : i32
        %dma_wait3A_350 = tpu.memref_slice %arg9[%dma_wait3A_348, %dma_wait3A_349] : memref<4x80xi32, #tpu.memory_space<vmem>> -> memref<1x80xi32, #tpu.memory_space<vmem>>
        %dma_wait3A_351 = tpu.memref_squeeze %dma_wait3A_350 : memref<1x80xi32, #tpu.memory_space<vmem>> -> memref<80xi32, #tpu.memory_space<vmem>>
        %dma_wait3A_352 = tpu.memref_slice %arg4[%add3A_347] : memref<160000xi32, #tpu.memory_space<hbm>> -> memref<80xi32, #tpu.memory_space<hbm>>
        %dma_wait3A_353 = arith.constant 0 : i32
        %dma_wait3A_354 = tpu.memref_slice %arg9[%dma_wait3A_348, %dma_wait3A_353] : memref<4x80xi32, #tpu.memory_space<vmem>> -> memref<1x80xi32, #tpu.memory_space<vmem>>
        %dma_wait3A_355 = tpu.memref_squeeze %dma_wait3A_354 : memref<1x80xi32, #tpu.memory_space<vmem>> -> memref<80xi32, #tpu.memory_space<vmem>>
        %dma_wait3A_356 = tpu.memref_slice %arg4[%add3A_347] : memref<160000xi32, #tpu.memory_space<hbm>> -> memref<80xi32, #tpu.memory_space<hbm>>
        tpu.wait_dma2 semaphore(%arg16 : memref<!tpu.dma_semaphore, #tpu.memory_space<semaphore_mem>>) src(%dma_wait3A_356 : memref<80xi32, #tpu.memory_space<hbm>>) dst(%dma_wait3A_355 : memref<80xi32, #tpu.memory_space<vmem>>)
        %add3A_357 = arith.constant 1 : i32
        %add3A_358 = arith.addi %add3A_303, %add3A_357 : i32
        %get3A_359 = arith.constant 0 : i32
        %get3A_360 = arith.index_cast %get3A_359 : i32 to index
        %get3A_361 = arith.constant 0 : index
        %get3A_362 = tpu.vector_load %arg8[%get3A_360, %get3A_361] {strides = array<i32>} : memref<2x80xi32, #tpu.memory_space<vmem>>, vector<1x16xi32>,
        %get3A_363 = vector.shape_cast %get3A_362 : vector<1x16xi32> to vector<16xi32>
        %mul3A_364 = arith.constant 2 : i32
        %mul3A_365 = vector.broadcast %mul3A_364 : i32 to vector<16xi32>
        %mul3A_366 = arith.muli %get3A_363, %mul3A_365 : vector<16xi32>
        %add3A_367 = vector.broadcast %arg0 : i32 to vector<16xi32>
        %add3A_368 = arith.addi %mul3A_366, %add3A_367 : vector<16xi32>
        %swap3A_369 = arith.constant 0 : i32
        %swap3A_370 = arith.index_cast %swap3A_369 : i32 to index
        %swap3A_371 = arith.constant 0 : index
        %swap3A_372 = tpu.vector_load %arg10[%swap3A_370, %swap3A_371] {strides = array<i32>} : memref<2x80xi32, #tpu.memory_space<vmem>>, vector<1x16xi32>,
        %swap3A_373 = vector.shape_cast %swap3A_372 : vector<1x16xi32> to vector<16xi32>
        %swap3A_374 = vector.shape_cast %add3A_368 : vector<16xi32> to vector<1x16xi32>
        tpu.vector_store %arg10[%swap3A_370, %swap3A_371], %swap3A_374 {strides = array<i32>} : memref<2x80xi32, #tpu.memory_space<vmem>>, vector<1x16xi32>,
        %get3A_375 = arith.constant 0 : i32
        %get3A_376 = arith.index_cast %get3A_375 : i32 to index
        %get3A_377 = arith.constant 16 : index
        %get3A_378 = tpu.vector_load %arg8[%get3A_376, %get3A_377] {strides = array<i32>} : memref<2x80xi32, #tpu.memory_space<vmem>>, vector<1x16xi32>,
        %get3A_379 = vector.shape_cast %get3A_378 : vector<1x16xi32> to vector<16xi32>
        %mul3A_380 = arith.constant 2 : i32
        %mul3A_381 = vector.broadcast %mul3A_380 : i32 to vector<16xi32>
        %mul3A_382 = arith.muli %get3A_379, %mul3A_381 : vector<16xi32>
        %add3A_383 = vector.broadcast %arg0 : i32 to vector<16xi32>
        %add3A_384 = arith.addi %mul3A_382, %add3A_383 : vector<16xi32>
        %swap3A_385 = arith.constant 0 : i32
        %swap3A_386 = arith.index_cast %swap3A_385 : i32 to index
        %swap3A_387 = arith.constant 16 : index
        %swap3A_388 = tpu.vector_load %arg10[%swap3A_386, %swap3A_387] {strides = array<i32>} : memref<2x80xi32, #tpu.memory_space<vmem>>, vector<1x16xi32>,
        %swap3A_389 = vector.shape_cast %swap3A_388 : vector<1x16xi32> to vector<16xi32>
        %swap3A_390 = vector.shape_cast %add3A_384 : vector<16xi32> to vector<1x16xi32>
        tpu.vector_store %arg10[%swap3A_386, %swap3A_387], %swap3A_390 {strides = array<i32>} : memref<2x80xi32, #tpu.memory_space<vmem>>, vector<1x16xi32>,
        %get3A_391 = arith.constant 0 : i32
        %get3A_392 = arith.index_cast %get3A_391 : i32 to index
        %get3A_393 = arith.constant 32 : index
        %get3A_394 = tpu.vector_load %arg8[%get3A_392, %get3A_393] {strides = array<i32>} : memref<2x80xi32, #tpu.memory_space<vmem>>, vector<1x16xi32>,
        %get3A_395 = vector.shape_cast %get3A_394 : vector<1x16xi32> to vector<16xi32>
        %mul3A_396 = arith.constant 2 : i32
        %mul3A_397 = vector.broadcast %mul3A_396 : i32 to vector<16xi32>
        %mul3A_398 = arith.muli %get3A_395, %mul3A_397 : vector<16xi32>
        %add3A_399 = vector.broadcast %arg0 : i32 to vector<16xi32>
        %add3A_400 = arith.addi %mul3A_398, %add3A_399 : vector<16xi32>
        %swap3A_401 = arith.constant 0 : i32
        %swap3A_402 = arith.index_cast %swap3A_401 : i32 to index
        %swap3A_403 = arith.constant 32 : index
        %swap3A_404 = tpu.vector_load %arg10[%swap3A_402, %swap3A_403] {strides = array<i32>} : memref<2x80xi32, #tpu.memory_space<vmem>>, vector<1x16xi32>,
        %swap3A_405 = vector.shape_cast %swap3A_404 : vector<1x16xi32> to vector<16xi32>
        %swap3A_406 = vector.shape_cast %add3A_400 : vector<16xi32> to vector<1x16xi32>
        tpu.vector_store %arg10[%swap3A_402, %swap3A_403], %swap3A_406 {strides = array<i32>} : memref<2x80xi32, #tpu.memory_space<vmem>>, vector<1x16xi32>,
        %get3A_407 = arith.constant 0 : i32
        %get3A_408 = arith.index_cast %get3A_407 : i32 to index
        %get3A_409 = arith.constant 48 : index
        %get3A_410 = tpu.vector_load %arg8[%get3A_408, %get3A_409] {strides = array<i32>} : memref<2x80xi32, #tpu.memory_space<vmem>>, vector<1x16xi32>,
        %get3A_411 = vector.shape_cast %get3A_410 : vector<1x16xi32> to vector<16xi32>
        %mul3A_412 = arith.constant 2 : i32
        %mul3A_413 = vector.broadcast %mul3A_412 : i32 to vector<16xi32>
        %mul3A_414 = arith.muli %get3A_411, %mul3A_413 : vector<16xi32>
        %add3A_415 = vector.broadcast %arg0 : i32 to vector<16xi32>
        %add3A_416 = arith.addi %mul3A_414, %add3A_415 : vector<16xi32>
        %swap3A_417 = arith.constant 0 : i32
        %swap3A_418 = arith.index_cast %swap3A_417 : i32 to index
        %swap3A_419 = arith.constant 48 : index
        %swap3A_420 = tpu.vector_load %arg10[%swap3A_418, %swap3A_419] {strides = array<i32>} : memref<2x80xi32, #tpu.memory_space<vmem>>, vector<1x16xi32>,
        %swap3A_421 = vector.shape_cast %swap3A_420 : vector<1x16xi32> to vector<16xi32>
        %swap3A_422 = vector.shape_cast %add3A_416 : vector<16xi32> to vector<1x16xi32>
        tpu.vector_store %arg10[%swap3A_418, %swap3A_419], %swap3A_422 {strides = array<i32>} : memref<2x80xi32, #tpu.memory_space<vmem>>, vector<1x16xi32>,
        %get3A_423 = arith.constant 0 : i32
        %get3A_424 = arith.index_cast %get3A_423 : i32 to index
        %get3A_425 = arith.constant 64 : index
        %get3A_426 = tpu.vector_load %arg8[%get3A_424, %get3A_425] {strides = array<i32>} : memref<2x80xi32, #tpu.memory_space<vmem>>, vector<1x16xi32>,
        %get3A_427 = vector.shape_cast %get3A_426 : vector<1x16xi32> to vector<16xi32>
        %mul3A_428 = arith.constant 2 : i32
        %mul3A_429 = vector.broadcast %mul3A_428 : i32 to vector<16xi32>
        %mul3A_430 = arith.muli %get3A_427, %mul3A_429 : vector<16xi32>
        %add3A_431 = vector.broadcast %arg0 : i32 to vector<16xi32>
        %add3A_432 = arith.addi %mul3A_430, %add3A_431 : vector<16xi32>
        %swap3A_433 = arith.constant 0 : i32
        %swap3A_434 = arith.index_cast %swap3A_433 : i32 to index
        %swap3A_435 = arith.constant 64 : index
        %swap3A_436 = tpu.vector_load %arg10[%swap3A_434, %swap3A_435] {strides = array<i32>} : memref<2x80xi32, #tpu.memory_space<vmem>>, vector<1x16xi32>,
        %swap3A_437 = vector.shape_cast %swap3A_436 : vector<1x16xi32> to vector<16xi32>
        %swap3A_438 = vector.shape_cast %add3A_432 : vector<16xi32> to vector<1x16xi32>
        tpu.vector_store %arg10[%swap3A_434, %swap3A_435], %swap3A_438 {strides = array<i32>} : memref<2x80xi32, #tpu.memory_space<vmem>>, vector<1x16xi32>,
        %dma_start3A_439 = arith.constant 0 : i32
        %dma_start3A_440 = arith.constant 0 : i32
        %dma_start3A_441 = arith.constant 0 : i32
        %dma_start3A_442 = arith.constant 0 : i32
        %dma_start3A_443 = tpu.memref_slice %arg11[%dma_start3A_440, %dma_start3A_441, %dma_start3A_442] : memref<2x80x128xf32, #tpu.memory_space<vmem>> -> memref<1x80x128xf32, #tpu.memory_space<vmem>>
        %dma_start3A_444 = tpu.memref_squeeze %dma_start3A_443 : memref<1x80x128xf32, #tpu.memory_space<vmem>> -> memref<80x128xf32, #tpu.memory_space<vmem>>
        %dma_start3A_445 = arith.constant 0 : i32
        %dma_start3A_446 = tpu.memref_slice %arg10[%dma_start3A_439, %dma_start3A_445] : memref<2x80xi32, #tpu.memory_space<vmem>> -> memref<1x80xi32, #tpu.memory_space<vmem>>
        %dma_start3A_447 = tpu.memref_squeeze %dma_start3A_446 : memref<1x80xi32, #tpu.memory_space<vmem>> -> memref<80xi32, #tpu.memory_space<vmem>>
        %dma_start3A_448 = arith.constant 0 : i32
        %dma_start3A_449 = arith.constant 0 : i32
        %dma_start3A_450 = tpu.memref_slice %arg2[%dma_start3A_448, %dma_start3A_449] : memref<20000x128xf32, #tpu.memory_space<hbm>> -> memref<20000x128xf32, #tpu.memory_space<hbm>>
        tpu.enqueue_indirect_dma source(%dma_start3A_450 : memref<20000x128xf32, #tpu.memory_space<hbm>>) target(%dma_start3A_444 : memref<80x128xf32, #tpu.memory_space<vmem>>) offsets(%dma_start3A_447 : memref<80xi32, #tpu.memory_space<vmem>>) semaphore(%arg18 : memref<!tpu.dma_semaphore, #tpu.memory_space<semaphore_mem>>)
        %mul3A_451 = arith.constant 80 : i32
        %mul3A_452 = arith.muli %add3A_358, %mul3A_451 : i32
        %add3A_453 = arith.addi %multiple_of3A_8, %mul3A_452 : i32
        %dma_start3A_454 = arith.constant 0 : i32
        %dma_start3A_455 = arith.constant 0 : i32
        %dma_start3A_456 = arith.constant 0 : i32
        %dma_start3A_457 = tpu.memref_slice %arg12[%dma_start3A_454, %dma_start3A_455, %dma_start3A_456] : memref<2x80x128xf32, #tpu.memory_space<vmem>> -> memref<1x80x128xf32, #tpu.memory_space<vmem>>
        %dma_start3A_458 = tpu.memref_squeeze %dma_start3A_457 : memref<1x80x128xf32, #tpu.memory_space<vmem>> -> memref<80x128xf32, #tpu.memory_space<vmem>>
        %dma_start3A_459 = tpu.memref_slice %arg5[%add3A_453, %multiple_of3A_17] : memref<160000x256xf32, #tpu.memory_space<hbm>> -> memref<80x128xf32, #tpu.memory_space<hbm>>
        %dma_start3A_460 = arith.constant 0 : i32
        %dma_start3A_461 = arith.constant 0 : i32
        %dma_start3A_462 = tpu.memref_slice %arg12[%dma_start3A_454, %dma_start3A_460, %dma_start3A_461] : memref<2x80x128xf32, #tpu.memory_space<vmem>> -> memref<1x80x128xf32, #tpu.memory_space<vmem>>
        %dma_start3A_463 = tpu.memref_squeeze %dma_start3A_462 : memref<1x80x128xf32, #tpu.memory_space<vmem>> -> memref<80x128xf32, #tpu.memory_space<vmem>>
        %dma_start3A_464 = tpu.memref_slice %arg5[%add3A_453, %multiple_of3A_17] : memref<160000x256xf32, #tpu.memory_space<hbm>> -> memref<80x128xf32, #tpu.memory_space<hbm>>
        tpu.enqueue_dma source(%dma_start3A_464 : memref<80x128xf32, #tpu.memory_space<hbm>>) target(%dma_start3A_463 : memref<80x128xf32, #tpu.memory_space<vmem>>) target_semaphore(%arg20 : memref<!tpu.dma_semaphore, #tpu.memory_space<semaphore_mem>>)
      } else {
      }
      %lt3A_326 = arith.constant 125 : i32
      %lt3A_327 = arith.cmpi slt, %add3A_303, %lt3A_326 : i32
      %convert_element_type3A_328 = arith.extui %lt3A_327 : i1 to i32
      %cond3A_329 = arith.constant 0 : i32
      %cond3A_330 = arith.cmpi ne, %convert_element_type3A_328, %cond3A_329 : i32
      scf.if %cond3A_330 {
        %dma_wait3A_331 = arith.constant 1 : i32
        %dma_wait3A_332 = arith.constant 1 : i32
        %dma_wait3A_333 = arith.constant 0 : i32
        %dma_wait3A_334 = arith.constant 0 : i32
        %dma_wait3A_335 = tpu.memref_slice %arg11[%dma_wait3A_332, %dma_wait3A_333, %dma_wait3A_334] : memref<2x80x128xf32, #tpu.memory_space<vmem>> -> memref<1x80x128xf32, #tpu.memory_space<vmem>>
        %dma_wait3A_336 = tpu.memref_squeeze %dma_wait3A_335 : memref<1x80x128xf32, #tpu.memory_space<vmem>> -> memref<80x128xf32, #tpu.memory_space<vmem>>
        %dma_wait3A_337 = arith.constant 0 : i32
        %dma_wait3A_338 = tpu.memref_slice %arg10[%dma_wait3A_331, %dma_wait3A_337] : memref<2x80xi32, #tpu.memory_space<vmem>> -> memref<1x80xi32, #tpu.memory_space<vmem>>
        %dma_wait3A_339 = tpu.memref_squeeze %dma_wait3A_338 : memref<1x80xi32, #tpu.memory_space<vmem>> -> memref<80xi32, #tpu.memory_space<vmem>>
        %dma_wait3A_340 = arith.constant 0 : i32
        %dma_wait3A_341 = arith.constant 0 : i32
        %dma_wait3A_342 = tpu.memref_slice %arg2[%dma_wait3A_340, %dma_wait3A_341] : memref<20000x128xf32, #tpu.memory_space<hbm>> -> memref<20000x128xf32, #tpu.memory_space<hbm>>
        tpu.wait_indirect_dma semaphore(%arg19 : memref<!tpu.dma_semaphore, #tpu.memory_space<semaphore_mem>>) src(%dma_wait3A_342 : memref<20000x128xf32, #tpu.memory_space<hbm>>) dst(%dma_wait3A_336 : memref<80x128xf32, #tpu.memory_space<vmem>>)
        %mul3A_343 = arith.constant 80 : i32
        %mul3A_344 = arith.muli %add3A_303, %mul3A_343 : i32
        %add3A_345 = arith.addi %multiple_of3A_8, %mul3A_344 : i32
        %dma_wait3A_346 = arith.constant 1 : i32
        %dma_wait3A_347 = arith.constant 0 : i32
        %dma_wait3A_348 = arith.constant 0 : i32
        %dma_wait3A_349 = tpu.memref_slice %arg12[%dma_wait3A_346, %dma_wait3A_347, %dma_wait3A_348] : memref<2x80x128xf32, #tpu.memory_space<vmem>> -> memref<1x80x128xf32, #tpu.memory_space<vmem>>
        %dma_wait3A_350 = tpu.memref_squeeze %dma_wait3A_349 : memref<1x80x128xf32, #tpu.memory_space<vmem>> -> memref<80x128xf32, #tpu.memory_space<vmem>>
        %dma_wait3A_351 = tpu.memref_slice %arg5[%add3A_345, %multiple_of3A_17] : memref<160000x256xf32, #tpu.memory_space<hbm>> -> memref<80x128xf32, #tpu.memory_space<hbm>>
        %dma_wait3A_352 = arith.constant 0 : i32
        %dma_wait3A_353 = arith.constant 0 : i32
        %dma_wait3A_354 = tpu.memref_slice %arg12[%dma_wait3A_346, %dma_wait3A_352, %dma_wait3A_353] : memref<2x80x128xf32, #tpu.memory_space<vmem>> -> memref<1x80x128xf32, #tpu.memory_space<vmem>>
        %dma_wait3A_355 = tpu.memref_squeeze %dma_wait3A_354 : memref<1x80x128xf32, #tpu.memory_space<vmem>> -> memref<80x128xf32, #tpu.memory_space<vmem>>
        %dma_wait3A_356 = tpu.memref_slice %arg5[%add3A_345, %multiple_of3A_17] : memref<160000x256xf32, #tpu.memory_space<hbm>> -> memref<80x128xf32, #tpu.memory_space<hbm>>
        tpu.wait_dma2 semaphore(%arg21 : memref<!tpu.dma_semaphore, #tpu.memory_space<semaphore_mem>>) src(%dma_wait3A_356 : memref<80x128xf32, #tpu.memory_space<hbm>>) dst(%dma_wait3A_355 : memref<80x128xf32, #tpu.memory_space<vmem>>)
        %scan3A_357 = arith.constant 0 : i32
        %scan3A_358 = arith.constant 80 : i32
        %scan3A_359 = arith.addi %scan3A_357, %scan3A_358 : i32
        %scan3A_360 = arith.constant 1 : i32
        scf.for %scan3A_374 = %scan3A_357 to %scan3A_359 step %scan3A_360  : i32 {
          %mul3A_375 = arith.constant 1 : i32
          %mul3A_376 = arith.muli %scan3A_374, %mul3A_375 : i32
          %add3A_377 = arith.constant 0 : i32
          %add3A_378 = arith.addi %add3A_377, %mul3A_376 : i32
          %get3A_379 = arith.constant 1 : i32
          %get3A_380 = arith.index_cast %get3A_379 : i32 to index
          %get3A_381 = arith.index_cast %add3A_378 : i32 to index
          %get3A_382 = arith.constant 0 : index
          %get3A_383 = tpu.vector_load %arg11[%get3A_380, %get3A_381, %get3A_382] {strides = array<i32>} : memref<2x80x128xf32, #tpu.memory_space<vmem>>, vector<1x1x16xf32>,
          %get3A_384 = vector.shape_cast %get3A_383 : vector<1x1x16xf32> to vector<16xf32>
          %get3A_385 = arith.constant 1 : i32
          %get3A_386 = arith.index_cast %get3A_385 : i32 to index
          %get3A_387 = arith.index_cast %add3A_378 : i32 to index
          %get3A_388 = arith.constant 0 : index
          %get3A_389 = tpu.vector_load %arg12[%get3A_386, %get3A_387, %get3A_388] {strides = array<i32>} : memref<2x80x128xf32, #tpu.memory_space<vmem>>, vector<1x1x16xf32>,
          %get3A_390 = vector.shape_cast %get3A_389 : vector<1x1x16xf32> to vector<16xf32>
          %add3A_391 = arith.addf %get3A_384, %get3A_390 : vector<16xf32>
          %max3A = arith.constant 0.000000e+00 : f32
          %max3A_392 = vector.broadcast %max3A : f32 to vector<16xf32>
          %max3A_393 = arith.maximumf %add3A_391, %max3A_392 : vector<16xf32>
          %swap3A_394 = arith.constant 1 : i32
          %swap3A_395 = arith.index_cast %swap3A_394 : i32 to index
          %swap3A_396 = arith.index_cast %add3A_378 : i32 to index
          %swap3A_397 = arith.constant 0 : index
          %swap3A_398 = tpu.vector_load %arg12[%swap3A_395, %swap3A_396, %swap3A_397] {strides = array<i32>} : memref<2x80x128xf32, #tpu.memory_space<vmem>>, vector<1x1x16xf32>,
          %swap3A_399 = vector.shape_cast %swap3A_398 : vector<1x1x16xf32> to vector<16xf32>
          %swap3A_400 = vector.shape_cast %max3A_393 : vector<16xf32> to vector<1x1x16xf32>
          tpu.vector_store %arg12[%swap3A_395, %swap3A_396, %swap3A_397], %swap3A_400 {strides = array<i32>} : memref<2x80x128xf32, #tpu.memory_space<vmem>>, vector<1x1x16xf32>,
          %get3A_401 = arith.constant 1 : i32
          %get3A_402 = arith.index_cast %get3A_401 : i32 to index
          %get3A_403 = arith.index_cast %add3A_378 : i32 to index
          %get3A_404 = arith.constant 16 : index
          %get3A_405 = tpu.vector_load %arg11[%get3A_402, %get3A_403, %get3A_404] {strides = array<i32>} : memref<2x80x128xf32, #tpu.memory_space<vmem>>, vector<1x1x16xf32>,
          %get3A_406 = vector.shape_cast %get3A_405 : vector<1x1x16xf32> to vector<16xf32>
          %get3A_407 = arith.constant 1 : i32
          %get3A_408 = arith.index_cast %get3A_407 : i32 to index
          %get3A_409 = arith.index_cast %add3A_378 : i32 to index
          %get3A_410 = arith.constant 16 : index
          %get3A_411 = tpu.vector_load %arg12[%get3A_408, %get3A_409, %get3A_410] {strides = array<i32>} : memref<2x80x128xf32, #tpu.memory_space<vmem>>, vector<1x1x16xf32>,
          %get3A_412 = vector.shape_cast %get3A_411 : vector<1x1x16xf32> to vector<16xf32>
          %add3A_413 = arith.addf %get3A_406, %get3A_412 : vector<16xf32>
          %max3A_414 = arith.constant 0.000000e+00 : f32
          %max3A_415 = vector.broadcast %max3A_414 : f32 to vector<16xf32>
          %max3A_416 = arith.maximumf %add3A_413, %max3A_415 : vector<16xf32>
          %swap3A_417 = arith.constant 1 : i32
          %swap3A_418 = arith.index_cast %swap3A_417 : i32 to index
          %swap3A_419 = arith.index_cast %add3A_378 : i32 to index
          %swap3A_420 = arith.constant 16 : index
          %swap3A_421 = tpu.vector_load %arg12[%swap3A_418, %swap3A_419, %swap3A_420] {strides = array<i32>} : memref<2x80x128xf32, #tpu.memory_space<vmem>>, vector<1x1x16xf32>,
          %swap3A_422 = vector.shape_cast %swap3A_421 : vector<1x1x16xf32> to vector<16xf32>
          %swap3A_423 = vector.shape_cast %max3A_416 : vector<16xf32> to vector<1x1x16xf32>
          tpu.vector_store %arg12[%swap3A_418, %swap3A_419, %swap3A_420], %swap3A_423 {strides = array<i32>} : memref<2x80x128xf32, #tpu.memory_space<vmem>>, vector<1x1x16xf32>,
          %get3A_424 = arith.constant 1 : i32
          %get3A_425 = arith.index_cast %get3A_424 : i32 to index
          %get3A_426 = arith.index_cast %add3A_378 : i32 to index
          %get3A_427 = arith.constant 32 : index
          %get3A_428 = tpu.vector_load %arg11[%get3A_425, %get3A_426, %get3A_427] {strides = array<i32>} : memref<2x80x128xf32, #tpu.memory_space<vmem>>, vector<1x1x16xf32>,
          %get3A_429 = vector.shape_cast %get3A_428 : vector<1x1x16xf32> to vector<16xf32>
          %get3A_430 = arith.constant 1 : i32
          %get3A_431 = arith.index_cast %get3A_430 : i32 to index
          %get3A_432 = arith.index_cast %add3A_378 : i32 to index
          %get3A_433 = arith.constant 32 : index
          %get3A_434 = tpu.vector_load %arg12[%get3A_431, %get3A_432, %get3A_433] {strides = array<i32>} : memref<2x80x128xf32, #tpu.memory_space<vmem>>, vector<1x1x16xf32>,
          %get3A_435 = vector.shape_cast %get3A_434 : vector<1x1x16xf32> to vector<16xf32>
          %add3A_436 = arith.addf %get3A_429, %get3A_435 : vector<16xf32>
          %max3A_437 = arith.constant 0.000000e+00 : f32
          %max3A_438 = vector.broadcast %max3A_437 : f32 to vector<16xf32>
          %max3A_439 = arith.maximumf %add3A_436, %max3A_438 : vector<16xf32>
          %swap3A_440 = arith.constant 1 : i32
          %swap3A_441 = arith.index_cast %swap3A_440 : i32 to index
          %swap3A_442 = arith.index_cast %add3A_378 : i32 to index
          %swap3A_443 = arith.constant 32 : index
          %swap3A_444 = tpu.vector_load %arg12[%swap3A_441, %swap3A_442, %swap3A_443] {strides = array<i32>} : memref<2x80x128xf32, #tpu.memory_space<vmem>>, vector<1x1x16xf32>,
          %swap3A_445 = vector.shape_cast %swap3A_444 : vector<1x1x16xf32> to vector<16xf32>
          %swap3A_446 = vector.shape_cast %max3A_439 : vector<16xf32> to vector<1x1x16xf32>
          tpu.vector_store %arg12[%swap3A_441, %swap3A_442, %swap3A_443], %swap3A_446 {strides = array<i32>} : memref<2x80x128xf32, #tpu.memory_space<vmem>>, vector<1x1x16xf32>,
          %get3A_447 = arith.constant 1 : i32
          %get3A_448 = arith.index_cast %get3A_447 : i32 to index
          %get3A_449 = arith.index_cast %add3A_378 : i32 to index
          %get3A_450 = arith.constant 48 : index
          %get3A_451 = tpu.vector_load %arg11[%get3A_448, %get3A_449, %get3A_450] {strides = array<i32>} : memref<2x80x128xf32, #tpu.memory_space<vmem>>, vector<1x1x16xf32>,
          %get3A_452 = vector.shape_cast %get3A_451 : vector<1x1x16xf32> to vector<16xf32>
          %get3A_453 = arith.constant 1 : i32
          %get3A_454 = arith.index_cast %get3A_453 : i32 to index
          %get3A_455 = arith.index_cast %add3A_378 : i32 to index
          %get3A_456 = arith.constant 48 : index
          %get3A_457 = tpu.vector_load %arg12[%get3A_454, %get3A_455, %get3A_456] {strides = array<i32>} : memref<2x80x128xf32, #tpu.memory_space<vmem>>, vector<1x1x16xf32>,
          %get3A_458 = vector.shape_cast %get3A_457 : vector<1x1x16xf32> to vector<16xf32>
          %add3A_459 = arith.addf %get3A_452, %get3A_458 : vector<16xf32>
          %max3A_460 = arith.constant 0.000000e+00 : f32
          %max3A_461 = vector.broadcast %max3A_460 : f32 to vector<16xf32>
          %max3A_462 = arith.maximumf %add3A_459, %max3A_461 : vector<16xf32>
          %swap3A_463 = arith.constant 1 : i32
          %swap3A_464 = arith.index_cast %swap3A_463 : i32 to index
          %swap3A_465 = arith.index_cast %add3A_378 : i32 to index
          %swap3A_466 = arith.constant 48 : index
          %swap3A_467 = tpu.vector_load %arg12[%swap3A_464, %swap3A_465, %swap3A_466] {strides = array<i32>} : memref<2x80x128xf32, #tpu.memory_space<vmem>>, vector<1x1x16xf32>,
          %swap3A_468 = vector.shape_cast %swap3A_467 : vector<1x1x16xf32> to vector<16xf32>
          %swap3A_469 = vector.shape_cast %max3A_462 : vector<16xf32> to vector<1x1x16xf32>
          tpu.vector_store %arg12[%swap3A_464, %swap3A_465, %swap3A_466], %swap3A_469 {strides = array<i32>} : memref<2x80x128xf32, #tpu.memory_space<vmem>>, vector<1x1x16xf32>,
          %get3A_470 = arith.constant 1 : i32
          %get3A_471 = arith.index_cast %get3A_470 : i32 to index
          %get3A_472 = arith.index_cast %add3A_378 : i32 to index
          %get3A_473 = arith.constant 64 : index
          %get3A_474 = tpu.vector_load %arg11[%get3A_471, %get3A_472, %get3A_473] {strides = array<i32>} : memref<2x80x128xf32, #tpu.memory_space<vmem>>, vector<1x1x16xf32>,
          %get3A_475 = vector.shape_cast %get3A_474 : vector<1x1x16xf32> to vector<16xf32>
          %get3A_476 = arith.constant 1 : i32
          %get3A_477 = arith.index_cast %get3A_476 : i32 to index
          %get3A_478 = arith.index_cast %add3A_378 : i32 to index
          %get3A_479 = arith.constant 64 : index
          %get3A_480 = tpu.vector_load %arg12[%get3A_477, %get3A_478, %get3A_479] {strides = array<i32>} : memref<2x80x128xf32, #tpu.memory_space<vmem>>, vector<1x1x16xf32>,
          %get3A_481 = vector.shape_cast %get3A_480 : vector<1x1x16xf32> to vector<16xf32>
          %add3A_482 = arith.addf %get3A_475, %get3A_481 : vector<16xf32>
          %max3A_483 = arith.constant 0.000000e+00 : f32
          %max3A_484 = vector.broadcast %max3A_483 : f32 to vector<16xf32>
          %max3A_485 = arith.maximumf %add3A_482, %max3A_484 : vector<16xf32>
          %swap3A_486 = arith.constant 1 : i32
          %swap3A_487 = arith.index_cast %swap3A_486 : i32 to index
          %swap3A_488 = arith.index_cast %add3A_378 : i32 to index
          %swap3A_489 = arith.constant 64 : index
          %swap3A_490 = tpu.vector_load %arg12[%swap3A_487, %swap3A_488, %swap3A_489] {strides = array<i32>} : memref<2x80x128xf32, #tpu.memory_space<vmem>>, vector<1x1x16xf32>,
          %swap3A_491 = vector.shape_cast %swap3A_490 : vector<1x1x16xf32> to vector<16xf32>
          %swap3A_492 = vector.shape_cast %max3A_485 : vector<16xf32> to vector<1x1x16xf32>
          tpu.vector_store %arg12[%swap3A_487, %swap3A_488, %swap3A_489], %swap3A_492 {strides = array<i32>} : memref<2x80x128xf32, #tpu.memory_space<vmem>>, vector<1x1x16xf32>,
          %get3A_493 = arith.constant 1 : i32
          %get3A_494 = arith.index_cast %get3A_493 : i32 to index
          %get3A_495 = arith.index_cast %add3A_378 : i32 to index
          %get3A_496 = arith.constant 80 : index
          %get3A_497 = tpu.vector_load %arg11[%get3A_494, %get3A_495, %get3A_496] {strides = array<i32>} : memref<2x80x128xf32, #tpu.memory_space<vmem>>, vector<1x1x16xf32>,
          %get3A_498 = vector.shape_cast %get3A_497 : vector<1x1x16xf32> to vector<16xf32>
          %get3A_499 = arith.constant 1 : i32
          %get3A_500 = arith.index_cast %get3A_499 : i32 to index
          %get3A_501 = arith.index_cast %add3A_378 : i32 to index
          %get3A_502 = arith.constant 80 : index
          %get3A_503 = tpu.vector_load %arg12[%get3A_500, %get3A_501, %get3A_502] {strides = array<i32>} : memref<2x80x128xf32, #tpu.memory_space<vmem>>, vector<1x1x16xf32>,
          %get3A_504 = vector.shape_cast %get3A_503 : vector<1x1x16xf32> to vector<16xf32>
          %add3A_505 = arith.addf %get3A_498, %get3A_504 : vector<16xf32>
          %max3A_506 = arith.constant 0.000000e+00 : f32
          %max3A_507 = vector.broadcast %max3A_506 : f32 to vector<16xf32>
          %max3A_508 = arith.maximumf %add3A_505, %max3A_507 : vector<16xf32>
          %swap3A_509 = arith.constant 1 : i32
          %swap3A_510 = arith.index_cast %swap3A_509 : i32 to index
          %swap3A_511 = arith.index_cast %add3A_378 : i32 to index
          %swap3A_512 = arith.constant 80 : index
          %swap3A_513 = tpu.vector_load %arg12[%swap3A_510, %swap3A_511, %swap3A_512] {strides = array<i32>} : memref<2x80x128xf32, #tpu.memory_space<vmem>>, vector<1x1x16xf32>,
          %swap3A_514 = vector.shape_cast %swap3A_513 : vector<1x1x16xf32> to vector<16xf32>
          %swap3A_515 = vector.shape_cast %max3A_508 : vector<16xf32> to vector<1x1x16xf32>
          tpu.vector_store %arg12[%swap3A_510, %swap3A_511, %swap3A_512], %swap3A_515 {strides = array<i32>} : memref<2x80x128xf32, #tpu.memory_space<vmem>>, vector<1x1x16xf32>,
          %get3A_516 = arith.constant 1 : i32
          %get3A_517 = arith.index_cast %get3A_516 : i32 to index
          %get3A_518 = arith.index_cast %add3A_378 : i32 to index
          %get3A_519 = arith.constant 96 : index
          %get3A_520 = tpu.vector_load %arg11[%get3A_517, %get3A_518, %get3A_519] {strides = array<i32>} : memref<2x80x128xf32, #tpu.memory_space<vmem>>, vector<1x1x16xf32>,
          %get3A_521 = vector.shape_cast %get3A_520 : vector<1x1x16xf32> to vector<16xf32>
          %get3A_522 = arith.constant 1 : i32
          %get3A_523 = arith.index_cast %get3A_522 : i32 to index
          %get3A_524 = arith.index_cast %add3A_378 : i32 to index
          %get3A_525 = arith.constant 96 : index
          %get3A_526 = tpu.vector_load %arg12[%get3A_523, %get3A_524, %get3A_525] {strides = array<i32>} : memref<2x80x128xf32, #tpu.memory_space<vmem>>, vector<1x1x16xf32>,
          %get3A_527 = vector.shape_cast %get3A_526 : vector<1x1x16xf32> to vector<16xf32>
          %add3A_528 = arith.addf %get3A_521, %get3A_527 : vector<16xf32>
          %max3A_529 = arith.constant 0.000000e+00 : f32
          %max3A_530 = vector.broadcast %max3A_529 : f32 to vector<16xf32>
          %max3A_531 = arith.maximumf %add3A_528, %max3A_530 : vector<16xf32>
          %swap3A_532 = arith.constant 1 : i32
          %swap3A_533 = arith.index_cast %swap3A_532 : i32 to index
          %swap3A_534 = arith.index_cast %add3A_378 : i32 to index
          %swap3A_535 = arith.constant 96 : index
          %swap3A_536 = tpu.vector_load %arg12[%swap3A_533, %swap3A_534, %swap3A_535] {strides = array<i32>} : memref<2x80x128xf32, #tpu.memory_space<vmem>>, vector<1x1x16xf32>,
          %swap3A_537 = vector.shape_cast %swap3A_536 : vector<1x1x16xf32> to vector<16xf32>
          %swap3A_538 = vector.shape_cast %max3A_531 : vector<16xf32> to vector<1x1x16xf32>
          tpu.vector_store %arg12[%swap3A_533, %swap3A_534, %swap3A_535], %swap3A_538 {strides = array<i32>} : memref<2x80x128xf32, #tpu.memory_space<vmem>>, vector<1x1x16xf32>,
          %get3A_539 = arith.constant 1 : i32
          %get3A_540 = arith.index_cast %get3A_539 : i32 to index
          %get3A_541 = arith.index_cast %add3A_378 : i32 to index
          %get3A_542 = arith.constant 112 : index
          %get3A_543 = tpu.vector_load %arg11[%get3A_540, %get3A_541, %get3A_542] {strides = array<i32>} : memref<2x80x128xf32, #tpu.memory_space<vmem>>, vector<1x1x16xf32>,
          %get3A_544 = vector.shape_cast %get3A_543 : vector<1x1x16xf32> to vector<16xf32>
          %get3A_545 = arith.constant 1 : i32
          %get3A_546 = arith.index_cast %get3A_545 : i32 to index
          %get3A_547 = arith.index_cast %add3A_378 : i32 to index
          %get3A_548 = arith.constant 112 : index
          %get3A_549 = tpu.vector_load %arg12[%get3A_546, %get3A_547, %get3A_548] {strides = array<i32>} : memref<2x80x128xf32, #tpu.memory_space<vmem>>, vector<1x1x16xf32>,
          %get3A_550 = vector.shape_cast %get3A_549 : vector<1x1x16xf32> to vector<16xf32>
          %add3A_551 = arith.addf %get3A_544, %get3A_550 : vector<16xf32>
          %max3A_552 = arith.constant 0.000000e+00 : f32
          %max3A_553 = vector.broadcast %max3A_552 : f32 to vector<16xf32>
          %max3A_554 = arith.maximumf %add3A_551, %max3A_553 : vector<16xf32>
          %swap3A_555 = arith.constant 1 : i32
          %swap3A_556 = arith.index_cast %swap3A_555 : i32 to index
          %swap3A_557 = arith.index_cast %add3A_378 : i32 to index
          %swap3A_558 = arith.constant 112 : index
          %swap3A_559 = tpu.vector_load %arg12[%swap3A_556, %swap3A_557, %swap3A_558] {strides = array<i32>} : memref<2x80x128xf32, #tpu.memory_space<vmem>>, vector<1x1x16xf32>,
          %swap3A_560 = vector.shape_cast %swap3A_559 : vector<1x1x16xf32> to vector<16xf32>
          %swap3A_561 = vector.shape_cast %max3A_554 : vector<16xf32> to vector<1x1x16xf32>
          tpu.vector_store %arg12[%swap3A_556, %swap3A_557, %swap3A_558], %swap3A_561 {strides = array<i32>} : memref<2x80x128xf32, #tpu.memory_space<vmem>>, vector<1x1x16xf32>,
        }
        %scan3A_361 = arith.constant 80 : i32
        %dma_start3A_362 = arith.constant 1 : i32
        %dma_start3A_363 = arith.constant 3 : i32
        %dma_start3A_364 = arith.constant 0 : i32
        %dma_start3A_365 = arith.constant 0 : i32
        %dma_start3A_366 = tpu.memref_slice %arg12[%dma_start3A_362, %dma_start3A_364, %dma_start3A_365] : memref<2x80x128xf32, #tpu.memory_space<vmem>> -> memref<1x80x128xf32, #tpu.memory_space<vmem>>
        %dma_start3A_367 = tpu.memref_squeeze %dma_start3A_366 : memref<1x80x128xf32, #tpu.memory_space<vmem>> -> memref<80x128xf32, #tpu.memory_space<vmem>>
        %dma_start3A_368 = arith.constant 0 : i32
        %dma_start3A_369 = tpu.memref_slice %arg9[%dma_start3A_363, %dma_start3A_368] : memref<4x80xi32, #tpu.memory_space<vmem>> -> memref<1x80xi32, #tpu.memory_space<vmem>>
        %dma_start3A_370 = tpu.memref_squeeze %dma_start3A_369 : memref<1x80xi32, #tpu.memory_space<vmem>> -> memref<80xi32, #tpu.memory_space<vmem>>
        %dma_start3A_371 = arith.constant 0 : i32
        %dma_start3A_372 = arith.constant 0 : i32
        %dma_start3A_373 = tpu.memref_slice %arg13[%dma_start3A_371, %dma_start3A_372] : memref<10000x128xf32, #tpu.memory_space<vmem_shared>> -> memref<10000x128xf32, #tpu.memory_space<vmem_shared>>
        tpu.enqueue_indirect_dma source(%dma_start3A_367 : memref<80x128xf32, #tpu.memory_space<vmem>>) target(%dma_start3A_373 : memref<10000x128xf32, #tpu.memory_space<vmem_shared>>) offsets(%dma_start3A_370 : memref<80xi32, #tpu.memory_space<vmem>>) semaphore(%arg23 : memref<!tpu.dma_semaphore, #tpu.memory_space<semaphore_mem>>) {add = true}
      } else {
      }
    }
    %scan3A_188 = arith.constant 32 : i32
    %dma_wait3A_189 = arith.constant 0 : i32
    %dma_wait3A_190 = arith.constant 0 : i32
    %dma_wait3A_191 = arith.constant 0 : i32
    %dma_wait3A_192 = arith.constant 0 : i32
    %dma_wait3A_193 = tpu.memref_slice %arg12[%dma_wait3A_189, %dma_wait3A_191, %dma_wait3A_192] : memref<2x80x128xf32, #tpu.memory_space<vmem>> -> memref<1x80x128xf32, #tpu.memory_space<vmem>>
    %dma_wait3A_194 = tpu.memref_squeeze %dma_wait3A_193 : memref<1x80x128xf32, #tpu.memory_space<vmem>> -> memref<80x128xf32, #tpu.memory_space<vmem>>
    %dma_wait3A_195 = arith.constant 0 : i32
    %dma_wait3A_196 = tpu.memref_slice %arg9[%dma_wait3A_190, %dma_wait3A_195] : memref<4x80xi32, #tpu.memory_space<vmem>> -> memref<1x80xi32, #tpu.memory_space<vmem>>
    %dma_wait3A_197 = tpu.memref_squeeze %dma_wait3A_196 : memref<1x80xi32, #tpu.memory_space<vmem>> -> memref<80xi32, #tpu.memory_space<vmem>>
    %dma_wait3A_198 = arith.constant 0 : i32
    %dma_wait3A_199 = arith.constant 0 : i32
    %dma_wait3A_200 = tpu.memref_slice %arg13[%dma_wait3A_198, %dma_wait3A_199] : memref<10000x128xf32, #tpu.memory_space<vmem_shared>> -> memref<10000x128xf32, #tpu.memory_space<vmem_shared>>
    tpu.wait_indirect_dma semaphore(%arg22 : memref<!tpu.dma_semaphore, #tpu.memory_space<semaphore_mem>>) src(%dma_wait3A_194 : memref<80x128xf32, #tpu.memory_space<vmem>>) dst(%dma_wait3A_200 : memref<10000x128xf32, #tpu.memory_space<vmem_shared>>)
    %barrier3A_201 = arith.constant 0 : index
    tpu.barrier barrier_id(%barrier3A_201)
    %lt3A_202 = arith.constant 15 : i32
    %lt3A_203 = arith.cmpi slt, %arg1, %lt3A_202 : i32
    %convert_element_type3A_204 = arith.extui %lt3A_203 : i1 to i32
    %cond3A_205 = arith.constant 0 : i32
    %cond3A_206 = arith.cmpi ne, %convert_element_type3A_204, %cond3A_205 : i32
    scf.if %cond3A_206 {
      "tpu.region"() ({
        %run_scoped3A = tpu.sem_alloc : memref<!tpu.dma_semaphore, #tpu.memory_space<semaphore_mem>>
        %dma_start3A_212 = arith.constant 0 : i32
        %dma_start3A_213 = tpu.memref_slice %arg7[%multiple_of3A_5, %dma_start3A_212] : memref<20000x128xf32, #tpu.memory_space<hbm>> -> memref<624x128xf32, #tpu.memory_space<hbm>>
        %dma_start3A_214 = arith.constant 0 : i32
        %dma_start3A_215 = tpu.memref_slice %arg13[%multiple_of3A, %dma_start3A_214] : memref<10000x128xf32, #tpu.memory_space<vmem_shared>> -> memref<624x128xf32, #tpu.memory_space<vmem_shared>>
        tpu.enqueue_dma source(%dma_start3A_215 : memref<624x128xf32, #tpu.memory_space<vmem_shared>>) target(%dma_start3A_213 : memref<624x128xf32, #tpu.memory_space<hbm>>) target_semaphore(%run_scoped3A : memref<!tpu.dma_semaphore, #tpu.memory_space<semaphore_mem>>)
        %dma_wait3A_216 = arith.constant 0 : i32
        %dma_wait3A_217 = tpu.memref_slice %arg7[%multiple_of3A_5, %dma_wait3A_216] : memref<20000x128xf32, #tpu.memory_space<hbm>> -> memref<624x128xf32, #tpu.memory_space<hbm>>
        %dma_wait3A_218 = arith.constant 0 : i32
        %dma_wait3A_219 = tpu.memref_slice %arg13[%multiple_of3A, %dma_wait3A_218] : memref<10000x128xf32, #tpu.memory_space<vmem_shared>> -> memref<624x128xf32, #tpu.memory_space<vmem_shared>>
        tpu.wait_dma2 semaphore(%run_scoped3A : memref<!tpu.dma_semaphore, #tpu.memory_space<semaphore_mem>>) src(%dma_wait3A_219 : memref<624x128xf32, #tpu.memory_space<vmem_shared>>) dst(%dma_wait3A_217 : memref<624x128xf32, #tpu.memory_space<hbm>>)
        tpu.yield
      }) : () -> ()
    } else {
    }
    %eq3A_207 = arith.constant 15 : i32
    %eq3A_208 = arith.cmpi eq, %arg1, %eq3A_207 : i32
    %convert_element_type3A_209 = arith.extui %eq3A_208 : i1 to i32
    %cond3A_210 = arith.constant 0 : i32
    %cond3A_211 = arith.cmpi ne, %convert_element_type3A_209, %cond3A_210 : i32
    scf.if %cond3A_211 {
      %mul3A_212 = arith.constant 10000 : i32
      %mul3A_213 = arith.muli %arg0, %mul3A_212 : i32
      %multiple_of3A_214 = tpu.assume_multiple %mul3A_213, 8 : i32
      %add3A_215 = arith.constant 9360 : i32
      %add3A_216 = arith.addi %multiple_of3A_214, %add3A_215 : i32
      "tpu.region"() ({
        %run_scoped3A = tpu.sem_alloc : memref<!tpu.dma_semaphore, #tpu.memory_space<semaphore_mem>>
        %dma_start3A_217 = arith.constant 0 : i32
        %dma_start3A_218 = tpu.memref_slice %arg7[%add3A_216, %dma_start3A_217] : memref<20000x128xf32, #tpu.memory_space<hbm>> -> memref<640x128xf32, #tpu.memory_space<hbm>>
        %dma_start3A_219 = arith.constant 9360 : i32
        %dma_start3A_220 = arith.constant 0 : i32
        %dma_start3A_221 = tpu.memref_slice %arg13[%dma_start3A_219, %dma_start3A_220] : memref<10000x128xf32, #tpu.memory_space<vmem_shared>> -> memref<640x128xf32, #tpu.memory_space<vmem_shared>>
        tpu.enqueue_dma source(%dma_start3A_221 : memref<640x128xf32, #tpu.memory_space<vmem_shared>>) target(%dma_start3A_218 : memref<640x128xf32, #tpu.memory_space<hbm>>) target_semaphore(%run_scoped3A : memref<!tpu.dma_semaphore, #tpu.memory_space<semaphore_mem>>)
        %dma_wait3A_222 = arith.constant 0 : i32
        %dma_wait3A_223 = tpu.memref_slice %arg7[%add3A_216, %dma_wait3A_222] : memref<20000x128xf32, #tpu.memory_space<hbm>> -> memref<640x128xf32, #tpu.memory_space<hbm>>
        %dma_wait3A_224 = arith.constant 9360 : i32
        %dma_wait3A_225 = arith.constant 0 : i32
        %dma_wait3A_226 = tpu.memref_slice %arg13[%dma_wait3A_224, %dma_wait3A_225] : memref<10000x128xf32, #tpu.memory_space<vmem_shared>> -> memref<640x128xf32, #tpu.memory_space<vmem_shared>>
        tpu.wait_dma2 semaphore(%run_scoped3A : memref<!tpu.dma_semaphore, #tpu.memory_space<semaphore_mem>>) src(%dma_wait3A_226 : memref<640x128xf32, #tpu.memory_space<vmem_shared>>) dst(%dma_wait3A_223 : memref<640x128xf32, #tpu.memory_space<hbm>>)
        tpu.yield
      }) : () -> ()
    } else {
    }
    return
  }
}

module attributes {stable_mosaic.version = 14 : i64} {
  func.func @_mlp_body(%arg0: i32, %arg1: memref<1x1xf32, #tpu.memory_space<smem>>, %arg2: memref<1000x256xf32, #tpu.memory_space<vmem>>, %arg3: memref<1000x128xf32, #tpu.memory_space<vmem>>, %arg4: memref<1000x128xf32, #tpu.memory_space<vmem>>, %arg5: memref<256x256xf32, #tpu.memory_space<vmem>>, %arg6: memref<1x256xf32, #tpu.memory_space<vmem>>, %arg7: memref<256x256xf32, #tpu.memory_space<vmem>>, %arg8: memref<1x256xf32, #tpu.memory_space<vmem>>, %arg9: memref<1000x256xf32, #tpu.memory_space<vmem>>) attributes {dimension_semantics = [#tpu.dimension_semantics<arbitrary>], iteration_bounds = array<i64: 10>, scalar_prefetch = 0 : i64, scratch_operands = 0 : i64, tpu.core_type = #tpu.core_type<tc>, window_params = [{transform_indices = @transform_0, window_bounds = array<i64: 1, 1>}, {transform_indices = @transform_1, window_bounds = array<i64: 1000, 256>}, {transform_indices = @transform_2, window_bounds = array<i64: 1000, 128>}, {transform_indices = @transform_3, window_bounds = array<i64: 1000, 128>}, {pipeline_mode = #tpu.pipeline_mode<synchronous>, transform_indices = @transform_4, window_bounds = array<i64: 256, 256>}, {pipeline_mode = #tpu.pipeline_mode<synchronous>, transform_indices = @transform_5, window_bounds = array<i64: 1, 256>}, {pipeline_mode = #tpu.pipeline_mode<synchronous>, transform_indices = @transform_6, window_bounds = array<i64: 256, 256>}, {pipeline_mode = #tpu.pipeline_mode<synchronous>, transform_indices = @transform_7, window_bounds = array<i64: 1, 256>}, {transform_indices = @transform_8, window_bounds = array<i64: 1000, 256>}]} {
    %get3A = arith.constant 0 : index
    %get3A_0 = arith.constant 0 : index
    %get3A_1 = vector.load %arg3[%get3A, %get3A_0] : memref<1000x128xf32, #tpu.memory_space<vmem>>, vector<1000x128xf32>
    %get3A_2 = arith.constant 0 : index
    %get3A_3 = arith.constant 0 : index
    %get3A_4 = vector.load %arg4[%get3A_2, %get3A_3] : memref<1000x128xf32, #tpu.memory_space<vmem>>, vector<1000x128xf32>
    %concatenate3A = tpu.concatenate %get3A_1, %get3A_4 in 1 : vector<1000x128xf32>, vector<1000x128xf32> -> vector<1000x256xf32>
    %get3A_5 = arith.constant 0 : index
    %get3A_6 = arith.constant 0 : index
    %get3A_7 = vector.load %arg2[%get3A_5, %get3A_6] : memref<1000x256xf32, #tpu.memory_space<vmem>>, vector<1000x256xf32>
    %get3A_8 = arith.constant 0 : index
    %get3A_9 = arith.constant 0 : index
    %get3A_10 = memref.load %arg1[%get3A_8, %get3A_9] : memref<1x1xf32, #tpu.memory_space<smem>>
    %add3A = arith.constant 1.000000e+00 : f32
    %add3A_11 = arith.addf %add3A, %get3A_10 : f32
    %mul3A = vector.broadcast %add3A_11 : f32 to vector<1000x256xf32>
    %mul3A_12 = arith.mulf %get3A_7, %mul3A : vector<1000x256xf32>
    %add3A_13 = arith.addf %mul3A_12, %concatenate3A : vector<1000x256xf32>
    %get3A_14 = arith.constant 0 : index
    %get3A_15 = arith.constant 0 : index
    %get3A_16 = vector.load %arg5[%get3A_14, %get3A_15] : memref<256x256xf32, #tpu.memory_space<vmem>>, vector<256x256xf32>
    %dot_general3A = arith.constant dense<0.000000e+00> : vector<1000x256xf32>
    %dot_general3A_17 = tpu.matmul %add3A_13, %get3A_16, %dot_general3A {dimension_numbers = #tpu.dot_dimension_numbers<[1], [0], [0], [1], [0, 0, 1, 1], [], []>, transpose_lhs_hint = false} : vector<1000x256xf32>, vector<256x256xf32>, vector<1000x256xf32> -> vector<1000x256xf32>
    %get3A_18 = arith.constant 0 : index
    %get3A_19 = arith.constant 0 : index
    %get3A_20 = vector.load %arg6[%get3A_18, %get3A_19] : memref<1x256xf32, #tpu.memory_space<vmem>>, vector<1x256xf32>
    %add3A_21 = vector.broadcast %get3A_20 : vector<1x256xf32> to vector<1000x256xf32>
    %add3A_22 = arith.addf %dot_general3A_17, %add3A_21 : vector<1000x256xf32>
    %max3A = arith.constant 0.000000e+00 : f32
    %max3A_23 = vector.broadcast %max3A : f32 to vector<1000x256xf32>
    %max3A_24 = arith.maximumf %add3A_22, %max3A_23 : vector<1000x256xf32>
    %get3A_25 = arith.constant 0 : index
    %get3A_26 = arith.constant 0 : index
    %get3A_27 = vector.load %arg7[%get3A_25, %get3A_26] : memref<256x256xf32, #tpu.memory_space<vmem>>, vector<256x256xf32>
    %dot_general3A_28 = arith.constant dense<0.000000e+00> : vector<1000x256xf32>
    %dot_general3A_29 = tpu.matmul %max3A_24, %get3A_27, %dot_general3A_28 {dimension_numbers = #tpu.dot_dimension_numbers<[1], [0], [0], [1], [0, 0, 1, 1], [], []>, transpose_lhs_hint = false} : vector<1000x256xf32>, vector<256x256xf32>, vector<1000x256xf32> -> vector<1000x256xf32>
    %get3A_30 = arith.constant 0 : index
    %get3A_31 = arith.constant 0 : index
    %get3A_32 = vector.load %arg8[%get3A_30, %get3A_31] : memref<1x256xf32, #tpu.memory_space<vmem>>, vector<1x256xf32>
    %add3A_33 = vector.broadcast %get3A_32 : vector<1x256xf32> to vector<1000x256xf32>
    %add3A_34 = arith.addf %dot_general3A_29, %add3A_33 : vector<1000x256xf32>
    %max3A_35 = arith.constant 0.000000e+00 : f32
    %max3A_36 = vector.broadcast %max3A_35 : f32 to vector<1000x256xf32>
    %max3A_37 = arith.maximumf %add3A_34, %max3A_36 : vector<1000x256xf32>
    %swap3A = arith.constant 0 : index
    %swap3A_38 = arith.constant 0 : index
    %swap3A_39 = vector.load %arg9[%swap3A, %swap3A_38] : memref<1000x256xf32, #tpu.memory_space<vmem>>, vector<1000x256xf32>
    tpu.vector_store %arg9[%swap3A, %swap3A_38], %max3A_37 {strides = array<i32>} : memref<1000x256xf32, #tpu.memory_space<vmem>>, vector<1000x256xf32>,
    return
  }
  func.func @transform_0(%arg0: i32) -> (i32, i32) {
    %c0_i32 = arith.constant 0 : i32
    %c0_i32_0 = arith.constant 0 : i32
    %c0_i32_1 = arith.constant 0 : i32
    return %c0_i32, %c0_i32_0 : i32, i32
  }
  func.func @transform_1(%arg0: i32) -> (i32, i32) {
    %c0_i32 = arith.constant 0 : i32
    %c0_i32_0 = arith.constant 0 : i32
    return %arg0, %c0_i32 : i32, i32
  }
  func.func @transform_2(%arg0: i32) -> (i32, i32) {
    %c0_i32 = arith.constant 0 : i32
    %c0_i32_0 = arith.constant 0 : i32
    return %arg0, %c0_i32 : i32, i32
  }
  func.func @transform_3(%arg0: i32) -> (i32, i32) {
    %add3A = arith.constant 10 : i32
    %add3A_0 = arith.addi %arg0, %add3A : i32
    %c0_i32 = arith.constant 0 : i32
    %c0_i32_1 = arith.constant 0 : i32
    return %add3A_0, %c0_i32 : i32, i32
  }
  func.func @transform_4(%arg0: i32) -> (i32, i32) {
    %c0_i32 = arith.constant 0 : i32
    %c0_i32_0 = arith.constant 0 : i32
    %c0_i32_1 = arith.constant 0 : i32
    return %c0_i32, %c0_i32_0 : i32, i32
  }
  func.func @transform_5(%arg0: i32) -> (i32, i32) {
    %c0_i32 = arith.constant 0 : i32
    %c0_i32_0 = arith.constant 0 : i32
    %c0_i32_1 = arith.constant 0 : i32
    return %c0_i32, %c0_i32_0 : i32, i32
  }
  func.func @transform_6(%arg0: i32) -> (i32, i32) {
    %c0_i32 = arith.constant 0 : i32
    %c0_i32_0 = arith.constant 0 : i32
    %c0_i32_1 = arith.constant 0 : i32
    return %c0_i32, %c0_i32_0 : i32, i32
  }
  func.func @transform_7(%arg0: i32) -> (i32, i32) {
    %c0_i32 = arith.constant 0 : i32
    %c0_i32_0 = arith.constant 0 : i32
    %c0_i32_1 = arith.constant 0 : i32
    return %c0_i32, %c0_i32_0 : i32, i32
  }
  func.func @transform_8(%arg0: i32) -> (i32, i32) {
    %c0_i32 = arith.constant 0 : i32
    %c0_i32_0 = arith.constant 0 : i32
    return %arg0, %c0_i32 : i32, i32
  }
}

</mosaic_0001>

<sc_bundles>
// kernel: kernel.4.cloned.1.call-start
scs
__scs_entry_jumppad:
0x0: {  	(pc) =	sbr.rel $0x88, $3  }
0x1: {  	(tag) =	ssettag $0x0;
	lr =	simm.s32 $0x1  }
0x2: {  	[smem:$0x3F99] =	sst lr;
	_ =	strace $0xD0000000  }
0x3: {  	_ = 	snop  }
0x4: {  	_ = 	snop  }
0x5: {  	_ = 	snop  }
0x6: {  	_ = 	snop  }
0x7: {  	_ = 	snop  }
__scs_overlays_trampoline_lowered:
0x8: {  	[smem:$0x3FA8] =	sst s0  }
0x9: {  	[smem:$0x3FA9] =	sst s1  }
0xa: {  	[smem:$0x3FAA] =	sst s2  }
0xb: {  	[smem:$0x3FAB] =	sst s3  }
0xc: {  	[smem:$0x3FAC] =	sst s4  }
0xd: {  	[smem:$0x3FAD] =	sst s5  }
0xe: {  	[smem:$0x3FAE] =	sst s6  }
0xf: {  	[smem:$0x3FAF] =	sst s7  }
0x10: {  	[smem:$0x3FB0] =	sst s8  }
0x11: {  	[smem:$0x3FB1] =	sst s9;
	s0 =	simm.s32 @!p0 $0x0  }
0x12: {  	s1 =	sld [smem:$0x3F97];
	s0 =	simm.s32 @p0 $0x1  }
0x13: {  	[smem:$0x3FB2] =	sst s0;
	s0 =	simm.s32 @!p1 $0x0  }
0x14: {  	s2 =	sld [smem:$0x3F96];
	s0 =	simm.s32 @p1 $0x1  }
0x15: {  	[smem:$0x3FB3] =	sst s0;
	s0 =	simm.s32 @!p2 $0x0  }
0x16: {  	s3 =	sld [smem:$0x3FDB];
	s0 =	simm.s32 @p2 $0x1  }
0x17: {  	s4 =	simm.s32 $0x1BF5;
	[smem:$0x3FB5] =	sst s0  }
0x18: {  	s0 =	sld [smem:$0x3F98];
	_ =	swait.ge [sflag:s4], $0x0  }
0x19: {  	s7 =	sld [smem:$0x3F99]  }
0x1a: {  	s8 =	sadd.s32 $0xFFFFE003, lr  }
0x1b: {  	s9 =	sadd.s32 $0xFFFFFEF7, lr;
	s5 =	simm.s32 $0xFFFFFFFF;
	p2 =	slt.u32 s8, $0xFFFFF086  }
0x1c: {  	p1 =	slt.u32 s9, $0xF7A;
	s5 =	simm.s32 @!p2 $0x0  }
0x1d: {  	s5 =	simm.s32 @p1 $0x1;
	p0 =	seq.s32 s7, s2  }
0x1e: {  	s7 =	smul.u32 @!p0 $0xF7A, s2;
	p2 =	seq.s32 @!p0 s5, $0x0  }
0x1f: {  	s9 =	smul.u32 $0xF7A, s1;
	s8 =	simm.s32 @!p0 $0x1BF5;
	p2 =	por !p2, p0  }
0x20: {  	[sflag:s8] =	ssyncset.s32 @!p0 $0xFFFFF086;
	s6 =	sadd.s32 @!p0 s3, s7;
	s7 =	simm.s32 @!p0 $0x108  }
0x21: {  	s3 =	sadd.s32 s3, s9;
	s6 =	sadd.s32 @!p0 $0x88, s6;
	s7 =	simm.s32 @p2 $0x1082  }
0x22: {  	[simem:s7], [sflag:s8] =	dma.local @!p0 [hbm:s6], $0xF7A  }
0x23: {  	s9 =	sor.u32 $0xD0000000, s2;
	s6 =	simm.s32 $0x108;
	_ =	swait.ge @!p0 [sflag:s8], $0x0  }
0x24: {  	s3 =	sadd.s32 $0x88, s3;
	s6 =	simm.s32 @!p1 $0x1082;
	[sflag:s4] =	ssyncset.s32 $0xFFFFF086  }
0x25: {  	[simem:s6], [sflag:s4] =	dma.local [hbm:s3], $0xF7A  }
0x26: {  	[smem:$0x3F99] =	sst s1;
	(tag) =	ssettag s2;
	_ =	strace s9  }
0x27: {  	s1 =	sld [smem:$0x3FA9]  }
0x28: {  	s2 =	sld [smem:$0x3FAA]  }
0x29: {  	s4 =	sld [smem:$0x3FAC]  }
0x2a: {  	p0 =	seq.s32 s5, $0x0;
	s5 =	sld [smem:$0x3FAD]  }
0x2b: {  	s6 =	sld [smem:$0x3FAE]  }
0x2c: {  	s7 =	sld [smem:$0x3FAF]  }
0x2d: {  	s3 =	simm.s32 $0x108;
	s8 =	sld [smem:$0x3FB0]  }
0x2e: {  	s3 =	simm.s32 @!p0 $0x1082;
	s9 =	sld [smem:$0x3FB1]  }
0x2f: {  	lr =	sadd.s32 s0, s3;
	s0 =	sld [smem:$0x3FA8]  }
0x30: {  	s3 =	sld [smem:$0x3FAB]  }
0x31: {  	[smem:$0x3FB4] =	sst s10  }
0x32: {  	s10 =	sld [smem:$0x3FB2];
	_ =	sdelay $0x3  }
0x33: {  	p0 =	seq.s32 s10, $0x1;
	s10 =	sld [smem:$0x3FB4];
	_ =	sdelay $0x3  }
0x34: {  	[smem:$0x3FB4] =	sst s10  }
0x35: {  	s10 =	sld [smem:$0x3FB3];
	_ =	sdelay $0x3  }
0x36: {  	p1 =	seq.s32 s10, $0x1;
	s10 =	sld [smem:$0x3FB4];
	_ =	sdelay $0x3  }
0x37: {  	[smem:$0x3FB4] =	sst s10  }
0x38: {  	s10 =	sld [smem:$0x3FB5]  }
0x39: {  	_ = 	snop;
	(pc) =	sbr.ind lr, $3  }
0x3a: {  	_ = 	snop  }
0x3b: {  	_ = 	snop  }
0x3c: {  	p2 =	seq.s32 s10, $0x1;
	s10 =	sld [smem:$0x3FB4]  }
0x3d: {  	_ =	shalt  }
0x3e: {  	_ =	shalt  }
0x3f: {  	_ =	shalt  }
0x40: {  	_ =	shalt  }
0x41: {  	_ =	shalt  }
0x42: {  	_ =	shalt  }
0x43: {  	_ =	shalt  }
0x44: {  	_ =	shalt  }
0x45: {  	_ =	shalt  }
0x46: {  	_ =	shalt  }
0x47: {  	_ =	shalt  }
0x48: {  	_ =	shalt  }
0x49: {  	_ =	shalt  }
0x4a: {  	_ =	shalt  }
0x4b: {  	_ =	shalt  }
0x4c: {  	_ =	shalt  }
0x4d: {  	_ =	shalt  }
0x4e: {  	_ =	shalt  }
0x4f: {  	_ =	shalt  }
0x50: {  	_ =	shalt  }
0x51: {  	_ =	shalt  }
0x52: {  	_ =	shalt  }
0x53: {  	_ =	shalt  }
0x54: {  	_ =	shalt  }
0x55: {  	_ =	shalt  }
0x56: {  	_ =	shalt  }
0x57: {  	_ =	shalt  }
0x58: {  	_ =	shalt  }
0x59: {  	_ =	shalt  }
0x5a: {  	_ =	shalt  }
0x5b: {  	_ =	shalt  }
0x5c: {  	_ =	shalt  }
0x5d: {  	_ =	shalt  }
0x5e: {  	_ =	shalt  }
0x5f: {  	_ =	shalt  }
0x60: {  	_ =	shalt  }
0x61: {  	_ =	shalt  }
0x62: {  	_ =	shalt  }
0x63: {  	_ =	shalt  }
0x64: {  	_ =	shalt  }
0x65: {  	_ =	shalt  }
0x66: {  	_ =	shalt  }
0x67: {  	_ =	shalt  }
0x68: {  	_ =	shalt  }
0x69: {  	_ =	shalt  }
0x6a: {  	_ =	shalt  }
0x6b: {  	_ =	shalt  }
0x6c: {  	_ =	shalt  }
0x6d: {  	_ =	shalt  }
0x6e: {  	_ =	shalt  }
0x6f: {  	_ =	shalt  }
0x70: {  	_ =	shalt  }
0x71: {  	_ =	shalt  }
0x72: {  	_ =	shalt  }
0x73: {  	_ =	shalt  }
0x74: {  	_ =	shalt  }
0x75: {  	_ =	shalt  }
0x76: {  	_ =	shalt  }
0x77: {  	_ =	shalt  }
0x78: {  	_ =	shalt  }
0x79: {  	_ =	shalt  }
0x7a: {  	_ =	shalt  }
0x7b: {  	_ =	shalt  }
0x7c: {  	_ =	shalt  }
0x7d: {  	_ =	shalt  }
0x7e: {  	_ =	shalt  }
0x7f: {  	_ =	shalt  }
0x80: {  	_ =	shalt  }
0x81: {  	_ =	shalt  }
0x82: {  	_ =	shalt  }
0x83: {  	_ =	shalt  }
0x84: {  	_ =	shalt  }
0x85: {  	_ =	shalt  }
0x86: {  	_ =	shalt  }
0x87: {  	_ =	shalt  }
.Lfunc_end0:
.L_simem_size_0:
called_computation_lowered:
.L_overlay_start_0:
0x88: {  	s2 =	sld [smem:$0x3FD9]  }
0x89: {  	s3 =	sld [smem:$0x3FFE];
	_ =	sdelay $0x1  }
0x8a: {  	s1 =	srdreg.scid  }
0x8b: {  	s0 =	sand.u32 $0x1, s1  }
0x8c: {  	s17 =	sshll.u32 s0, $0xA;
	s2 =	sadd.s32 s3, s2  }
0x8d: {  	s2 =	sadd.s32 s2, s17  }
0x8e: {  	[smem:$0x3FC0] =	sst s2  }
0x8f: {  	_ = 	snop  }
0x90: {  	s2 =	sld [smem:$0x3FC7]  }
0x91: {  	s18 =	sld [smem:$0x3FD0];
	(tm) =	ssettm $0x1  }
0x92: {  	s4 =	sld [smem:$0x3FFB];
	_ =	sdelay $0x3  }
0x93: {  	_ =	strace s4  }
0x94: {  	s4 =	sld [smem:$0x3FFC];
	_ =	sdelay $0x3  }
0x95: {  	_ =	strace s4  }
0x96: {  	s4 =	sld [smem:$0x3FFD];
	_ =	sdelay $0x3  }
0x97: {  	_ =	strace s4  }
0x98: {  	_ =	strace $0x8FFFFFFF  }
0x99: {  	s19 =	sld [smem:$0x3FDB];
	_ =	sdelay $0x1  }
0x9a: {  	s5 =	simm.s32 $_scs_section_size  }
0x9b: {  	s6 =	simm.s32 $_size__tile_overlayer_lowered;
	s7 =	simm.s32 $_tile_overlayer_lowered  }
0x9c: {  	s22 =	simm.s32 $0x1BFF;
	s21 =	sshll.u32 s7, $0x1;
	s4 =	sadd.s32 s5, s19  }
0x9d: {  	s8 =	simm.s32 $0x0;
	s20 =	sshll.u32 s6, $0x1;
	s6 =	sadd.s32 s21, s4  }
0x9e: {  	[timem:s8], [sflag:s22] =	dma.local [hbm:s6], s20  }
0x9f: {  	_ =	swait.ge [sflag:s22], s20  }
0xa0: {  	s5 =	ssub.s32 $0x0, s20;
	[sflag:s22] =	ssyncset.done $0x0  }
0xa1: {  	[sflag:s22] =	ssyncadd.s32 s5;
	_ =	sdelay $0x1  }
0xa2: {  	s23 =	simm.s32 $0x1B8B  }
0xa3: {  	_ =	swait.ge [sflag:s23], $0x1  }
0xa4: {  	[sflag:s23] =	ssyncset.done $0x0  }
0xa5: {  	s25 =	simm.s32 $0x1B8E;
	s24 =	sld [smem:$0x3FFE];
	[sflag:s23] =	ssyncadd.s32 $0xFFFFFFFF  }
0xa6: {  	s26 =	simm.s32 $execute0_lowered;
	[smem:$0x3FD2] =	sst s25  }
0xa7: {  	s6 =	sshll.u32 s26, $0x1;
	_ =	strace $0x80000046;
	[dreg:$0x1] =	wrdreg $0xFFFFFFFF  }
0xa8: {  	s28 =	simm.s32 $_size_execute0_lowered;
	s4 =	sadd.s32 s4, s6;
	[dreg:$0x0] =	wrdreg $0x0  }
0xa9: {  	s6 =	sshll.u32 s28, $0x1;
	[dreg:$0x2] =	wrdreg s4  }
0xaa: {  	[dreg:$0x3] =	wrdreg s6  }
0xab: {  	[dreg:$0x4] =	wrdreg $0xC0  }
0xac: {  	_ =	task [dreg:s8], $0x5FFFF  }
0xad: {  	[dreg:$0x1] =	wrdreg $0xFFFFFFFF  }
0xae: {  	[dreg:$0x0] =	wrdreg $0x60  }
0xaf: {  	[dreg:$0x2] =	wrdreg s18  }
0xb0: {  	[dreg:$0x3] =	wrdreg s24  }
0xb1: {  	[dreg:$0x4] =	wrdreg s2  }
0xb2: {  	[dreg:$0x5] =	wrdreg $0xA4000  }
0xb3: {  	[dreg:$0x6] =	wrdreg $0x9  }
0xb4: {  	_ =	task.clear_ibuf [dreg:s8], $0x7FFFF;
	_ =	strace $0x90000046  }
0xb5: {  	s29 =	simm.s32 $0x9;
	_ =	strace $0x80000048  }
0xb6: {  	_ =	swait.ge [sflag:s29], $0x1  }
0xb7: {  	[sflag:s29] =	ssyncadd.s32 $0xFFFFFFFF  }
0xb8: {  	_ =	strace $0x90000048  }
0xb9: {  	_ =	sfence  }
0xba: {  	s30 =	sld [smem:$0x0];
	_ =	sdelay $0x2  }
0xbb: {  	s31 =	sshll.u32 s1, $0xD;
	s1 =	sshrl.u32 s1, $0x2  }
0xbc: {  	s3 =	sand.u32 $0x4000, s31;
	s1 =	sadd.s32 s1, s30  }
0xbd: {  	s0 =	sor.u32 s3, s0;
	s1 =	sshll.u32 s1, $0x11  }
0xbe: {  	s0 =	sor.u32 s1, s0  }
0xbf: {  	s0 =	sadd.s32 $0x8F2B, s0  }
0xc0: {  	[sflag:s0] =	ssyncadd.remote.s32 $0x1  }
0xc1: {  	_ =	sfence.sel $0xFFFF  }
0xc2: {  	[dreg:$0x0] =	wrdreg $0xFFFFFFFF;
	(pc) =	sbr.abs _section_cstart, $3  }
0xc3: {  	[dreg:$0x1] =	wrdreg $0xFFFFFFFF  }
0xc4: {  	_ =	task.clear_ibuf [dreg:s8], $0x2FFFF;
	_ =	strace $0x9FFFFFFF  }
0xc5: {  	(tm) =	ssettm $0x7FFFFFFF  }
tec
execute0_lowered:
.L_overlay_start_1:
0x0: {  	(tag) =	ssettag $0x1  }
0x1: {  	s1 =	rddreg [dreg:$0x0]  }
0x2: {  	s0 =	rddreg [dreg:$0x1]  }
0x3: {  	s2 =	rddreg [dreg:$0x2]  }
0x4: {  	s3 =	rddreg [dreg:$0x3];
	s4 =	simm.s32 $0x0;
	s16 =	srdreg.scid  }
0x5: {  	s5 =	stileid.u32;
	s29 =	simm.s32 $0x50;
	s30 =	simm.s32 $0x5  }
0x6: {  	[smem:$0x7FF] =	sst s4;
	s15 =	sand.u32 $0x1, s16;
	s17 =	smul.u32 $0x2700, s5  }
0x7: {  	s6 =	sadd.s32 $0x5400, s0;
	s7 =	sadd.s32 $0x400, s0;
	s12 =	smul.u32 $0x4E000, s5  }
0x8: {  	s8 =	sadd.s32 $0xA400, s0;
	s0 =	sadd.s32 $0xCC00, s0;
	s9 =	smul.u32 $0x2710, s5  }
0x9: {  	s14 =	smul.u32 $0x271000, s5;
	p0 =	seq.s32 s5, $0xF;
	_ =	strace $0x80000047  }
0xa: {  	s10 =	smul.u32 $0x27100, s15;
	[dreg:$0x5] =	wrdreg s8;
	s11 =	ssub.s32 $0x2, s15  }
0xb: {  	s13 =	sshrl.u32 s11, $0x1;
	s18 =	sshrl.u32 s12, $0x2;
	s19 =	sshrl.u32 s9, $0x3  }
0xc: {  	s13 =	ssub.s32 s11, s13;
	s4 =	sadd.s32 s17, s10;
	s10 =	sadd.s32 s18, s3  }
0xd: {  	s17 =	sadd.s32 $0x124800, s3;
	s20 =	sadd.s32 s6, s19;
	s11 =	sshll.u32 s15, $0xA  }
0xe: {  	s16 =	sadd.s32 $0xA, s19;
	s18 =	smul.u32 $0x138800, s15;
	s21 =	sadd.s32 s7, s19  }
0xf: {  	v0 =	vmov s15;
	s15 =	simm.s32 $0x280;
	[dreg:$0x6] =	wrdreg s20;
	s14 =	sor.u32 s11, s14  }
0x10: {  	[dreg:$0x7] =	wrdreg s21;
	s22 =	sadd.s32 s6, s16;
	s24 =	sadd.s32 s7, s16  }
0x11: {  	s16 =	sadd.s32 $0x190, s9;
	s31 =	smax.u32 s13, $0x1;
	[dreg:$0x8] =	wrdreg s22  }
0x12: {  	s19 =	sshrl.u32 @p0 s17, $0x3;
	s13 =	simm.s32 $0x7C00;
	[dreg:$0x9] =	wrdreg s24  }
0x13: {  	s23 =	sshrl.u32 s14, $0x3;
	s26 =	sshrl.u32 s18, $0x3;
	[dreg:$0xd] =	wrdreg s31  }
0x14: {  	s24 =	simm.s32 $0xA;
	s14 =	simm.s32 $0x200;
	s18 =	simm.s32 $0x0  }
0x15: {  	s25 =	sadd.s32 s2, s23;
	s12 =	sadd.s32 s0, s26;
	s0 =	sadd.s32 s0, s4  }
.Ltmp0:
0x16: {  	s26 =	sshrl.u32 @!p0 s10, $0x3;
	s23 =	simm.s32 $0x100;
	(pc) =	sbr.rel .LBB2_1-.Ltmp0, $4  }
0x17: {  	s4 =	simm.s32 $0x5400;
	s10 =	simm.s32 $0x6;
	[dreg:$0xa] =	wrdreg s25  }
0x18: {  	[dreg:$0xb] =	wrdreg s0;
	s28 =	sadd.s32 $0x24900, s12;
	s0 =	sshll.u32 @!p0 s5, $0x6  }
0x19: {  	s25 =	simm.s32 $0x180;
	s12 =	simm.s32 $0x8;
	[dreg:$0xe] =	wrdreg s26  }
0x1a: {  	[dreg:$0xc] =	wrdreg s28;
	s20 =	sor.u32 @!p0 $0x1C0B, s0;
	s0 =	simm.s32 $0x7  }
.LBB2_17:
0x1b: {  	s5 =	simm.s32 $0x9  }
0x1c: {  	_ =	swait.ge [sflag:s5], $0x2800  }
0x1d: {  	[sflag:s5] =	ssyncset.done $0x0  }
0x1e: {  	[sflag:s5] =	ssyncadd.s32 $0xFFFFD800  }
0x1f: {  	[bflag:$0x0] =	sbarrier.arrive $0xFFFF  }
0x20: {  	s5 =	simm.s32 @p0 $0x1FCB;
	s8 =	rddreg [dreg:$0xc]  }
0x21: {  	[hbm:s8], [sflag:s5] =	dma.local @p0 [spmem:s21], $0x2800  }
0x22: {  	s5 =	simm.s32 @p0 $0xB  }
0x23: {  	_ =	swait.ge @p0 [sflag:s5], $0x2800  }
0x24: {  	[sflag:s5] =	ssyncset.done @p0 $0x0;
	s26 =	rddreg [dreg:$0xe]  }
0x25: {  	[sflag:s5] =	ssyncadd.s32 @p0 $0xFFFFD800;
	s5 =	rddreg [dreg:$0xb]  }
0x26: {  	[hbm:s5], [sflag:s22] =	dma.local @!p0 [spmem:s26], $0x2700  }
0x27: {  	s5 =	simm.s32 @!p0 $0xB  }
0x28: {  	_ =	swait.ge @!p0 [sflag:s5], $0x2700  }
0x29: {  	s18 =	sadd.s32 $0x1, s18;
	s31 =	rddreg [dreg:$0xd]  }
0x2a: {  	p1 =	sne.s32 s18, s31  }
.Ltmp1:
0x2b: {  	_ = 	snop;
	(pc) =	sbr.rel @!p1 .LBB2_18-.Ltmp1, $3  }
0x2c: {  	_ =	sdelay $0x1  }
0x2d: {  	[sflag:s5] =	ssyncset.done @!p0 $0x0  }
0x2e: {  	s19 =	smov.u32 s21;
	s20 =	smov.u32 s22;
	[sflag:s5] =	ssyncadd.s32 @!p0 $0xFFFFD900  }
.LBB2_1:
0x2f: {  	s17 =	simm.s32 @p0 $0x1FCB;
	s5 =	rddreg [dreg:$0x5]  }
0x30: {  	[spmem:s19], [sflag:s17] =	dma.local @p0 [hbm:s5], $0x2800  }
0x31: {  	s17 =	simm.s32 @p0 $0xB  }
0x32: {  	_ =	swait.ge @p0 [sflag:s17], $0x2800  }
0x33: {  	[sflag:s17] =	ssyncset.done @p0 $0x0  }
0x34: {  	[sflag:s17] =	ssyncadd.s32 @p0 $0xFFFFD800;
	s17 =	simm.s32 @!p0 $0xB  }
0x35: {  	[spmem:s26], [sflag:s20] =	dma.local @!p0 [hbm:s5], $0x2700  }
0x36: {  	_ =	swait.ge @!p0 [sflag:s17], $0x2700  }
0x37: {  	[sflag:s17] =	ssyncset.done @!p0 $0x0  }
0x38: {  	[sflag:s17] =	ssyncadd.s32 @!p0 $0xFFFFD900  }
0x39: {  	[bflag:$0x0] =	sbarrier.arrive $0xFFFF  }
0x3a: {  	s5 =	simm.s32 $0x0;
	s8 =	rddreg [dreg:$0x6]  }
0x3b: {  	[tilespmem:s5], [sflag:$0x1] =	stream.linear.gather [hbm4b:s8+s5], $0x50, $0x38;
	[tilespmem:$0x1DC80] =	vst v63  }
0x3c: {  	s21 =	smov.u32 s19;
	s19 =	rddreg [dreg:$0x7]  }
0x3d: {  	[tilespmem:s23], [sflag:$0x3] =	stream.linear.gather [hbm4b:s19+s5], $0x50, $0x38;
	[tilespmem:$0x1DC80] =	vst v63  }
0x3e: {  	s22 =	smov.u32 s20;
	s26 =	simm.s32 $0x80;
	s20 =	rddreg [dreg:$0x8]  }
0x3f: {  	[tilespmem:s26], [sflag:$0x2] =	stream.linear.gather [hbm4b:s20+s5], $0x50, $0x38;
	[tilespmem:$0x1DC80] =	vst v63  }
0x40: {  	s28 =	rddreg [dreg:$0x9];
	s8 =	simm.s32 $0x1  }
0x41: {  	[tilespmem:s25], [sflag:$0x4] =	stream.linear.gather [hbm4b:s28+s5], $0x50, $0x38;
	[tilespmem:$0x1DC80] =	vst v63  }
0x42: {  	_ =	swait.ge [sflag:s8], $0x50  }
0x43: {  	[sflag:s8] =	ssyncset.done $0x0  }
0x44: {  	s17 =	simm.s32 $0x3;
	[sflag:s8] =	ssyncadd.s32 $0xFFFFFFB0  }
0x45: {  	_ =	swait.ge [sflag:s17], $0x50  }
0x46: {  	[sflag:s17] =	ssyncset.done $0x0  }
0x47: {  	[sflag:s17] =	ssyncadd.s32 $0xFFFFFFB0  }
0x48: {  	v1 =	vld [tilespmem:$0x0]  }
0x49: {  	v2 =	vld [tilespmem:$0x10]  }
0x4a: {  	v3 =	vld [tilespmem:$0x20]  }
0x4b: {  	v4 =	vld [tilespmem:$0x30]  }
0x4c: {  	v5 =	vld [tilespmem:$0x40]  }
0x4d: {  	v1 =	vshll.u32 v1, $0x1  }
0x4e: {  	v2 =	vshll.u32 v2, $0x1;
	v1 =	vor.u32 v0, v1  }
0x4f: {  	[tilespmem:$0x300] =	vst v1;
	v1 =	vor.u32 v0, v2;
	v2 =	vshll.u32 v3, $0x1  }
0x50: {  	[tilespmem:$0x310] =	vst v1;
	v1 =	vor.u32 v0, v2;
	v2 =	vshll.u32 v4, $0x1  }
0x51: {  	[tilespmem:$0x320] =	vst v1;
	v1 =	vor.u32 v0, v2;
	v2 =	vshll.u32 v5, $0x1  }
.Ltmp2:
0x52: {  	[tilespmem:$0x330] =	vst v1;
	v1 =	vor.u32 v0, v2;
	(pc) =	sbr.rel .LBB2_2-.Ltmp2, $4  }
0x53: {  	s19 =	simm.s32 $0x300;
	s20 =	simm.s32 $0x400;
	[tilespmem:$0x340] =	vst v1  }
0x54: {  	[tilespmem:s20], [sflag:$0x5] =	stream.indirect.gather [hbm4b:s1+s29], $0x80, s19, s29, $0xb8;
	[tilespmem:$0x1DC80] =	vst v63  }
0x55: {  	s31 =	simm.s32 $0x0;
	s28 =	simm.s32 $0x800;
	s26 =	rddreg [dreg:$0xa]  }
0x56: {  	[tilespmem:s4], [sflag:$0x7] =	stream.strided.gather [hbm4b:s26+s20], $0x2800, s28, s20, $0x38;
	[tilespmem:$0x1DC80] =	vst v63  }
.LBB2_16:
0x57: {  	s31 =	sadd.s32 $0x1, s31  }
0x58: {  	p1 =	sne.s32 s31, $0x20  }
.Ltmp3:
0x59: {  	_ = 	snop;
	(pc) =	sbr.rel @!p1 .LBB2_17-.Ltmp3, $1  }
0x5a: {  	_ =	sdelay $0x3  }
.LBB2_2:
0x5b: {  	s19 =	sshll.u32 s31, $0x2  }
0x5c: {  	s17 =	sor.u32 $0x2, s19  }
0x5d: {  	p1 =	sgt.u32 s17, $0x7C  }
0x5e: {  	s17 =	smul.u32 @!p1 $0x50, s17;
	_ =	sdelay $0x1  }
0x5f: {  	s26 =	sadd.s32 @!p1 s9, s17  }
0x60: {  	s17 =	sshrl.u32 @!p1 s26, $0x3  }
0x61: {  	s5 =	simm.s32 @!p1 $0x0;
	s28 =	sadd.s32 @!p1 s6, s17  }
0x62: {  	[tilespmem:s5], [sflag:$0x1] =	stream.linear.gather @!p1 [hbm4b:s28+s5], $0x50, $0x38;
	[tilespmem:$0x1DC80] =	vst v63  }
0x63: {  	s17 =	sadd.s32 @!p1 s7, s17;
	s28 =	simm.s32 @!p1 $0x200  }
0x64: {  	[tilespmem:s28], [sflag:$0x3] =	stream.linear.gather @!p1 [hbm4b:s17+s5], $0x50, $0x38;
	[tilespmem:$0x1DC80] =	vst v63  }
0x65: {  	s5 =	sadd.s32 @!p1 $0xFFFFFFFC, s19  }
0x66: {  	p2 =	sgt.u32 @!p1 s5, $0x7B  }
0x67: {  	p2 =	por p1, !p2  }
0x68: {  	s5 =	sor.u32 $0x1, s19;
	_ =	swait.ge @p2 [sflag:s24], $0x2800  }
0x69: {  	p3 =	sgt.u32 s5, $0x7C;
	[sflag:s24] =	ssyncset.done @p2 $0x0  }
0x6a: {  	s17 =	simm.s32 @!p3 $0x2;
	[sflag:s24] =	ssyncadd.s32 @p2 $0xFFFFD800  }
0x6b: {  	_ =	swait.ge @!p3 [sflag:s17], $0x50  }
0x6c: {  	[sflag:s17] =	ssyncset.done @!p3 $0x0  }
0x6d: {  	[sflag:s17] =	ssyncadd.s32 @!p3 $0xFFFFFFB0;
	s17 =	simm.s32 @!p3 $0x4  }
0x6e: {  	_ =	swait.ge @!p3 [sflag:s17], $0x50  }
0x6f: {  	[sflag:s17] =	ssyncset.done @!p3 $0x0  }
0x70: {  	[sflag:s17] =	ssyncadd.s32 @!p3 $0xFFFFFFB0  }
0x71: {  	v1 =	vld @!p3 [tilespmem:$0x80]  }
0x72: {  	v2 =	vld @!p3 [tilespmem:$0x90]  }
0x73: {  	v3 =	vld @!p3 [tilespmem:$0xA0]  }
0x74: {  	v4 =	vld @!p3 [tilespmem:$0xB0]  }
0x75: {  	v5 =	vld @!p3 [tilespmem:$0xC0]  }
0x76: {  	s5 =	smul.u32 @!p3 $0x50, s5;
	v1 =	vshll.u32 @!p3 v1, $0x1  }
0x77: {  	v2 =	vshll.u32 @!p3 v2, $0x1;
	v1 =	vor.u32 @!p3 v0, v1  }
0x78: {  	s5 =	sadd.s32 @!p3 s9, s5;
	[tilespmem:$0x380] =	vst @!p3 v1;
	v1 =	vor.u32 @!p3 v0, v2;
	v2 =	vshll.u32 @!p3 v3, $0x1  }
0x79: {  	s5 =	sshll.u32 @!p3 s5, $0x8;
	[tilespmem:$0x390] =	vst @!p3 v1;
	v1 =	vor.u32 @!p3 v0, v2;
	v2 =	vshll.u32 @!p3 v4, $0x1  }
0x7a: {  	s5 =	sor.u32 @!p3 s11, s5;
	[tilespmem:$0x3A0] =	vst @!p3 v1;
	v1 =	vor.u32 @!p3 v0, v2;
	v2 =	vshll.u32 @!p3 v5, $0x1  }
0x7b: {  	s28 =	simm.s32 @!p3 $0x380;
	s5 =	sshrl.u32 @!p3 s5, $0x3;
	[tilespmem:$0x3B0] =	vst @!p3 v1;
	v1 =	vor.u32 @!p3 v0, v2  }
0x7c: {  	s8 =	simm.s32 @!p3 $0x2C00;
	s5 =	sadd.s32 @!p3 s2, s5;
	s17 =	simm.s32 @!p3 $0x50;
	[tilespmem:$0x3C0] =	vst @!p3 v1  }
0x7d: {  	[tilespmem:s8], [sflag:$0x6] =	stream.indirect.gather @!p3 [hbm4b:s1+s17], $0x80, s28, s17, $0xb8;
	[tilespmem:$0x1DC80] =	vst v63  }
0x7e: {  	s8 =	simm.s32 @!p3 $0x400;
	s17 =	simm.s32 @!p3 $0x800;
	s28 =	simm.s32 @!p3 $0x7C00  }
0x7f: {  	[tilespmem:s28], [sflag:$0x8] =	stream.strided.gather @!p3 [hbm4b:s5+s8], $0x2800, s17, s8, $0x38;
	[tilespmem:$0x1DC80] =	vst v63  }
0x80: {  	_ =	swait.ge [sflag:s30], $0x2800  }
0x81: {  	[sflag:s30] =	ssyncset.done $0x0  }
0x82: {  	[sflag:s30] =	ssyncadd.s32 $0xFFFFD800  }
0x83: {  	_ =	swait.ge [sflag:s0], $0x2800  }
0x84: {  	[sflag:s0] =	ssyncset.done $0x0  }
0x85: {  	s28 =	simm.s32 $0x0;
	[sflag:s0] =	ssyncadd.s32 $0xFFFFD800  }
0x86: {  	v7 =	vld [tilespmem:s28+$0x400]  }
0x87: {  	v12 =	vld [tilespmem:s28+$0x410]  }
0x88: {  	v6 =	vld [tilespmem:s28+$0x420]  }
0x89: {  	v5 =	vld [tilespmem:s28+$0x430]  }
0x8a: {  	v4 =	vld [tilespmem:s28+$0x440]  }
0x8b: {  	v3 =	vld [tilespmem:s28+$0x450]  }
0x8c: {  	v2 =	vld [tilespmem:s28+$0x460]  }
0x8d: {  	v1 =	vld [tilespmem:s28+$0x470]  }
0x8e: {  	v13 =	vld [tilespmem:s28+$0x5400]  }
0x8f: {  	v14 =	vld [tilespmem:s28+$0x5410]  }
0x90: {  	v11 =	vld [tilespmem:s28+$0x5420]  }
0x91: {  	v10 =	vld [tilespmem:s28+$0x5430]  }
0x92: {  	v9 =	vld [tilespmem:s28+$0x5440]  }
0x93: {  	v8 =	vld [tilespmem:s28+$0x5450];
	v13 =	vadd.f32 v13, v7  }
0x94: {  	s17 =	simm.s32 $0x200;
	v12 =	vadd.f32 v14, v12;
	v7 =	vld [tilespmem:s28+$0x5460]  }
.LBB2_3:
0x95: {  	s5 =	sshra.s32 s17, $0x2;
	p2 =	sne.s32 s17, $0x9E00;
	v13 =	vmax.f32 v13, $0.0e+00;
	v6 =	vadd.f32 v11, v6;
	v11 =	vld [tilespmem:s28+$0x5470]  }
0x96: {  	v14 =	vld [tilespmem:s5+$0x400];
	[tilespmem:s28+$0x5400] =	vst v13;
	v12 =	vmax.f32 v12, $0.0e+00;
	v5 =	vadd.f32 v10, v5  }
0x97: {  	v15 =	vld [tilespmem:s5+$0x410];
	[tilespmem:s28+$0x5410] =	vst v12;
	v10 =	vmax.f32 v6, $0.0e+00;
	v4 =	vadd.f32 v9, v4  }
0x98: {  	v6 =	vld [tilespmem:s5+$0x420];
	[tilespmem:s28+$0x5420] =	vst v10;
	v9 =	vmax.f32 v5, $0.0e+00;
	v3 =	vadd.f32 v8, v3  }
0x99: {  	v5 =	vld [tilespmem:s5+$0x430];
	[tilespmem:s28+$0x5430] =	vst v9;
	v8 =	vmax.f32 v4, $0.0e+00;
	v2 =	vadd.f32 v7, v2  }
0x9a: {  	v4 =	vld [tilespmem:s5+$0x440];
	[tilespmem:s28+$0x5440] =	vst v8;
	v7 =	vmax.f32 v3, $0.0e+00;
	v1 =	vadd.f32 v11, v1  }
0x9b: {  	v3 =	vld [tilespmem:s5+$0x450];
	[tilespmem:s28+$0x5450] =	vst v7;
	v7 =	vmax.f32 v2, $0.0e+00  }
0x9c: {  	v2 =	vld [tilespmem:s5+$0x460];
	[tilespmem:s28+$0x5460] =	vst v7;
	v7 =	vmax.f32 v1, $0.0e+00  }
0x9d: {  	v1 =	vld [tilespmem:s5+$0x470];
	[tilespmem:s28+$0x5470] =	vst v7;
	s28 =	smov.u32 s5  }
0x9e: {  	v7 =	vld [tilespmem:s28+$0x5400]  }
0x9f: {  	v12 =	vld [tilespmem:s28+$0x5410]  }
.Ltmp4:
0xa0: {  	v11 =	vld [tilespmem:s28+$0x5420];
	(pc) =	sbr.rel @p2 .LBB2_3-.Ltmp4, $4  }
0xa1: {  	v10 =	vld [tilespmem:s28+$0x5430]  }
0xa2: {  	v9 =	vld [tilespmem:s28+$0x5440]  }
0xa3: {  	v13 =	vadd.f32 v7, v14;
	v8 =	vld [tilespmem:s28+$0x5450]  }
0xa4: {  	s17 =	sadd.s32 $0x200, s17;
	v12 =	vadd.f32 v12, v15;
	v7 =	vld [tilespmem:s28+$0x5460]  }
0xa5: {  	v13 =	vmax.f32 v13, $0.0e+00;
	v6 =	vadd.f32 v11, v6;
	v63 =	vld [tilespmem:s28+$0x5470]  }
0xa6: {  	[tilespmem:s28+$0x5400] =	vst v13;
	v12 =	vmax.f32 v12, $0.0e+00;
	v5 =	vadd.f32 v10, v5  }
0xa7: {  	[tilespmem:s28+$0x5410] =	vst v12;
	v6 =	vmax.f32 v6, $0.0e+00;
	v4 =	vadd.f32 v9, v4  }
0xa8: {  	[tilespmem:s28+$0x5420] =	vst v6;
	v5 =	vmax.f32 v5, $0.0e+00;
	v3 =	vadd.f32 v8, v3  }
0xa9: {  	s5 =	sor.u32 $0x3, s19;
	[tilespmem:s28+$0x5430] =	vst v5;
	v4 =	vmax.f32 v4, $0.0e+00;
	v2 =	vadd.f32 v7, v2  }
0xaa: {  	p2 =	sgt.u32 s5, $0x7C;
	[tilespmem:s28+$0x5440] =	vst v4;
	v3 =	vmax.f32 v3, $0.0e+00;
	v1 =	vadd.f32 v63, v1  }
0xab: {  	s5 =	smul.u32 @!p2 $0x50, s5;
	[tilespmem:s28+$0x5450] =	vst v3;
	v2 =	vmax.f32 v2, $0.0e+00  }
0xac: {  	[tilespmem:s28+$0x5460] =	vst v2;
	v1 =	vmax.f32 v1, $0.0e+00  }
0xad: {  	[tilespmem:s28+$0x5470] =	vst v1;
	s28 =	sadd.s32 @!p2 s9, s5  }
0xae: {  	[spmem:s3] =	stream.indirect.scatter.add.f32 [tilespmem:s4], [sflag:$0x9], $0x80, s23, s29, $0xb8;
	[tilespmem:$0x1DC80] =	vst v63  }
0xaf: {  	s5 =	sshrl.u32 @!p2 s28, $0x3  }
0xb0: {  	s17 =	simm.s32 @!p2 $0x0;
	s20 =	simm.s32 @!p2 $0x80;
	s8 =	sadd.s32 @!p2 s6, s5  }
0xb1: {  	[tilespmem:s20], [sflag:$0x2] =	stream.linear.gather @!p2 [hbm4b:s8+s17], $0x50, $0x38;
	[tilespmem:$0x1DC80] =	vst v63  }
0xb2: {  	s5 =	sadd.s32 @!p2 s7, s5;
	s8 =	simm.s32 @!p2 $0x280  }
0xb3: {  	[tilespmem:s8], [sflag:$0x4] =	stream.linear.gather @!p2 [hbm4b:s5+s17], $0x50, $0x38;
	[tilespmem:$0x1DC80] =	vst v63  }
0xb4: {  	s5 =	simm.s32 @!p3 $0x9  }
0xb5: {  	_ =	swait.ge @!p3 [sflag:s5], $0x2800  }
0xb6: {  	[sflag:s5] =	ssyncset.done @!p3 $0x0  }
0xb7: {  	[sflag:s5] =	ssyncadd.s32 @!p3 $0xFFFFD800;
	s5 =	simm.s32 @!p1 $0x1  }
0xb8: {  	_ =	swait.ge @!p1 [sflag:s5], $0x50  }
0xb9: {  	[sflag:s5] =	ssyncset.done @!p1 $0x0  }
0xba: {  	[sflag:s5] =	ssyncadd.s32 @!p1 $0xFFFFFFB0;
	s5 =	simm.s32 @!p1 $0x3  }
0xbb: {  	_ =	swait.ge @!p1 [sflag:s5], $0x50  }
0xbc: {  	[sflag:s5] =	ssyncset.done @!p1 $0x0  }
0xbd: {  	[sflag:s5] =	ssyncadd.s32 @!p1 $0xFFFFFFB0  }
0xbe: {  	v1 =	vld @!p1 [tilespmem:$0x0]  }
0xbf: {  	v2 =	vld @!p1 [tilespmem:$0x10]  }
0xc0: {  	v3 =	vld @!p1 [tilespmem:$0x20]  }
0xc1: {  	v4 =	vld @!p1 [tilespmem:$0x30]  }
0xc2: {  	v5 =	vld @!p1 [tilespmem:$0x40]  }
0xc3: {  	v1 =	vshll.u32 @!p1 v1, $0x1  }
0xc4: {  	v2 =	vshll.u32 @!p1 v2, $0x1;
	v1 =	vor.u32 @!p1 v0, v1  }
0xc5: {  	[tilespmem:$0x300] =	vst @!p1 v1;
	v1 =	vor.u32 @!p1 v0, v2;
	v2 =	vshll.u32 @!p1 v3, $0x1  }
0xc6: {  	[tilespmem:$0x310] =	vst @!p1 v1;
	v1 =	vor.u32 @!p1 v0, v2;
	v2 =	vshll.u32 @!p1 v4, $0x1  }
0xc7: {  	[tilespmem:$0x320] =	vst @!p1 v1;
	v1 =	vor.u32 @!p1 v0, v2;
	v2 =	vshll.u32 @!p1 v5, $0x1  }
0xc8: {  	[tilespmem:$0x330] =	vst @!p1 v1;
	v1 =	vor.u32 @!p1 v0, v2  }
0xc9: {  	s8 =	simm.s32 @!p1 $0x300;
	s17 =	simm.s32 @!p1 $0x400;
	s5 =	simm.s32 @!p1 $0x50;
	[tilespmem:$0x340] =	vst @!p1 v1  }
0xca: {  	[tilespmem:s17], [sflag:$0x5] =	stream.indirect.gather @!p1 [hbm4b:s1+s5], $0x80, s8, s5, $0xb8;
	[tilespmem:$0x1DC80] =	vst v63  }
.Ltmp5:
0xcb: {  	s5 =	sshll.u32 @!p1 s26, $0x8;
	(pc) =	sbr.rel @p3 .LBB2_8-.Ltmp5, $4  }
0xcc: {  	s5 =	sor.u32 @!p1 s11, s5  }
0xcd: {  	s5 =	sshrl.u32 @!p1 s5, $0x3  }
0xce: {  	s20 =	simm.s32 @!p1 $0x5400;
	s8 =	simm.s32 @!p1 $0x800;
	s5 =	sadd.s32 @!p1 s2, s5  }
0xcf: {  	[tilespmem:s20], [sflag:$0x7] =	stream.strided.gather @!p1 [hbm4b:s5+s17], $0x2800, s8, s17, $0x38;
	[tilespmem:$0x1DC80] =	vst v63  }
0xd0: {  	_ =	swait.ge [sflag:s10], $0x2800  }
0xd1: {  	[sflag:s10] =	ssyncset.done $0x0  }
0xd2: {  	[sflag:s10] =	ssyncadd.s32 $0xFFFFD800  }
0xd3: {  	_ =	swait.ge [sflag:s12], $0x2800  }
0xd4: {  	[sflag:s12] =	ssyncset.done $0x0  }
0xd5: {  	s26 =	simm.s32 $0x0;
	[sflag:s12] =	ssyncadd.s32 $0xFFFFD800  }
0xd6: {  	v7 =	vld [tilespmem:s26+$0x2C00]  }
0xd7: {  	v12 =	vld [tilespmem:s26+$0x2C10]  }
0xd8: {  	v6 =	vld [tilespmem:s26+$0x2C20]  }
0xd9: {  	v5 =	vld [tilespmem:s26+$0x2C30]  }
0xda: {  	v4 =	vld [tilespmem:s26+$0x2C40]  }
0xdb: {  	v3 =	vld [tilespmem:s26+$0x2C50]  }
0xdc: {  	v2 =	vld [tilespmem:s26+$0x2C60]  }
0xdd: {  	v1 =	vld [tilespmem:s26+$0x2C70]  }
0xde: {  	v13 =	vld [tilespmem:s26+$0x7C00]  }
0xdf: {  	v14 =	vld [tilespmem:s26+$0x7C10]  }
0xe0: {  	v11 =	vld [tilespmem:s26+$0x7C20]  }
0xe1: {  	v10 =	vld [tilespmem:s26+$0x7C30]  }
0xe2: {  	v9 =	vld [tilespmem:s26+$0x7C40]  }
0xe3: {  	v8 =	vld [tilespmem:s26+$0x7C50];
	v13 =	vadd.f32 v13, v7  }
0xe4: {  	s17 =	simm.s32 $0x200;
	v12 =	vadd.f32 v14, v12;
	v7 =	vld [tilespmem:s26+$0x7C60]  }
.LBB2_6:
0xe5: {  	s5 =	sshra.s32 s17, $0x2;
	p3 =	sne.s32 s17, $0x9E00;
	v13 =	vmax.f32 v13, $0.0e+00;
	v6 =	vadd.f32 v11, v6;
	v11 =	vld [tilespmem:s26+$0x7C70]  }
0xe6: {  	v14 =	vld [tilespmem:s5+$0x2C00];
	[tilespmem:s26+$0x7C00] =	vst v13;
	v12 =	vmax.f32 v12, $0.0e+00;
	v5 =	vadd.f32 v10, v5  }
0xe7: {  	v15 =	vld [tilespmem:s5+$0x2C10];
	[tilespmem:s26+$0x7C10] =	vst v12;
	v10 =	vmax.f32 v6, $0.0e+00;
	v4 =	vadd.f32 v9, v4  }
0xe8: {  	v6 =	vld [tilespmem:s5+$0x2C20];
	[tilespmem:s26+$0x7C20] =	vst v10;
	v9 =	vmax.f32 v5, $0.0e+00;
	v3 =	vadd.f32 v8, v3  }
0xe9: {  	v5 =	vld [tilespmem:s5+$0x2C30];
	[tilespmem:s26+$0x7C30] =	vst v9;
	v8 =	vmax.f32 v4, $0.0e+00;
	v2 =	vadd.f32 v7, v2  }
0xea: {  	v4 =	vld [tilespmem:s5+$0x2C40];
	[tilespmem:s26+$0x7C40] =	vst v8;
	v7 =	vmax.f32 v3, $0.0e+00;
	v1 =	vadd.f32 v11, v1  }
0xeb: {  	v3 =	vld [tilespmem:s5+$0x2C50];
	[tilespmem:s26+$0x7C50] =	vst v7;
	v7 =	vmax.f32 v2, $0.0e+00  }
0xec: {  	v2 =	vld [tilespmem:s5+$0x2C60];
	[tilespmem:s26+$0x7C60] =	vst v7;
	v7 =	vmax.f32 v1, $0.0e+00  }
0xed: {  	v1 =	vld [tilespmem:s5+$0x2C70];
	[tilespmem:s26+$0x7C70] =	vst v7;
	s26 =	smov.u32 s5  }
0xee: {  	v7 =	vld [tilespmem:s26+$0x7C00]  }
0xef: {  	v12 =	vld [tilespmem:s26+$0x7C10]  }
.Ltmp6:
0xf0: {  	v11 =	vld [tilespmem:s26+$0x7C20];
	(pc) =	sbr.rel @p3 .LBB2_6-.Ltmp6, $4  }
0xf1: {  	v10 =	vld [tilespmem:s26+$0x7C30]  }
0xf2: {  	v9 =	vld [tilespmem:s26+$0x7C40]  }
0xf3: {  	v13 =	vadd.f32 v7, v14;
	v8 =	vld [tilespmem:s26+$0x7C50]  }
0xf4: {  	s17 =	sadd.s32 $0x200, s17;
	v12 =	vadd.f32 v12, v15;
	v7 =	vld [tilespmem:s26+$0x7C60]  }
0xf5: {  	v13 =	vmax.f32 v13, $0.0e+00;
	v6 =	vadd.f32 v11, v6;
	v63 =	vld [tilespmem:s26+$0x7C70]  }
0xf6: {  	[tilespmem:s26+$0x7C00] =	vst v13;
	v12 =	vmax.f32 v12, $0.0e+00;
	v5 =	vadd.f32 v10, v5  }
0xf7: {  	[tilespmem:s26+$0x7C10] =	vst v12;
	v6 =	vmax.f32 v6, $0.0e+00;
	v4 =	vadd.f32 v9, v4  }
0xf8: {  	[tilespmem:s26+$0x7C20] =	vst v6;
	v5 =	vmax.f32 v5, $0.0e+00;
	v3 =	vadd.f32 v8, v3  }
0xf9: {  	[tilespmem:s26+$0x7C30] =	vst v5;
	v4 =	vmax.f32 v4, $0.0e+00;
	v2 =	vadd.f32 v7, v2  }
0xfa: {  	[tilespmem:s26+$0x7C40] =	vst v4;
	v3 =	vmax.f32 v3, $0.0e+00;
	v1 =	vadd.f32 v63, v1  }
0xfb: {  	[tilespmem:s26+$0x7C50] =	vst v3;
	v2 =	vmax.f32 v2, $0.0e+00  }
0xfc: {  	[tilespmem:s26+$0x7C60] =	vst v2;
	v1 =	vmax.f32 v1, $0.0e+00  }
0xfd: {  	[tilespmem:s26+$0x7C70] =	vst v1  }
0xfe: {  	[spmem:s3] =	stream.indirect.scatter.add.f32 [tilespmem:s13], [sflag:$0xA], $0x80, s25, s29, $0xb8;
	[tilespmem:$0x1DC80] =	vst v63  }
.LBB2_8:
0xff: {  	s5 =	sadd.s32 $0x4, s19;
	p3 =	seq.s32 s31, $0x1F  }
0x100: {  	s5 =	smul.u32 @!p3 $0x50, s5;
	_ =	sdelay $0x1  }
0x101: {  	s19 =	sadd.s32 @!p3 s9, s5  }
0x102: {  	s5 =	sshrl.u32 @!p3 s19, $0x3  }
0x103: {  	s17 =	simm.s32 @!p3 $0x0;
	s8 =	sadd.s32 @!p3 s6, s5  }
0x104: {  	[tilespmem:s17], [sflag:$0x1] =	stream.linear.gather @!p3 [hbm4b:s8+s17], $0x50, $0x38;
	[tilespmem:$0x1DC80] =	vst v63  }
0x105: {  	s5 =	sadd.s32 @!p3 s7, s5;
	s8 =	simm.s32 @!p3 $0x100  }
0x106: {  	[tilespmem:s8], [sflag:$0x3] =	stream.linear.gather @!p3 [hbm4b:s5+s17], $0x50, $0x38;
	[tilespmem:$0x1DC80] =	vst v63  }
0x107: {  	s5 =	simm.s32 @!p1 $0xA  }
0x108: {  	_ =	swait.ge @!p1 [sflag:s5], $0x2800  }
0x109: {  	[sflag:s5] =	ssyncset.done @!p1 $0x0  }
0x10a: {  	[sflag:s5] =	ssyncadd.s32 @!p1 $0xFFFFD800;
	s5 =	simm.s32 @!p2 $0x2  }
0x10b: {  	_ =	swait.ge @!p2 [sflag:s5], $0x50  }
0x10c: {  	[sflag:s5] =	ssyncset.done @!p2 $0x0  }
0x10d: {  	[sflag:s5] =	ssyncadd.s32 @!p2 $0xFFFFFFB0;
	s5 =	simm.s32 @!p2 $0x4  }
0x10e: {  	_ =	swait.ge @!p2 [sflag:s5], $0x50  }
0x10f: {  	[sflag:s5] =	ssyncset.done @!p2 $0x0  }
0x110: {  	[sflag:s5] =	ssyncadd.s32 @!p2 $0xFFFFFFB0  }
0x111: {  	v1 =	vld @!p2 [tilespmem:$0x80]  }
0x112: {  	v2 =	vld @!p2 [tilespmem:$0x90]  }
0x113: {  	v3 =	vld @!p2 [tilespmem:$0xA0]  }
0x114: {  	v4 =	vld @!p2 [tilespmem:$0xB0]  }
0x115: {  	v5 =	vld @!p2 [tilespmem:$0xC0]  }
0x116: {  	v1 =	vshll.u32 @!p2 v1, $0x1  }
0x117: {  	v2 =	vshll.u32 @!p2 v2, $0x1;
	v1 =	vor.u32 @!p2 v0, v1  }
0x118: {  	[tilespmem:$0x380] =	vst @!p2 v1;
	v1 =	vor.u32 @!p2 v0, v2;
	v2 =	vshll.u32 @!p2 v3, $0x1  }
0x119: {  	[tilespmem:$0x390] =	vst @!p2 v1;
	v1 =	vor.u32 @!p2 v0, v2;
	v2 =	vshll.u32 @!p2 v4, $0x1  }
0x11a: {  	[tilespmem:$0x3A0] =	vst @!p2 v1;
	v1 =	vor.u32 @!p2 v0, v2;
	v2 =	vshll.u32 @!p2 v5, $0x1  }
0x11b: {  	[tilespmem:$0x3B0] =	vst @!p2 v1;
	v1 =	vor.u32 @!p2 v0, v2  }
0x11c: {  	s8 =	simm.s32 @!p2 $0x380;
	s17 =	simm.s32 @!p2 $0x2C00;
	s5 =	simm.s32 @!p2 $0x50;
	[tilespmem:$0x3C0] =	vst @!p2 v1  }
0x11d: {  	[tilespmem:s17], [sflag:$0x6] =	stream.indirect.gather @!p2 [hbm4b:s1+s5], $0x80, s8, s5, $0xb8;
	[tilespmem:$0x1DC80] =	vst v63  }
.Ltmp7:
0x11e: {  	s5 =	sshll.u32 @!p2 s28, $0x8;
	(pc) =	sbr.rel @p1 .LBB2_12-.Ltmp7, $4  }
0x11f: {  	s5 =	sor.u32 @!p2 s11, s5  }
0x120: {  	s20 =	simm.s32 @!p2 $0x7C00;
	s5 =	sshrl.u32 @!p2 s5, $0x3  }
0x121: {  	s8 =	simm.s32 @!p2 $0x400;
	s17 =	simm.s32 @!p2 $0x800;
	s5 =	sadd.s32 @!p2 s2, s5  }
0x122: {  	[tilespmem:s20], [sflag:$0x8] =	stream.strided.gather @!p2 [hbm4b:s5+s8], $0x2800, s17, s8, $0x38;
	[tilespmem:$0x1DC80] =	vst v63  }
0x123: {  	_ =	swait.ge [sflag:s30], $0x2800  }
0x124: {  	[sflag:s30] =	ssyncset.done $0x0  }
0x125: {  	[sflag:s30] =	ssyncadd.s32 $0xFFFFD800  }
0x126: {  	_ =	swait.ge [sflag:s0], $0x2800  }
0x127: {  	[sflag:s0] =	ssyncset.done $0x0  }
0x128: {  	s26 =	simm.s32 $0x0;
	[sflag:s0] =	ssyncadd.s32 $0xFFFFD800  }
0x129: {  	v7 =	vld [tilespmem:s26+$0x400]  }
0x12a: {  	v12 =	vld [tilespmem:s26+$0x410]  }
0x12b: {  	v6 =	vld [tilespmem:s26+$0x420]  }
0x12c: {  	v5 =	vld [tilespmem:s26+$0x430]  }
0x12d: {  	v4 =	vld [tilespmem:s26+$0x440]  }
0x12e: {  	v3 =	vld [tilespmem:s26+$0x450]  }
0x12f: {  	v2 =	vld [tilespmem:s26+$0x460]  }
0x130: {  	v1 =	vld [tilespmem:s26+$0x470]  }
0x131: {  	v13 =	vld [tilespmem:s26+$0x5400]  }
0x132: {  	v14 =	vld [tilespmem:s26+$0x5410]  }
0x133: {  	v11 =	vld [tilespmem:s26+$0x5420]  }
0x134: {  	v10 =	vld [tilespmem:s26+$0x5430]  }
0x135: {  	v9 =	vld [tilespmem:s26+$0x5440]  }
0x136: {  	v8 =	vld [tilespmem:s26+$0x5450];
	v13 =	vadd.f32 v13, v7  }
0x137: {  	s17 =	simm.s32 $0x200;
	v12 =	vadd.f32 v14, v12;
	v7 =	vld [tilespmem:s26+$0x5460]  }
.LBB2_10:
0x138: {  	s5 =	sshra.s32 s17, $0x2;
	p1 =	sne.s32 s17, $0x9E00;
	v13 =	vmax.f32 v13, $0.0e+00;
	v6 =	vadd.f32 v11, v6;
	v11 =	vld [tilespmem:s26+$0x5470]  }
0x139: {  	v14 =	vld [tilespmem:s5+$0x400];
	[tilespmem:s26+$0x5400] =	vst v13;
	v12 =	vmax.f32 v12, $0.0e+00;
	v5 =	vadd.f32 v10, v5  }
0x13a: {  	v15 =	vld [tilespmem:s5+$0x410];
	[tilespmem:s26+$0x5410] =	vst v12;
	v10 =	vmax.f32 v6, $0.0e+00;
	v4 =	vadd.f32 v9, v4  }
0x13b: {  	v6 =	vld [tilespmem:s5+$0x420];
	[tilespmem:s26+$0x5420] =	vst v10;
	v9 =	vmax.f32 v5, $0.0e+00;
	v3 =	vadd.f32 v8, v3  }
0x13c: {  	v5 =	vld [tilespmem:s5+$0x430];
	[tilespmem:s26+$0x5430] =	vst v9;
	v8 =	vmax.f32 v4, $0.0e+00;
	v2 =	vadd.f32 v7, v2  }
0x13d: {  	v4 =	vld [tilespmem:s5+$0x440];
	[tilespmem:s26+$0x5440] =	vst v8;
	v7 =	vmax.f32 v3, $0.0e+00;
	v1 =	vadd.f32 v11, v1  }
0x13e: {  	v3 =	vld [tilespmem:s5+$0x450];
	[tilespmem:s26+$0x5450] =	vst v7;
	v7 =	vmax.f32 v2, $0.0e+00  }
0x13f: {  	v2 =	vld [tilespmem:s5+$0x460];
	[tilespmem:s26+$0x5460] =	vst v7;
	v7 =	vmax.f32 v1, $0.0e+00  }
0x140: {  	v1 =	vld [tilespmem:s5+$0x470];
	[tilespmem:s26+$0x5470] =	vst v7;
	s26 =	smov.u32 s5  }
0x141: {  	v7 =	vld [tilespmem:s26+$0x5400]  }
0x142: {  	v12 =	vld [tilespmem:s26+$0x5410]  }
.Ltmp8:
0x143: {  	v11 =	vld [tilespmem:s26+$0x5420];
	(pc) =	sbr.rel @p1 .LBB2_10-.Ltmp8, $4  }
0x144: {  	v10 =	vld [tilespmem:s26+$0x5430]  }
0x145: {  	v9 =	vld [tilespmem:s26+$0x5440]  }
0x146: {  	v13 =	vadd.f32 v7, v14;
	v8 =	vld [tilespmem:s26+$0x5450]  }
0x147: {  	s17 =	sadd.s32 $0x200, s17;
	v12 =	vadd.f32 v12, v15;
	v7 =	vld [tilespmem:s26+$0x5460]  }
0x148: {  	v13 =	vmax.f32 v13, $0.0e+00;
	v6 =	vadd.f32 v11, v6;
	v63 =	vld [tilespmem:s26+$0x5470]  }
0x149: {  	[tilespmem:s26+$0x5400] =	vst v13;
	v12 =	vmax.f32 v12, $0.0e+00;
	v5 =	vadd.f32 v10, v5  }
0x14a: {  	[tilespmem:s26+$0x5410] =	vst v12;
	v6 =	vmax.f32 v6, $0.0e+00;
	v4 =	vadd.f32 v9, v4  }
0x14b: {  	[tilespmem:s26+$0x5420] =	vst v6;
	v5 =	vmax.f32 v5, $0.0e+00;
	v3 =	vadd.f32 v8, v3  }
0x14c: {  	[tilespmem:s26+$0x5430] =	vst v5;
	v4 =	vmax.f32 v4, $0.0e+00;
	v2 =	vadd.f32 v7, v2  }
0x14d: {  	[tilespmem:s26+$0x5440] =	vst v4;
	v3 =	vmax.f32 v3, $0.0e+00;
	v1 =	vadd.f32 v63, v1  }
0x14e: {  	[tilespmem:s26+$0x5450] =	vst v3;
	v2 =	vmax.f32 v2, $0.0e+00  }
0x14f: {  	[tilespmem:s26+$0x5460] =	vst v2;
	v1 =	vmax.f32 v1, $0.0e+00  }
0x150: {  	[tilespmem:s26+$0x5470] =	vst v1  }
0x151: {  	[spmem:s3] =	stream.indirect.scatter.add.f32 [tilespmem:s4], [sflag:$0x9], $0x80, s14, s29, $0xb8;
	[tilespmem:$0x1DC80] =	vst v63  }
.LBB2_12:
0x152: {  	p1 =	sgt.u32 s31, $0x1D  }
0x153: {  	s5 =	smul.u32 @!p1 $0x140, s31;
	_ =	sdelay $0x1  }
0x154: {  	s5 =	sadd.s32 @!p1 s5, s16  }
0x155: {  	s5 =	sshrl.u32 @!p1 s5, $0x3  }
0x156: {  	s17 =	simm.s32 @!p1 $0x0;
	s20 =	simm.s32 @!p1 $0x80;
	s8 =	sadd.s32 @!p1 s6, s5  }
0x157: {  	[tilespmem:s20], [sflag:$0x2] =	stream.linear.gather @!p1 [hbm4b:s8+s17], $0x50, $0x38;
	[tilespmem:$0x1DC80] =	vst v63  }
0x158: {  	s5 =	sadd.s32 @!p1 s7, s5;
	s8 =	simm.s32 @!p1 $0x180  }
0x159: {  	[tilespmem:s8], [sflag:$0x4] =	stream.linear.gather @!p1 [hbm4b:s5+s17], $0x50, $0x38;
	[tilespmem:$0x1DC80] =	vst v63  }
0x15a: {  	s5 =	simm.s32 @!p2 $0x9  }
0x15b: {  	_ =	swait.ge @!p2 [sflag:s5], $0x2800  }
0x15c: {  	[sflag:s5] =	ssyncset.done @!p2 $0x0  }
0x15d: {  	[sflag:s5] =	ssyncadd.s32 @!p2 $0xFFFFD800;
	s5 =	simm.s32 @!p3 $0x1  }
0x15e: {  	_ =	swait.ge @!p3 [sflag:s5], $0x50  }
0x15f: {  	[sflag:s5] =	ssyncset.done @!p3 $0x0  }
0x160: {  	[sflag:s5] =	ssyncadd.s32 @!p3 $0xFFFFFFB0;
	s5 =	simm.s32 @!p3 $0x3  }
0x161: {  	_ =	swait.ge @!p3 [sflag:s5], $0x50  }
0x162: {  	[sflag:s5] =	ssyncset.done @!p3 $0x0  }
0x163: {  	[sflag:s5] =	ssyncadd.s32 @!p3 $0xFFFFFFB0  }
0x164: {  	v1 =	vld @!p3 [tilespmem:$0x0]  }
0x165: {  	v2 =	vld @!p3 [tilespmem:$0x10]  }
0x166: {  	v3 =	vld @!p3 [tilespmem:$0x20]  }
0x167: {  	v4 =	vld @!p3 [tilespmem:$0x30]  }
0x168: {  	v5 =	vld @!p3 [tilespmem:$0x40]  }
0x169: {  	v1 =	vshll.u32 @!p3 v1, $0x1  }
0x16a: {  	v2 =	vshll.u32 @!p3 v2, $0x1;
	v1 =	vor.u32 @!p3 v0, v1  }
0x16b: {  	[tilespmem:$0x300] =	vst @!p3 v1;
	v1 =	vor.u32 @!p3 v0, v2;
	v2 =	vshll.u32 @!p3 v3, $0x1  }
0x16c: {  	[tilespmem:$0x310] =	vst @!p3 v1;
	v1 =	vor.u32 @!p3 v0, v2;
	v2 =	vshll.u32 @!p3 v4, $0x1  }
0x16d: {  	[tilespmem:$0x320] =	vst @!p3 v1;
	v1 =	vor.u32 @!p3 v0, v2;
	v2 =	vshll.u32 @!p3 v5, $0x1  }
0x16e: {  	[tilespmem:$0x330] =	vst @!p3 v1;
	v1 =	vor.u32 @!p3 v0, v2  }
0x16f: {  	s8 =	simm.s32 @!p3 $0x300;
	s17 =	simm.s32 @!p3 $0x400;
	s5 =	simm.s32 @!p3 $0x50;
	[tilespmem:$0x340] =	vst @!p3 v1  }
0x170: {  	[tilespmem:s17], [sflag:$0x5] =	stream.indirect.gather @!p3 [hbm4b:s1+s5], $0x80, s8, s5, $0xb8;
	[tilespmem:$0x1DC80] =	vst v63  }
.Ltmp9:
0x171: {  	s5 =	sshll.u32 @!p3 s19, $0x8;
	(pc) =	sbr.rel @p2 .LBB2_16-.Ltmp9, $4  }
0x172: {  	s5 =	sor.u32 @!p3 s11, s5  }
0x173: {  	s5 =	sshrl.u32 @!p3 s5, $0x3  }
0x174: {  	s8 =	simm.s32 @!p3 $0x800;
	s19 =	simm.s32 @!p3 $0x5400;
	s5 =	sadd.s32 @!p3 s2, s5  }
0x175: {  	[tilespmem:s19], [sflag:$0x7] =	stream.strided.gather @!p3 [hbm4b:s5+s17], $0x2800, s8, s17, $0x38;
	[tilespmem:$0x1DC80] =	vst v63  }
0x176: {  	_ =	swait.ge [sflag:s10], $0x2800  }
0x177: {  	[sflag:s10] =	ssyncset.done $0x0  }
0x178: {  	[sflag:s10] =	ssyncadd.s32 $0xFFFFD800  }
0x179: {  	_ =	swait.ge [sflag:s12], $0x2800  }
0x17a: {  	[sflag:s12] =	ssyncset.done $0x0  }
0x17b: {  	s19 =	simm.s32 $0x0;
	[sflag:s12] =	ssyncadd.s32 $0xFFFFD800  }
0x17c: {  	v7 =	vld [tilespmem:s19+$0x2C00]  }
0x17d: {  	v12 =	vld [tilespmem:s19+$0x2C10]  }
0x17e: {  	v6 =	vld [tilespmem:s19+$0x2C20]  }
0x17f: {  	v5 =	vld [tilespmem:s19+$0x2C30]  }
0x180: {  	v4 =	vld [tilespmem:s19+$0x2C40]  }
0x181: {  	v3 =	vld [tilespmem:s19+$0x2C50]  }
0x182: {  	v2 =	vld [tilespmem:s19+$0x2C60]  }
0x183: {  	v1 =	vld [tilespmem:s19+$0x2C70]  }
0x184: {  	v13 =	vld [tilespmem:s19+$0x7C00]  }
0x185: {  	v14 =	vld [tilespmem:s19+$0x7C10]  }
0x186: {  	v11 =	vld [tilespmem:s19+$0x7C20]  }
0x187: {  	v10 =	vld [tilespmem:s19+$0x7C30]  }
0x188: {  	v9 =	vld [tilespmem:s19+$0x7C40]  }
0x189: {  	v8 =	vld [tilespmem:s19+$0x7C50];
	v13 =	vadd.f32 v13, v7  }
0x18a: {  	s17 =	simm.s32 $0x200;
	v12 =	vadd.f32 v14, v12;
	v7 =	vld [tilespmem:s19+$0x7C60]  }
.LBB2_14:
0x18b: {  	s5 =	sshra.s32 s17, $0x2;
	p1 =	sne.s32 s17, $0x9E00;
	v13 =	vmax.f32 v13, $0.0e+00;
	v6 =	vadd.f32 v11, v6;
	v11 =	vld [tilespmem:s19+$0x7C70]  }
0x18c: {  	v14 =	vld [tilespmem:s5+$0x2C00];
	[tilespmem:s19+$0x7C00] =	vst v13;
	v12 =	vmax.f32 v12, $0.0e+00;
	v5 =	vadd.f32 v10, v5  }
0x18d: {  	v15 =	vld [tilespmem:s5+$0x2C10];
	[tilespmem:s19+$0x7C10] =	vst v12;
	v10 =	vmax.f32 v6, $0.0e+00;
	v4 =	vadd.f32 v9, v4  }
0x18e: {  	v6 =	vld [tilespmem:s5+$0x2C20];
	[tilespmem:s19+$0x7C20] =	vst v10;
	v9 =	vmax.f32 v5, $0.0e+00;
	v3 =	vadd.f32 v8, v3  }
0x18f: {  	v5 =	vld [tilespmem:s5+$0x2C30];
	[tilespmem:s19+$0x7C30] =	vst v9;
	v8 =	vmax.f32 v4, $0.0e+00;
	v2 =	vadd.f32 v7, v2  }
0x190: {  	v4 =	vld [tilespmem:s5+$0x2C40];
	[tilespmem:s19+$0x7C40] =	vst v8;
	v7 =	vmax.f32 v3, $0.0e+00;
	v1 =	vadd.f32 v11, v1  }
0x191: {  	v3 =	vld [tilespmem:s5+$0x2C50];
	[tilespmem:s19+$0x7C50] =	vst v7;
	v7 =	vmax.f32 v2, $0.0e+00  }
0x192: {  	v2 =	vld [tilespmem:s5+$0x2C60];
	[tilespmem:s19+$0x7C60] =	vst v7;
	v7 =	vmax.f32 v1, $0.0e+00  }
0x193: {  	v1 =	vld [tilespmem:s5+$0x2C70];
	[tilespmem:s19+$0x7C70] =	vst v7;
	s19 =	smov.u32 s5  }
0x194: {  	v7 =	vld [tilespmem:s19+$0x7C00]  }
0x195: {  	v12 =	vld [tilespmem:s19+$0x7C10]  }
.Ltmp10:
0x196: {  	v11 =	vld [tilespmem:s19+$0x7C20];
	(pc) =	sbr.rel @p1 .LBB2_14-.Ltmp10, $4  }
0x197: {  	v10 =	vld [tilespmem:s19+$0x7C30]  }
0x198: {  	v9 =	vld [tilespmem:s19+$0x7C40]  }
0x199: {  	v13 =	vadd.f32 v7, v14;
	v8 =	vld [tilespmem:s19+$0x7C50]  }
0x19a: {  	s17 =	sadd.s32 $0x200, s17;
	v12 =	vadd.f32 v12, v15;
	v7 =	vld [tilespmem:s19+$0x7C60]  }
0x19b: {  	v13 =	vmax.f32 v13, $0.0e+00;
	v6 =	vadd.f32 v11, v6;
	v63 =	vld [tilespmem:s19+$0x7C70]  }
0x19c: {  	[tilespmem:s19+$0x7C00] =	vst v13;
	v12 =	vmax.f32 v12, $0.0e+00;
	v5 =	vadd.f32 v10, v5  }
0x19d: {  	[tilespmem:s19+$0x7C10] =	vst v12;
	v6 =	vmax.f32 v6, $0.0e+00;
	v4 =	vadd.f32 v9, v4  }
0x19e: {  	[tilespmem:s19+$0x7C20] =	vst v6;
	v5 =	vmax.f32 v5, $0.0e+00;
	v3 =	vadd.f32 v8, v3  }
0x19f: {  	[tilespmem:s19+$0x7C30] =	vst v5;
	v4 =	vmax.f32 v4, $0.0e+00;
	v2 =	vadd.f32 v7, v2  }
.Ltmp11:
0x1a0: {  	[tilespmem:s19+$0x7C40] =	vst v4;
	v3 =	vmax.f32 v3, $0.0e+00;
	v1 =	vadd.f32 v63, v1;
	(pc) =	sbr.rel .LBB2_16-.Ltmp11, $4  }
0x1a1: {  	[tilespmem:s19+$0x7C50] =	vst v3;
	v2 =	vmax.f32 v2, $0.0e+00  }
0x1a2: {  	[tilespmem:s19+$0x7C60] =	vst v2;
	v1 =	vmax.f32 v1, $0.0e+00  }
0x1a3: {  	[tilespmem:s19+$0x7C70] =	vst v1  }
0x1a4: {  	[spmem:s3] =	stream.indirect.scatter.add.f32 [tilespmem:s13], [sflag:$0xA], $0x80, s15, s29, $0xb8;
	[tilespmem:$0x1DC80] =	vst v63  }
.LBB2_18:
0x1a5: {  	_ =	sfence.sel $0x180000  }
0x1a6: {  	[bflag:$0x0] =	sbarrier.arrive $0xFFFF  }
0x1a7: {  	_ =	strace $0x90000047  }
0x1a8: {  	s0 =	stileid.u32;
	[bflag:$0x2] =	sbarrier.arrive $0xFFFF  }
0x1a9: {  	p0 =	sne.s32 s0, $0x0;
	s0 =	rddreg [dreg:$0x4]  }
0x1aa: {  	s0 =	sadd.s32 @!p0 $0x100000, s0  }
0x1ab: {  	[sflag:s0] =	ssyncadd.tile.s32 @!p0 $0x1;
	_ =	shalt  }
.Lfunc_end2:
_tile_overlayer_lowered:
.L_overlay_start_2:
0x1ac: {  	(tag) =	ssettag $0x2  }
0x1ad: {  	s0 =	rddreg [dreg:$0x0];
	s2 =	stileid.u32  }
0x1ae: {  	s1 =	rddreg [dreg:$0x1];
	p0 =	sne.s32 s2, $0x0  }
0x1af: {  	s3 =	rddreg [dreg:$0x2];
	[bflag:$0x3] =	sbarrier.arrive $0xFFFF;
	s2 =	simm.s32 @!p0 $0x1C0B  }
0x1b0: {  	[timem:s3], [sflag:s2] =	dma.local @!p0 [hbm:s0], s1  }
0x1b1: {  	s0 =	simm.s32 @!p0 $0xB  }
0x1b2: {  	_ =	swait.ge @!p0 [sflag:s0], s1  }
0x1b3: {  	s1 =	ssub.s32 @!p0 $0x0, s1;
	[sflag:s0] =	ssyncset.done @!p0 $0x0  }
0x1b4: {  	[sflag:s0] =	ssyncadd.s32 @!p0 s1  }
0x1b5: {  	[bflag:$0x3] =	sbarrier.arrive $0xFFFF  }
0x1b6: {  	_ =	shalt  }

</sc_bundles>
